<compile_context>
chip_gen: v7x
topology: tpu7x:2x2x1
jax: 0.10.2.dev20260603
libtpu: 0.0.44.dev20260713+nightly
codegen_flags: <defaults>
</compile_context>

<pallas_src>
import functools

import jax
import jax.numpy as jnp
from jax import lax
from jax.experimental import pallas as pl
from jax.experimental.pallas import tpu as pltpu
from jax.experimental.pallas import tpu_sc as plsc

_TABLE = 256
_M = 9
_R = 4.0
_U = 0.83

_B = 32
_C = 256
_HW = 4096
_OUT = 62
_NPIX = 3966
_NT = 32
_PER_TILE = 4096
_HB = 272
_K = 512
_RW = 2304


def _stage1_body(x_ref, w_ref, bb_ref, out_ref):
    P = lax.dot_general(
        w_ref[...], x_ref[0], (((1,), (0,)), ((), ())),
        preferred_element_type=jnp.float32,
    )
    acc = jnp.zeros((1, _NPIX), jnp.float32)
    for dy in range(3):
        for dx in range(3):
            t = dy * 3 + dx
            off = dy * 64 + dx
            acc = acc + lax.slice(P, (t, off), (t + 1, off + _NPIX))
    accp = jnp.concatenate(
        [acc, jnp.zeros((1, _HW - _NPIX), jnp.float32)], axis=1)
    h = jnp.floor((accp + bb_ref[0, 0]) / _R)
    vb = jnp.abs(jnp.fmod(h, float(_TABLE))).astype(jnp.int32)
    pos = lax.broadcasted_iota(jnp.int32, (1, _HW), 1)
    valid = ((pos % 64) < _OUT) & (pos < _OUT * 64)
    out_ref[0] = jnp.where(valid, vb, _TABLE)


_stage1 = pl.pallas_call(
    _stage1_body,
    grid=(_B,),
    in_specs=[
        pl.BlockSpec((1, _C, _HW), lambda n: (n, 0, 0)),
        pl.BlockSpec((16, _C), lambda n: (0, 0)),
        pl.BlockSpec(memory_space=pltpu.SMEM),
    ],
    out_specs=pl.BlockSpec((1, 1, _HW), lambda n: (n, 0, 0)),
    out_shape=jax.ShapeDtypeStruct((_B, 1, _HW), jnp.int32),
)


def _sc_hist_body(vb_hbm, out_hbm, idx_v, hist_v, red_v):
    wid = lax.axis_index("s") * 2 + lax.axis_index("c")
    pltpu.sync_copy(vb_hbm.at[pl.ds(wid * _PER_TILE, _PER_TILE)], idx_v)
    zero16 = jnp.zeros((16,), jnp.int32)
    for j in range(16 * _HB // 16):
        hist_v[pl.ds(j * 16, 16)] = zero16
    lane_off = lax.iota(jnp.int32, 16) * _HB
    one16 = jnp.ones((16,), jnp.int32)

    def body(j, carry):
        v = idx_v[pl.ds(j * 16, 16)]
        plsc.addupdate_scatter(hist_v, [lane_off + v], one16)
        return carry

    lax.fori_loop(0, _PER_TILE // 16, body, 0)
    for c in range(_HB // 16):
        s = zero16
        for i in range(16):
            s = s + hist_v[pl.ds(i * _HB + c * 16, 16)]
        red_v[pl.ds(c * 16, 16)] = s
    pltpu.sync_copy(red_v, out_hbm.at[wid])


@functools.lru_cache(maxsize=1)
def _make_sc_hist():
    return pl.kernel(
        _sc_hist_body,
        mesh=plsc.VectorSubcoreMesh(core_axis_name="c", subcore_axis_name="s"),
        compiler_params=pltpu.CompilerParams(needs_layout_passes=False),
        out_type=jax.ShapeDtypeStruct((_NT, _HB), jnp.int32),
        scratch_types=[
            pltpu.VMEM((_PER_TILE,), jnp.int32),
            pltpu.VMEM((16 * _HB,), jnp.int32),
            pltpu.VMEM((_HB,), jnp.int32),
        ],
    )


def _stage3_body(kf_ref, a1_ref, hist_ref, par_ref, act_ref, idx_ref, cnt_ref):
    kf = kf_ref[...]
    s = par_ref[_M + 1]
    scaled = kf * s
    sq = jnp.sum(scaled * scaled, axis=1)
    dcol = lax.dot_general(
        scaled, a1_ref[...], (((1,), (0,)), ((), ())),
        preferred_element_type=jnp.float32)
    hv = lax.slice(dcol, (0, 0), (_K, 1)).reshape(_K)
    cur = sq
    for m in range(_M):
        cb = cur.astype(jnp.bfloat16).astype(jnp.float32)
        hv = hv + cb * par_ref[m]
        cur = cur * cur
    hv = hv + par_ref[_M]
    kh = jnp.floor(hv / _R)
    kb = jnp.abs(jnp.fmod(kh, float(_TABLE))).astype(jnp.int32)

    cnt = jnp.sum(hist_ref[...], axis=0, keepdims=True)
    c256 = cnt[:, :_TABLE]
    iot = lax.broadcasted_iota(jnp.int32, (1, _TABLE), 1)
    mx = jnp.max(c256)
    index = jnp.min(jnp.where(c256 == mx, iot, jnp.int32(1 << 30)))
    idx_ref[...] = jnp.full((1, 1), index, jnp.int32)
    cnt_ref[...] = c256
    act_ref[...] = jnp.where((kb == index)[:, None], kf, 0.0)


_stage3 = pl.pallas_call(
    _stage3_body,
    in_specs=[
        pl.BlockSpec((_K, _RW), lambda: (0, 0)),
        pl.BlockSpec((_RW, 128), lambda: (0, 0)),
        pl.BlockSpec((_NT, _HB), lambda: (0, 0)),
        pl.BlockSpec(memory_space=pltpu.SMEM),
    ],
    out_specs=[
        pl.BlockSpec((_K, _RW), lambda: (0, 0)),
        pl.BlockSpec((1, 1), lambda: (0, 0)),
        pl.BlockSpec((1, _TABLE), lambda: (0, 0)),
    ],
    out_shape=[
        jax.ShapeDtypeStruct((_K, _RW), jnp.float32),
        jax.ShapeDtypeStruct((1, 1), jnp.int32),
        jax.ShapeDtypeStruct((1, _TABLE), jnp.int32),
    ],
)


def kernel(input, kernels, a, b):
    x3 = input.reshape(_B, _C, _HW)
    Wc = a[:_RW].reshape(_C, 9)
    W16 = jnp.zeros((16, _C), jnp.float32).at[:9, :].set(Wc.T)
    bb = (b[0] + 0.5 * jnp.sum(a[_RW:_RW + _M])).reshape(1, 1)
    vb = _stage1(x3, W16, bb)
    hist = _make_sc_hist()(vb.reshape(_NT * _PER_TILE))
    kf = kernels.reshape(_K, _RW)
    s = _U / (jnp.max(jnp.linalg.norm(kf, axis=1)) + 1e-12)
    atail_b = a[_RW:_RW + _M].astype(jnp.bfloat16).astype(jnp.float32)
    params = jnp.concatenate(
        [atail_b, b, s.reshape(1), jnp.zeros((5,), jnp.float32)])
    a1 = jnp.zeros((_RW, 128), jnp.float32).at[:, 0].set(a[:_RW])
    act, idx, cnt = _stage3(kf, a1, hist, params)
    return (act.reshape(_K, _C, 3, 3), idx.reshape(()), cnt.reshape(_TABLE))

# --- scband reference (transcript-rebuilt; emitter-appended) ---
"""Pipeline reference for scband-alshconv-40896678592534 (READ-ONLY COPY).

The authoritative reference and input builder live on the scoring server;
editing this copy changes nothing except your own understanding.
"""

import jax, jax.numpy as jnp
import numpy as np

TABLE_SIZE = 256
M = 9
KH = 3
KW = 3
R = 4.0
U = 0.83


def P_fn(kernels):
    # ALSH preprocessing P: scale keys to norm < U, append m norm-powers
    K = kernels.shape[0]
    flat = kernels.reshape(K, -1)
    norms = jnp.linalg.norm(flat, axis=1)
    scaled = flat * (U / (jnp.max(norms) + 1e-12))
    sq = jnp.sum(scaled * scaled, axis=1)
    powers = []
    cur = sq
    for _ in range(M):
        powers.append(cur)
        cur = cur * cur
    return jnp.concatenate([scaled, jnp.stack(powers, axis=1)], axis=1)  # [K, d*kh*kw]


def hash_fn(X_T, a, b):
    # h(x) = floor((a.x + b) / r), applied columnwise
    return jnp.floor((a @ X_T + b) / R)


def bucket_of(h):
    # emulates votes.fmod_(table_size); votes.abs_()
    return jnp.abs(jnp.fmod(h, TABLE_SIZE)).astype(jnp.int32)


def Q_fn(x):
    # ALSH query transform Q: append m/(kh*kw)=1 channel of 0.5
    Bn, C, H, W = x.shape
    extra = 0.5 * jnp.ones((Bn, M // (KH * KW), H, W), dtype=x.dtype)
    return jnp.concatenate([x, extra], axis=1)


def setup_inputs(seed: int = 0):
    key = jax.random.key(seed)
    k1, k2, k3, k4 = jax.random.split(key, 4)
    inp = jax.random.normal(k1, (32, 256, 64, 64), dtype=jnp.float32)
    kernels = jax.random.normal(k2, (512, 256, 3, 3), dtype=jnp.float32)
    d = 256 + M // (KH * KW)
    a = jax.random.normal(k3, (d * KH * KW,), dtype=jnp.float32)
    b = jax.random.uniform(k4, (1,), dtype=jnp.float32) * R
    return {"input": inp, "kernels": kernels, "a": a, "b": b}


def reference(input, kernels, a, b):
    # --- init_table: hash all kernels into buckets (table emulated as bucket ids) ---
    Pk = P_fn(kernels)                       # [K, d*kh*kw]
    kern_h = hash_fn(Pk.T, a, b[0])          # [K]
    kern_bucket = bucket_of(kern_h)          # [K]

    # --- vote: apply hash dot-product to input via convolution ---
    d = kernels.shape[1] + M // (KH * KW)
    hash_kernel = a.reshape(1, d, KH, KW)
    input_Q = Q_fn(input)
    dotted = jax.lax.conv_general_dilated(
        input_Q, hash_kernel, window_strides=(1, 1), padding='VALID',
        rhs_dilation=(1, 1), dimension_numbers=('NCHW', 'OIHW', 'NCHW'))
    votes = jnp.floor((dotted.reshape(-1) + b[0]) / R)
    vote_bucket = bucket_of(votes)

    # --- get_active_set: count votes, pick winning bucket, gather kernels ---
    count = jnp.bincount(vote_bucket, length=TABLE_SIZE)
    index = jnp.argmax(count)
    mask = (kern_bucket == index).astype(kernels.dtype)
    active_set = kernels * mask[:, None, None, None]  # fixed-shape rendering of kernels[rows]
    return active_set, index, count

if __name__ == "__main__":
    import jax
    _d = setup_inputs()
    print(jax.jit(kernel)(*tuple(_d.values())))

</pallas_src>

<mosaic_0001>
#map = affine_map<(d0, d1) -> (0)>
#map1 = affine_map<(d0, d1) -> (0, 0)>
module attributes {stable_mosaic.version = 14 : i64} {
  func.func @_sc_hist_body(%arg0: i32, %arg1: i32, %arg2: memref<131072xi32, #tpu.memory_space<hbm>>, %arg3: memref<32x272xi32, #tpu.memory_space<hbm>>, %arg4: memref<4096xi32, #tpu.memory_space<vmem>>, %arg5: memref<4352xi32, #tpu.memory_space<vmem>>, %arg6: memref<272xi32, #tpu.memory_space<vmem>>) attributes {dimension_semantics = [#tpu.dimension_semantics<core_parallel>, #tpu.dimension_semantics<subcore_parallel>], iteration_bounds = array<i64: 2, 16>, scalar_prefetch = 0 : i64, scratch_operands = 3 : i64, tpu.core_type = #tpu.core_type<sc_vector_subcore>, window_params = [{transform_indices = #map}, {transform_indices = #map1}]} {
    %mul3A = arith.constant 2 : i32
    %mul3A_0 = arith.muli %arg1, %mul3A : i32
    %add3A = arith.addi %mul3A_0, %arg0 : i32
    %mul3A_1 = arith.constant 4096 : i32
    %mul3A_2 = arith.muli %add3A, %mul3A_1 : i32
    "tpu.region"() ({
      %run_scoped3A = tpu.sem_alloc : memref<!tpu.dma_semaphore, #tpu.memory_space<semaphore_mem>>
      %dma_start3A = tpu.memref_slice %arg2[%mul3A_2] : memref<131072xi32, #tpu.memory_space<hbm>> -> memref<4096xi32, #tpu.memory_space<hbm>>
      %dma_start3A_1406 = tpu.memref_slice %arg2[%mul3A_2] : memref<131072xi32, #tpu.memory_space<hbm>> -> memref<4096xi32, #tpu.memory_space<hbm>>
      tpu.enqueue_dma source(%dma_start3A_1406 : memref<4096xi32, #tpu.memory_space<hbm>>) target(%arg4 : memref<4096xi32, #tpu.memory_space<vmem>>) target_semaphore(%run_scoped3A : memref<!tpu.dma_semaphore, #tpu.memory_space<semaphore_mem>>)
      %dma_wait3A = tpu.memref_slice %arg2[%mul3A_2] : memref<131072xi32, #tpu.memory_space<hbm>> -> memref<4096xi32, #tpu.memory_space<hbm>>
      %dma_wait3A_1407 = tpu.memref_slice %arg2[%mul3A_2] : memref<131072xi32, #tpu.memory_space<hbm>> -> memref<4096xi32, #tpu.memory_space<hbm>>
      tpu.wait_dma2 semaphore(%run_scoped3A : memref<!tpu.dma_semaphore, #tpu.memory_space<semaphore_mem>>) src(%dma_wait3A_1407 : memref<4096xi32, #tpu.memory_space<hbm>>) dst(%arg4 : memref<4096xi32, #tpu.memory_space<vmem>>)
      tpu.yield
    }) : () -> ()
    %broadcast_in_dim3A = arith.constant 0 : i32
    %broadcast_in_dim3A_3 = vector.broadcast %broadcast_in_dim3A : i32 to vector<16xi32>
    %swap3A = arith.constant 0 : index
    %swap3A_4 = tpu.vector_load %arg5[%swap3A] {strides = array<i32>} : memref<4352xi32, #tpu.memory_space<vmem>>, vector<16xi32>,
    tpu.vector_store %arg5[%swap3A], %broadcast_in_dim3A_3 {strides = array<i32>} : memref<4352xi32, #tpu.memory_space<vmem>>, vector<16xi32>,
    %swap3A_5 = arith.constant 16 : index
    %swap3A_6 = tpu.vector_load %arg5[%swap3A_5] {strides = array<i32>} : memref<4352xi32, #tpu.memory_space<vmem>>, vector<16xi32>,
    tpu.vector_store %arg5[%swap3A_5], %broadcast_in_dim3A_3 {strides = array<i32>} : memref<4352xi32, #tpu.memory_space<vmem>>, vector<16xi32>,
    %swap3A_7 = arith.constant 32 : index
    %swap3A_8 = tpu.vector_load %arg5[%swap3A_7] {strides = array<i32>} : memref<4352xi32, #tpu.memory_space<vmem>>, vector<16xi32>,
    tpu.vector_store %arg5[%swap3A_7], %broadcast_in_dim3A_3 {strides = array<i32>} : memref<4352xi32, #tpu.memory_space<vmem>>, vector<16xi32>,
    %swap3A_9 = arith.constant 48 : index
    %swap3A_10 = tpu.vector_load %arg5[%swap3A_9] {strides = array<i32>} : memref<4352xi32, #tpu.memory_space<vmem>>, vector<16xi32>,
    tpu.vector_store %arg5[%swap3A_9], %broadcast_in_dim3A_3 {strides = array<i32>} : memref<4352xi32, #tpu.memory_space<vmem>>, vector<16xi32>,
    %swap3A_11 = arith.constant 64 : index
    %swap3A_12 = tpu.vector_load %arg5[%swap3A_11] {strides = array<i32>} : memref<4352xi32, #tpu.memory_space<vmem>>, vector<16xi32>,
    tpu.vector_store %arg5[%swap3A_11], %broadcast_in_dim3A_3 {strides = array<i32>} : memref<4352xi32, #tpu.memory_space<vmem>>, vector<16xi32>,
    %swap3A_13 = arith.constant 80 : index
    %swap3A_14 = tpu.vector_load %arg5[%swap3A_13] {strides = array<i32>} : memref<4352xi32, #tpu.memory_space<vmem>>, vector<16xi32>,
    tpu.vector_store %arg5[%swap3A_13], %broadcast_in_dim3A_3 {strides = array<i32>} : memref<4352xi32, #tpu.memory_space<vmem>>, vector<16xi32>,
    %swap3A_15 = arith.constant 96 : index
    %swap3A_16 = tpu.vector_load %arg5[%swap3A_15] {strides = array<i32>} : memref<4352xi32, #tpu.memory_space<vmem>>, vector<16xi32>,
    tpu.vector_store %arg5[%swap3A_15], %broadcast_in_dim3A_3 {strides = array<i32>} : memref<4352xi32, #tpu.memory_space<vmem>>, vector<16xi32>,
    %swap3A_17 = arith.constant 112 : index
    %swap3A_18 = tpu.vector_load %arg5[%swap3A_17] {strides = array<i32>} : memref<4352xi32, #tpu.memory_space<vmem>>, vector<16xi32>,
    tpu.vector_store %arg5[%swap3A_17], %broadcast_in_dim3A_3 {strides = array<i32>} : memref<4352xi32, #tpu.memory_space<vmem>>, vector<16xi32>,
    %swap3A_19 = arith.constant 128 : index
    %swap3A_20 = tpu.vector_load %arg5[%swap3A_19] {strides = array<i32>} : memref<4352xi32, #tpu.memory_space<vmem>>, vector<16xi32>,
    tpu.vector_store %arg5[%swap3A_19], %broadcast_in_dim3A_3 {strides = array<i32>} : memref<4352xi32, #tpu.memory_space<vmem>>, vector<16xi32>,
    %swap3A_21 = arith.constant 144 : index
    %swap3A_22 = tpu.vector_load %arg5[%swap3A_21] {strides = array<i32>} : memref<4352xi32, #tpu.memory_space<vmem>>, vector<16xi32>,
    tpu.vector_store %arg5[%swap3A_21], %broadcast_in_dim3A_3 {strides = array<i32>} : memref<4352xi32, #tpu.memory_space<vmem>>, vector<16xi32>,
    %swap3A_23 = arith.constant 160 : index
    %swap3A_24 = tpu.vector_load %arg5[%swap3A_23] {strides = array<i32>} : memref<4352xi32, #tpu.memory_space<vmem>>, vector<16xi32>,
    tpu.vector_store %arg5[%swap3A_23], %broadcast_in_dim3A_3 {strides = array<i32>} : memref<4352xi32, #tpu.memory_space<vmem>>, vector<16xi32>,
    %swap3A_25 = arith.constant 176 : index
    %swap3A_26 = tpu.vector_load %arg5[%swap3A_25] {strides = array<i32>} : memref<4352xi32, #tpu.memory_space<vmem>>, vector<16xi32>,
    tpu.vector_store %arg5[%swap3A_25], %broadcast_in_dim3A_3 {strides = array<i32>} : memref<4352xi32, #tpu.memory_space<vmem>>, vector<16xi32>,
    %swap3A_27 = arith.constant 192 : index
    %swap3A_28 = tpu.vector_load %arg5[%swap3A_27] {strides = array<i32>} : memref<4352xi32, #tpu.memory_space<vmem>>, vector<16xi32>,
    tpu.vector_store %arg5[%swap3A_27], %broadcast_in_dim3A_3 {strides = array<i32>} : memref<4352xi32, #tpu.memory_space<vmem>>, vector<16xi32>,
    %swap3A_29 = arith.constant 208 : index
    %swap3A_30 = tpu.vector_load %arg5[%swap3A_29] {strides = array<i32>} : memref<4352xi32, #tpu.memory_space<vmem>>, vector<16xi32>,
    tpu.vector_store %arg5[%swap3A_29], %broadcast_in_dim3A_3 {strides = array<i32>} : memref<4352xi32, #tpu.memory_space<vmem>>, vector<16xi32>,
    %swap3A_31 = arith.constant 224 : index
    %swap3A_32 = tpu.vector_load %arg5[%swap3A_31] {strides = array<i32>} : memref<4352xi32, #tpu.memory_space<vmem>>, vector<16xi32>,
    tpu.vector_store %arg5[%swap3A_31], %broadcast_in_dim3A_3 {strides = array<i32>} : memref<4352xi32, #tpu.memory_space<vmem>>, vector<16xi32>,
    %swap3A_33 = arith.constant 240 : index
    %swap3A_34 = tpu.vector_load %arg5[%swap3A_33] {strides = array<i32>} : memref<4352xi32, #tpu.memory_space<vmem>>, vector<16xi32>,
    tpu.vector_store %arg5[%swap3A_33], %broadcast_in_dim3A_3 {strides = array<i32>} : memref<4352xi32, #tpu.memory_space<vmem>>, vector<16xi32>,
    %swap3A_35 = arith.constant 256 : index
    %swap3A_36 = tpu.vector_load %arg5[%swap3A_35] {strides = array<i32>} : memref<4352xi32, #tpu.memory_space<vmem>>, vector<16xi32>,
    tpu.vector_store %arg5[%swap3A_35], %broadcast_in_dim3A_3 {strides = array<i32>} : memref<4352xi32, #tpu.memory_space<vmem>>, vector<16xi32>,
    %swap3A_37 = arith.constant 272 : index
    %swap3A_38 = tpu.vector_load %arg5[%swap3A_37] {strides = array<i32>} : memref<4352xi32, #tpu.memory_space<vmem>>, vector<16xi32>,
    tpu.vector_store %arg5[%swap3A_37], %broadcast_in_dim3A_3 {strides = array<i32>} : memref<4352xi32, #tpu.memory_space<vmem>>, vector<16xi32>,
    %swap3A_39 = arith.constant 288 : index
    %swap3A_40 = tpu.vector_load %arg5[%swap3A_39] {strides = array<i32>} : memref<4352xi32, #tpu.memory_space<vmem>>, vector<16xi32>,
    tpu.vector_store %arg5[%swap3A_39], %broadcast_in_dim3A_3 {strides = array<i32>} : memref<4352xi32, #tpu.memory_space<vmem>>, vector<16xi32>,
    %swap3A_41 = arith.constant 304 : index
    %swap3A_42 = tpu.vector_load %arg5[%swap3A_41] {strides = array<i32>} : memref<4352xi32, #tpu.memory_space<vmem>>, vector<16xi32>,
    tpu.vector_store %arg5[%swap3A_41], %broadcast_in_dim3A_3 {strides = array<i32>} : memref<4352xi32, #tpu.memory_space<vmem>>, vector<16xi32>,
    %swap3A_43 = arith.constant 320 : index
    %swap3A_44 = tpu.vector_load %arg5[%swap3A_43] {strides = array<i32>} : memref<4352xi32, #tpu.memory_space<vmem>>, vector<16xi32>,
    tpu.vector_store %arg5[%swap3A_43], %broadcast_in_dim3A_3 {strides = array<i32>} : memref<4352xi32, #tpu.memory_space<vmem>>, vector<16xi32>,
    %swap3A_45 = arith.constant 336 : index
    %swap3A_46 = tpu.vector_load %arg5[%swap3A_45] {strides = array<i32>} : memref<4352xi32, #tpu.memory_space<vmem>>, vector<16xi32>,
    tpu.vector_store %arg5[%swap3A_45], %broadcast_in_dim3A_3 {strides = array<i32>} : memref<4352xi32, #tpu.memory_space<vmem>>, vector<16xi32>,
    %swap3A_47 = arith.constant 352 : index
    %swap3A_48 = tpu.vector_load %arg5[%swap3A_47] {strides = array<i32>} : memref<4352xi32, #tpu.memory_space<vmem>>, vector<16xi32>,
    tpu.vector_store %arg5[%swap3A_47], %broadcast_in_dim3A_3 {strides = array<i32>} : memref<4352xi32, #tpu.memory_space<vmem>>, vector<16xi32>,
    %swap3A_49 = arith.constant 368 : index
    %swap3A_50 = tpu.vector_load %arg5[%swap3A_49] {strides = array<i32>} : memref<4352xi32, #tpu.memory_space<vmem>>, vector<16xi32>,
    tpu.vector_store %arg5[%swap3A_49], %broadcast_in_dim3A_3 {strides = array<i32>} : memref<4352xi32, #tpu.memory_space<vmem>>, vector<16xi32>,
    %swap3A_51 = arith.constant 384 : index
    %swap3A_52 = tpu.vector_load %arg5[%swap3A_51] {strides = array<i32>} : memref<4352xi32, #tpu.memory_space<vmem>>, vector<16xi32>,
    tpu.vector_store %arg5[%swap3A_51], %broadcast_in_dim3A_3 {strides = array<i32>} : memref<4352xi32, #tpu.memory_space<vmem>>, vector<16xi32>,
    %swap3A_53 = arith.constant 400 : index
    %swap3A_54 = tpu.vector_load %arg5[%swap3A_53] {strides = array<i32>} : memref<4352xi32, #tpu.memory_space<vmem>>, vector<16xi32>,
    tpu.vector_store %arg5[%swap3A_53], %broadcast_in_dim3A_3 {strides = array<i32>} : memref<4352xi32, #tpu.memory_space<vmem>>, vector<16xi32>,
    %swap3A_55 = arith.constant 416 : index
    %swap3A_56 = tpu.vector_load %arg5[%swap3A_55] {strides = array<i32>} : memref<4352xi32, #tpu.memory_space<vmem>>, vector<16xi32>,
    tpu.vector_store %arg5[%swap3A_55], %broadcast_in_dim3A_3 {strides = array<i32>} : memref<4352xi32, #tpu.memory_space<vmem>>, vector<16xi32>,
    %swap3A_57 = arith.constant 432 : index
    %swap3A_58 = tpu.vector_load %arg5[%swap3A_57] {strides = array<i32>} : memref<4352xi32, #tpu.memory_space<vmem>>, vector<16xi32>,
    tpu.vector_store %arg5[%swap3A_57], %broadcast_in_dim3A_3 {strides = array<i32>} : memref<4352xi32, #tpu.memory_space<vmem>>, vector<16xi32>,
    %swap3A_59 = arith.constant 448 : index
    %swap3A_60 = tpu.vector_load %arg5[%swap3A_59] {strides = array<i32>} : memref<4352xi32, #tpu.memory_space<vmem>>, vector<16xi32>,
    tpu.vector_store %arg5[%swap3A_59], %broadcast_in_dim3A_3 {strides = array<i32>} : memref<4352xi32, #tpu.memory_space<vmem>>, vector<16xi32>,
    %swap3A_61 = arith.constant 464 : index
    %swap3A_62 = tpu.vector_load %arg5[%swap3A_61] {strides = array<i32>} : memref<4352xi32, #tpu.memory_space<vmem>>, vector<16xi32>,
    tpu.vector_store %arg5[%swap3A_61], %broadcast_in_dim3A_3 {strides = array<i32>} : memref<4352xi32, #tpu.memory_space<vmem>>, vector<16xi32>,
    %swap3A_63 = arith.constant 480 : index
    %swap3A_64 = tpu.vector_load %arg5[%swap3A_63] {strides = array<i32>} : memref<4352xi32, #tpu.memory_space<vmem>>, vector<16xi32>,
    tpu.vector_store %arg5[%swap3A_63], %broadcast_in_dim3A_3 {strides = array<i32>} : memref<4352xi32, #tpu.memory_space<vmem>>, vector<16xi32>,
    %swap3A_65 = arith.constant 496 : index
    %swap3A_66 = tpu.vector_load %arg5[%swap3A_65] {strides = array<i32>} : memref<4352xi32, #tpu.memory_space<vmem>>, vector<16xi32>,
    tpu.vector_store %arg5[%swap3A_65], %broadcast_in_dim3A_3 {strides = array<i32>} : memref<4352xi32, #tpu.memory_space<vmem>>, vector<16xi32>,
    %swap3A_67 = arith.constant 512 : index
    %swap3A_68 = tpu.vector_load %arg5[%swap3A_67] {strides = array<i32>} : memref<4352xi32, #tpu.memory_space<vmem>>, vector<16xi32>,
    tpu.vector_store %arg5[%swap3A_67], %broadcast_in_dim3A_3 {strides = array<i32>} : memref<4352xi32, #tpu.memory_space<vmem>>, vector<16xi32>,
    %swap3A_69 = arith.constant 528 : index
    %swap3A_70 = tpu.vector_load %arg5[%swap3A_69] {strides = array<i32>} : memref<4352xi32, #tpu.memory_space<vmem>>, vector<16xi32>,
    tpu.vector_store %arg5[%swap3A_69], %broadcast_in_dim3A_3 {strides = array<i32>} : memref<4352xi32, #tpu.memory_space<vmem>>, vector<16xi32>,
    %swap3A_71 = arith.constant 544 : index
    %swap3A_72 = tpu.vector_load %arg5[%swap3A_71] {strides = array<i32>} : memref<4352xi32, #tpu.memory_space<vmem>>, vector<16xi32>,
    tpu.vector_store %arg5[%swap3A_71], %broadcast_in_dim3A_3 {strides = array<i32>} : memref<4352xi32, #tpu.memory_space<vmem>>, vector<16xi32>,
    %swap3A_73 = arith.constant 560 : index
    %swap3A_74 = tpu.vector_load %arg5[%swap3A_73] {strides = array<i32>} : memref<4352xi32, #tpu.memory_space<vmem>>, vector<16xi32>,
    tpu.vector_store %arg5[%swap3A_73], %broadcast_in_dim3A_3 {strides = array<i32>} : memref<4352xi32, #tpu.memory_space<vmem>>, vector<16xi32>,
    %swap3A_75 = arith.constant 576 : index
    %swap3A_76 = tpu.vector_load %arg5[%swap3A_75] {strides = array<i32>} : memref<4352xi32, #tpu.memory_space<vmem>>, vector<16xi32>,
    tpu.vector_store %arg5[%swap3A_75], %broadcast_in_dim3A_3 {strides = array<i32>} : memref<4352xi32, #tpu.memory_space<vmem>>, vector<16xi32>,
    %swap3A_77 = arith.constant 592 : index
    %swap3A_78 = tpu.vector_load %arg5[%swap3A_77] {strides = array<i32>} : memref<4352xi32, #tpu.memory_space<vmem>>, vector<16xi32>,
    tpu.vector_store %arg5[%swap3A_77], %broadcast_in_dim3A_3 {strides = array<i32>} : memref<4352xi32, #tpu.memory_space<vmem>>, vector<16xi32>,
    %swap3A_79 = arith.constant 608 : index
    %swap3A_80 = tpu.vector_load %arg5[%swap3A_79] {strides = array<i32>} : memref<4352xi32, #tpu.memory_space<vmem>>, vector<16xi32>,
    tpu.vector_store %arg5[%swap3A_79], %broadcast_in_dim3A_3 {strides = array<i32>} : memref<4352xi32, #tpu.memory_space<vmem>>, vector<16xi32>,
    %swap3A_81 = arith.constant 624 : index
    %swap3A_82 = tpu.vector_load %arg5[%swap3A_81] {strides = array<i32>} : memref<4352xi32, #tpu.memory_space<vmem>>, vector<16xi32>,
    tpu.vector_store %arg5[%swap3A_81], %broadcast_in_dim3A_3 {strides = array<i32>} : memref<4352xi32, #tpu.memory_space<vmem>>, vector<16xi32>,
    %swap3A_83 = arith.constant 640 : index
    %swap3A_84 = tpu.vector_load %arg5[%swap3A_83] {strides = array<i32>} : memref<4352xi32, #tpu.memory_space<vmem>>, vector<16xi32>,
    tpu.vector_store %arg5[%swap3A_83], %broadcast_in_dim3A_3 {strides = array<i32>} : memref<4352xi32, #tpu.memory_space<vmem>>, vector<16xi32>,
    %swap3A_85 = arith.constant 656 : index
    %swap3A_86 = tpu.vector_load %arg5[%swap3A_85] {strides = array<i32>} : memref<4352xi32, #tpu.memory_space<vmem>>, vector<16xi32>,
    tpu.vector_store %arg5[%swap3A_85], %broadcast_in_dim3A_3 {strides = array<i32>} : memref<4352xi32, #tpu.memory_space<vmem>>, vector<16xi32>,
    %swap3A_87 = arith.constant 672 : index
    %swap3A_88 = tpu.vector_load %arg5[%swap3A_87] {strides = array<i32>} : memref<4352xi32, #tpu.memory_space<vmem>>, vector<16xi32>,
    tpu.vector_store %arg5[%swap3A_87], %broadcast_in_dim3A_3 {strides = array<i32>} : memref<4352xi32, #tpu.memory_space<vmem>>, vector<16xi32>,
    %swap3A_89 = arith.constant 688 : index
    %swap3A_90 = tpu.vector_load %arg5[%swap3A_89] {strides = array<i32>} : memref<4352xi32, #tpu.memory_space<vmem>>, vector<16xi32>,
    tpu.vector_store %arg5[%swap3A_89], %broadcast_in_dim3A_3 {strides = array<i32>} : memref<4352xi32, #tpu.memory_space<vmem>>, vector<16xi32>,
    %swap3A_91 = arith.constant 704 : index
    %swap3A_92 = tpu.vector_load %arg5[%swap3A_91] {strides = array<i32>} : memref<4352xi32, #tpu.memory_space<vmem>>, vector<16xi32>,
    tpu.vector_store %arg5[%swap3A_91], %broadcast_in_dim3A_3 {strides = array<i32>} : memref<4352xi32, #tpu.memory_space<vmem>>, vector<16xi32>,
    %swap3A_93 = arith.constant 720 : index
    %swap3A_94 = tpu.vector_load %arg5[%swap3A_93] {strides = array<i32>} : memref<4352xi32, #tpu.memory_space<vmem>>, vector<16xi32>,
    tpu.vector_store %arg5[%swap3A_93], %broadcast_in_dim3A_3 {strides = array<i32>} : memref<4352xi32, #tpu.memory_space<vmem>>, vector<16xi32>,
    %swap3A_95 = arith.constant 736 : index
    %swap3A_96 = tpu.vector_load %arg5[%swap3A_95] {strides = array<i32>} : memref<4352xi32, #tpu.memory_space<vmem>>, vector<16xi32>,
    tpu.vector_store %arg5[%swap3A_95], %broadcast_in_dim3A_3 {strides = array<i32>} : memref<4352xi32, #tpu.memory_space<vmem>>, vector<16xi32>,
    %swap3A_97 = arith.constant 752 : index
    %swap3A_98 = tpu.vector_load %arg5[%swap3A_97] {strides = array<i32>} : memref<4352xi32, #tpu.memory_space<vmem>>, vector<16xi32>,
    tpu.vector_store %arg5[%swap3A_97], %broadcast_in_dim3A_3 {strides = array<i32>} : memref<4352xi32, #tpu.memory_space<vmem>>, vector<16xi32>,
    %swap3A_99 = arith.constant 768 : index
    %swap3A_100 = tpu.vector_load %arg5[%swap3A_99] {strides = array<i32>} : memref<4352xi32, #tpu.memory_space<vmem>>, vector<16xi32>,
    tpu.vector_store %arg5[%swap3A_99], %broadcast_in_dim3A_3 {strides = array<i32>} : memref<4352xi32, #tpu.memory_space<vmem>>, vector<16xi32>,
    %swap3A_101 = arith.constant 784 : index
    %swap3A_102 = tpu.vector_load %arg5[%swap3A_101] {strides = array<i32>} : memref<4352xi32, #tpu.memory_space<vmem>>, vector<16xi32>,
    tpu.vector_store %arg5[%swap3A_101], %broadcast_in_dim3A_3 {strides = array<i32>} : memref<4352xi32, #tpu.memory_space<vmem>>, vector<16xi32>,
    %swap3A_103 = arith.constant 800 : index
    %swap3A_104 = tpu.vector_load %arg5[%swap3A_103] {strides = array<i32>} : memref<4352xi32, #tpu.memory_space<vmem>>, vector<16xi32>,
    tpu.vector_store %arg5[%swap3A_103], %broadcast_in_dim3A_3 {strides = array<i32>} : memref<4352xi32, #tpu.memory_space<vmem>>, vector<16xi32>,
    %swap3A_105 = arith.constant 816 : index
    %swap3A_106 = tpu.vector_load %arg5[%swap3A_105] {strides = array<i32>} : memref<4352xi32, #tpu.memory_space<vmem>>, vector<16xi32>,
    tpu.vector_store %arg5[%swap3A_105], %broadcast_in_dim3A_3 {strides = array<i32>} : memref<4352xi32, #tpu.memory_space<vmem>>, vector<16xi32>,
    %swap3A_107 = arith.constant 832 : index
    %swap3A_108 = tpu.vector_load %arg5[%swap3A_107] {strides = array<i32>} : memref<4352xi32, #tpu.memory_space<vmem>>, vector<16xi32>,
    tpu.vector_store %arg5[%swap3A_107], %broadcast_in_dim3A_3 {strides = array<i32>} : memref<4352xi32, #tpu.memory_space<vmem>>, vector<16xi32>,
    %swap3A_109 = arith.constant 848 : index
    %swap3A_110 = tpu.vector_load %arg5[%swap3A_109] {strides = array<i32>} : memref<4352xi32, #tpu.memory_space<vmem>>, vector<16xi32>,
    tpu.vector_store %arg5[%swap3A_109], %broadcast_in_dim3A_3 {strides = array<i32>} : memref<4352xi32, #tpu.memory_space<vmem>>, vector<16xi32>,
    %swap3A_111 = arith.constant 864 : index
    %swap3A_112 = tpu.vector_load %arg5[%swap3A_111] {strides = array<i32>} : memref<4352xi32, #tpu.memory_space<vmem>>, vector<16xi32>,
    tpu.vector_store %arg5[%swap3A_111], %broadcast_in_dim3A_3 {strides = array<i32>} : memref<4352xi32, #tpu.memory_space<vmem>>, vector<16xi32>,
    %swap3A_113 = arith.constant 880 : index
    %swap3A_114 = tpu.vector_load %arg5[%swap3A_113] {strides = array<i32>} : memref<4352xi32, #tpu.memory_space<vmem>>, vector<16xi32>,
    tpu.vector_store %arg5[%swap3A_113], %broadcast_in_dim3A_3 {strides = array<i32>} : memref<4352xi32, #tpu.memory_space<vmem>>, vector<16xi32>,
    %swap3A_115 = arith.constant 896 : index
    %swap3A_116 = tpu.vector_load %arg5[%swap3A_115] {strides = array<i32>} : memref<4352xi32, #tpu.memory_space<vmem>>, vector<16xi32>,
    tpu.vector_store %arg5[%swap3A_115], %broadcast_in_dim3A_3 {strides = array<i32>} : memref<4352xi32, #tpu.memory_space<vmem>>, vector<16xi32>,
    %swap3A_117 = arith.constant 912 : index
    %swap3A_118 = tpu.vector_load %arg5[%swap3A_117] {strides = array<i32>} : memref<4352xi32, #tpu.memory_space<vmem>>, vector<16xi32>,
    tpu.vector_store %arg5[%swap3A_117], %broadcast_in_dim3A_3 {strides = array<i32>} : memref<4352xi32, #tpu.memory_space<vmem>>, vector<16xi32>,
    %swap3A_119 = arith.constant 928 : index
    %swap3A_120 = tpu.vector_load %arg5[%swap3A_119] {strides = array<i32>} : memref<4352xi32, #tpu.memory_space<vmem>>, vector<16xi32>,
    tpu.vector_store %arg5[%swap3A_119], %broadcast_in_dim3A_3 {strides = array<i32>} : memref<4352xi32, #tpu.memory_space<vmem>>, vector<16xi32>,
    %swap3A_121 = arith.constant 944 : index
    %swap3A_122 = tpu.vector_load %arg5[%swap3A_121] {strides = array<i32>} : memref<4352xi32, #tpu.memory_space<vmem>>, vector<16xi32>,
    tpu.vector_store %arg5[%swap3A_121], %broadcast_in_dim3A_3 {strides = array<i32>} : memref<4352xi32, #tpu.memory_space<vmem>>, vector<16xi32>,
    %swap3A_123 = arith.constant 960 : index
    %swap3A_124 = tpu.vector_load %arg5[%swap3A_123] {strides = array<i32>} : memref<4352xi32, #tpu.memory_space<vmem>>, vector<16xi32>,
    tpu.vector_store %arg5[%swap3A_123], %broadcast_in_dim3A_3 {strides = array<i32>} : memref<4352xi32, #tpu.memory_space<vmem>>, vector<16xi32>,
    %swap3A_125 = arith.constant 976 : index
    %swap3A_126 = tpu.vector_load %arg5[%swap3A_125] {strides = array<i32>} : memref<4352xi32, #tpu.memory_space<vmem>>, vector<16xi32>,
    tpu.vector_store %arg5[%swap3A_125], %broadcast_in_dim3A_3 {strides = array<i32>} : memref<4352xi32, #tpu.memory_space<vmem>>, vector<16xi32>,
    %swap3A_127 = arith.constant 992 : index
    %swap3A_128 = tpu.vector_load %arg5[%swap3A_127] {strides = array<i32>} : memref<4352xi32, #tpu.memory_space<vmem>>, vector<16xi32>,
    tpu.vector_store %arg5[%swap3A_127], %broadcast_in_dim3A_3 {strides = array<i32>} : memref<4352xi32, #tpu.memory_space<vmem>>, vector<16xi32>,
    %swap3A_129 = arith.constant 1008 : index
    %swap3A_130 = tpu.vector_load %arg5[%swap3A_129] {strides = array<i32>} : memref<4352xi32, #tpu.memory_space<vmem>>, vector<16xi32>,
    tpu.vector_store %arg5[%swap3A_129], %broadcast_in_dim3A_3 {strides = array<i32>} : memref<4352xi32, #tpu.memory_space<vmem>>, vector<16xi32>,
    %swap3A_131 = arith.constant 1024 : index
    %swap3A_132 = tpu.vector_load %arg5[%swap3A_131] {strides = array<i32>} : memref<4352xi32, #tpu.memory_space<vmem>>, vector<16xi32>,
    tpu.vector_store %arg5[%swap3A_131], %broadcast_in_dim3A_3 {strides = array<i32>} : memref<4352xi32, #tpu.memory_space<vmem>>, vector<16xi32>,
    %swap3A_133 = arith.constant 1040 : index
    %swap3A_134 = tpu.vector_load %arg5[%swap3A_133] {strides = array<i32>} : memref<4352xi32, #tpu.memory_space<vmem>>, vector<16xi32>,
    tpu.vector_store %arg5[%swap3A_133], %broadcast_in_dim3A_3 {strides = array<i32>} : memref<4352xi32, #tpu.memory_space<vmem>>, vector<16xi32>,
    %swap3A_135 = arith.constant 1056 : index
    %swap3A_136 = tpu.vector_load %arg5[%swap3A_135] {strides = array<i32>} : memref<4352xi32, #tpu.memory_space<vmem>>, vector<16xi32>,
    tpu.vector_store %arg5[%swap3A_135], %broadcast_in_dim3A_3 {strides = array<i32>} : memref<4352xi32, #tpu.memory_space<vmem>>, vector<16xi32>,
    %swap3A_137 = arith.constant 1072 : index
    %swap3A_138 = tpu.vector_load %arg5[%swap3A_137] {strides = array<i32>} : memref<4352xi32, #tpu.memory_space<vmem>>, vector<16xi32>,
    tpu.vector_store %arg5[%swap3A_137], %broadcast_in_dim3A_3 {strides = array<i32>} : memref<4352xi32, #tpu.memory_space<vmem>>, vector<16xi32>,
    %swap3A_139 = arith.constant 1088 : index
    %swap3A_140 = tpu.vector_load %arg5[%swap3A_139] {strides = array<i32>} : memref<4352xi32, #tpu.memory_space<vmem>>, vector<16xi32>,
    tpu.vector_store %arg5[%swap3A_139], %broadcast_in_dim3A_3 {strides = array<i32>} : memref<4352xi32, #tpu.memory_space<vmem>>, vector<16xi32>,
    %swap3A_141 = arith.constant 1104 : index
    %swap3A_142 = tpu.vector_load %arg5[%swap3A_141] {strides = array<i32>} : memref<4352xi32, #tpu.memory_space<vmem>>, vector<16xi32>,
    tpu.vector_store %arg5[%swap3A_141], %broadcast_in_dim3A_3 {strides = array<i32>} : memref<4352xi32, #tpu.memory_space<vmem>>, vector<16xi32>,
    %swap3A_143 = arith.constant 1120 : index
    %swap3A_144 = tpu.vector_load %arg5[%swap3A_143] {strides = array<i32>} : memref<4352xi32, #tpu.memory_space<vmem>>, vector<16xi32>,
    tpu.vector_store %arg5[%swap3A_143], %broadcast_in_dim3A_3 {strides = array<i32>} : memref<4352xi32, #tpu.memory_space<vmem>>, vector<16xi32>,
    %swap3A_145 = arith.constant 1136 : index
    %swap3A_146 = tpu.vector_load %arg5[%swap3A_145] {strides = array<i32>} : memref<4352xi32, #tpu.memory_space<vmem>>, vector<16xi32>,
    tpu.vector_store %arg5[%swap3A_145], %broadcast_in_dim3A_3 {strides = array<i32>} : memref<4352xi32, #tpu.memory_space<vmem>>, vector<16xi32>,
    %swap3A_147 = arith.constant 1152 : index
    %swap3A_148 = tpu.vector_load %arg5[%swap3A_147] {strides = array<i32>} : memref<4352xi32, #tpu.memory_space<vmem>>, vector<16xi32>,
    tpu.vector_store %arg5[%swap3A_147], %broadcast_in_dim3A_3 {strides = array<i32>} : memref<4352xi32, #tpu.memory_space<vmem>>, vector<16xi32>,
    %swap3A_149 = arith.constant 1168 : index
    %swap3A_150 = tpu.vector_load %arg5[%swap3A_149] {strides = array<i32>} : memref<4352xi32, #tpu.memory_space<vmem>>, vector<16xi32>,
    tpu.vector_store %arg5[%swap3A_149], %broadcast_in_dim3A_3 {strides = array<i32>} : memref<4352xi32, #tpu.memory_space<vmem>>, vector<16xi32>,
    %swap3A_151 = arith.constant 1184 : index
    %swap3A_152 = tpu.vector_load %arg5[%swap3A_151] {strides = array<i32>} : memref<4352xi32, #tpu.memory_space<vmem>>, vector<16xi32>,
    tpu.vector_store %arg5[%swap3A_151], %broadcast_in_dim3A_3 {strides = array<i32>} : memref<4352xi32, #tpu.memory_space<vmem>>, vector<16xi32>,
    %swap3A_153 = arith.constant 1200 : index
    %swap3A_154 = tpu.vector_load %arg5[%swap3A_153] {strides = array<i32>} : memref<4352xi32, #tpu.memory_space<vmem>>, vector<16xi32>,
    tpu.vector_store %arg5[%swap3A_153], %broadcast_in_dim3A_3 {strides = array<i32>} : memref<4352xi32, #tpu.memory_space<vmem>>, vector<16xi32>,
    %swap3A_155 = arith.constant 1216 : index
    %swap3A_156 = tpu.vector_load %arg5[%swap3A_155] {strides = array<i32>} : memref<4352xi32, #tpu.memory_space<vmem>>, vector<16xi32>,
    tpu.vector_store %arg5[%swap3A_155], %broadcast_in_dim3A_3 {strides = array<i32>} : memref<4352xi32, #tpu.memory_space<vmem>>, vector<16xi32>,
    %swap3A_157 = arith.constant 1232 : index
    %swap3A_158 = tpu.vector_load %arg5[%swap3A_157] {strides = array<i32>} : memref<4352xi32, #tpu.memory_space<vmem>>, vector<16xi32>,
    tpu.vector_store %arg5[%swap3A_157], %broadcast_in_dim3A_3 {strides = array<i32>} : memref<4352xi32, #tpu.memory_space<vmem>>, vector<16xi32>,
    %swap3A_159 = arith.constant 1248 : index
    %swap3A_160 = tpu.vector_load %arg5[%swap3A_159] {strides = array<i32>} : memref<4352xi32, #tpu.memory_space<vmem>>, vector<16xi32>,
    tpu.vector_store %arg5[%swap3A_159], %broadcast_in_dim3A_3 {strides = array<i32>} : memref<4352xi32, #tpu.memory_space<vmem>>, vector<16xi32>,
    %swap3A_161 = arith.constant 1264 : index
    %swap3A_162 = tpu.vector_load %arg5[%swap3A_161] {strides = array<i32>} : memref<4352xi32, #tpu.memory_space<vmem>>, vector<16xi32>,
    tpu.vector_store %arg5[%swap3A_161], %broadcast_in_dim3A_3 {strides = array<i32>} : memref<4352xi32, #tpu.memory_space<vmem>>, vector<16xi32>,
    %swap3A_163 = arith.constant 1280 : index
    %swap3A_164 = tpu.vector_load %arg5[%swap3A_163] {strides = array<i32>} : memref<4352xi32, #tpu.memory_space<vmem>>, vector<16xi32>,
    tpu.vector_store %arg5[%swap3A_163], %broadcast_in_dim3A_3 {strides = array<i32>} : memref<4352xi32, #tpu.memory_space<vmem>>, vector<16xi32>,
    %swap3A_165 = arith.constant 1296 : index
    %swap3A_166 = tpu.vector_load %arg5[%swap3A_165] {strides = array<i32>} : memref<4352xi32, #tpu.memory_space<vmem>>, vector<16xi32>,
    tpu.vector_store %arg5[%swap3A_165], %broadcast_in_dim3A_3 {strides = array<i32>} : memref<4352xi32, #tpu.memory_space<vmem>>, vector<16xi32>,
    %swap3A_167 = arith.constant 1312 : index
    %swap3A_168 = tpu.vector_load %arg5[%swap3A_167] {strides = array<i32>} : memref<4352xi32, #tpu.memory_space<vmem>>, vector<16xi32>,
    tpu.vector_store %arg5[%swap3A_167], %broadcast_in_dim3A_3 {strides = array<i32>} : memref<4352xi32, #tpu.memory_space<vmem>>, vector<16xi32>,
    %swap3A_169 = arith.constant 1328 : index
    %swap3A_170 = tpu.vector_load %arg5[%swap3A_169] {strides = array<i32>} : memref<4352xi32, #tpu.memory_space<vmem>>, vector<16xi32>,
    tpu.vector_store %arg5[%swap3A_169], %broadcast_in_dim3A_3 {strides = array<i32>} : memref<4352xi32, #tpu.memory_space<vmem>>, vector<16xi32>,
    %swap3A_171 = arith.constant 1344 : index
    %swap3A_172 = tpu.vector_load %arg5[%swap3A_171] {strides = array<i32>} : memref<4352xi32, #tpu.memory_space<vmem>>, vector<16xi32>,
    tpu.vector_store %arg5[%swap3A_171], %broadcast_in_dim3A_3 {strides = array<i32>} : memref<4352xi32, #tpu.memory_space<vmem>>, vector<16xi32>,
    %swap3A_173 = arith.constant 1360 : index
    %swap3A_174 = tpu.vector_load %arg5[%swap3A_173] {strides = array<i32>} : memref<4352xi32, #tpu.memory_space<vmem>>, vector<16xi32>,
    tpu.vector_store %arg5[%swap3A_173], %broadcast_in_dim3A_3 {strides = array<i32>} : memref<4352xi32, #tpu.memory_space<vmem>>, vector<16xi32>,
    %swap3A_175 = arith.constant 1376 : index
    %swap3A_176 = tpu.vector_load %arg5[%swap3A_175] {strides = array<i32>} : memref<4352xi32, #tpu.memory_space<vmem>>, vector<16xi32>,
    tpu.vector_store %arg5[%swap3A_175], %broadcast_in_dim3A_3 {strides = array<i32>} : memref<4352xi32, #tpu.memory_space<vmem>>, vector<16xi32>,
    %swap3A_177 = arith.constant 1392 : index
    %swap3A_178 = tpu.vector_load %arg5[%swap3A_177] {strides = array<i32>} : memref<4352xi32, #tpu.memory_space<vmem>>, vector<16xi32>,
    tpu.vector_store %arg5[%swap3A_177], %broadcast_in_dim3A_3 {strides = array<i32>} : memref<4352xi32, #tpu.memory_space<vmem>>, vector<16xi32>,
    %swap3A_179 = arith.constant 1408 : index
    %swap3A_180 = tpu.vector_load %arg5[%swap3A_179] {strides = array<i32>} : memref<4352xi32, #tpu.memory_space<vmem>>, vector<16xi32>,
    tpu.vector_store %arg5[%swap3A_179], %broadcast_in_dim3A_3 {strides = array<i32>} : memref<4352xi32, #tpu.memory_space<vmem>>, vector<16xi32>,
    %swap3A_181 = arith.constant 1424 : index
    %swap3A_182 = tpu.vector_load %arg5[%swap3A_181] {strides = array<i32>} : memref<4352xi32, #tpu.memory_space<vmem>>, vector<16xi32>,
    tpu.vector_store %arg5[%swap3A_181], %broadcast_in_dim3A_3 {strides = array<i32>} : memref<4352xi32, #tpu.memory_space<vmem>>, vector<16xi32>,
    %swap3A_183 = arith.constant 1440 : index
    %swap3A_184 = tpu.vector_load %arg5[%swap3A_183] {strides = array<i32>} : memref<4352xi32, #tpu.memory_space<vmem>>, vector<16xi32>,
    tpu.vector_store %arg5[%swap3A_183], %broadcast_in_dim3A_3 {strides = array<i32>} : memref<4352xi32, #tpu.memory_space<vmem>>, vector<16xi32>,
    %swap3A_185 = arith.constant 1456 : index
    %swap3A_186 = tpu.vector_load %arg5[%swap3A_185] {strides = array<i32>} : memref<4352xi32, #tpu.memory_space<vmem>>, vector<16xi32>,
    tpu.vector_store %arg5[%swap3A_185], %broadcast_in_dim3A_3 {strides = array<i32>} : memref<4352xi32, #tpu.memory_space<vmem>>, vector<16xi32>,
    %swap3A_187 = arith.constant 1472 : index
    %swap3A_188 = tpu.vector_load %arg5[%swap3A_187] {strides = array<i32>} : memref<4352xi32, #tpu.memory_space<vmem>>, vector<16xi32>,
    tpu.vector_store %arg5[%swap3A_187], %broadcast_in_dim3A_3 {strides = array<i32>} : memref<4352xi32, #tpu.memory_space<vmem>>, vector<16xi32>,
    %swap3A_189 = arith.constant 1488 : index
    %swap3A_190 = tpu.vector_load %arg5[%swap3A_189] {strides = array<i32>} : memref<4352xi32, #tpu.memory_space<vmem>>, vector<16xi32>,
    tpu.vector_store %arg5[%swap3A_189], %broadcast_in_dim3A_3 {strides = array<i32>} : memref<4352xi32, #tpu.memory_space<vmem>>, vector<16xi32>,
    %swap3A_191 = arith.constant 1504 : index
    %swap3A_192 = tpu.vector_load %arg5[%swap3A_191] {strides = array<i32>} : memref<4352xi32, #tpu.memory_space<vmem>>, vector<16xi32>,
    tpu.vector_store %arg5[%swap3A_191], %broadcast_in_dim3A_3 {strides = array<i32>} : memref<4352xi32, #tpu.memory_space<vmem>>, vector<16xi32>,
    %swap3A_193 = arith.constant 1520 : index
    %swap3A_194 = tpu.vector_load %arg5[%swap3A_193] {strides = array<i32>} : memref<4352xi32, #tpu.memory_space<vmem>>, vector<16xi32>,
    tpu.vector_store %arg5[%swap3A_193], %broadcast_in_dim3A_3 {strides = array<i32>} : memref<4352xi32, #tpu.memory_space<vmem>>, vector<16xi32>,
    %swap3A_195 = arith.constant 1536 : index
    %swap3A_196 = tpu.vector_load %arg5[%swap3A_195] {strides = array<i32>} : memref<4352xi32, #tpu.memory_space<vmem>>, vector<16xi32>,
    tpu.vector_store %arg5[%swap3A_195], %broadcast_in_dim3A_3 {strides = array<i32>} : memref<4352xi32, #tpu.memory_space<vmem>>, vector<16xi32>,
    %swap3A_197 = arith.constant 1552 : index
    %swap3A_198 = tpu.vector_load %arg5[%swap3A_197] {strides = array<i32>} : memref<4352xi32, #tpu.memory_space<vmem>>, vector<16xi32>,
    tpu.vector_store %arg5[%swap3A_197], %broadcast_in_dim3A_3 {strides = array<i32>} : memref<4352xi32, #tpu.memory_space<vmem>>, vector<16xi32>,
    %swap3A_199 = arith.constant 1568 : index
    %swap3A_200 = tpu.vector_load %arg5[%swap3A_199] {strides = array<i32>} : memref<4352xi32, #tpu.memory_space<vmem>>, vector<16xi32>,
    tpu.vector_store %arg5[%swap3A_199], %broadcast_in_dim3A_3 {strides = array<i32>} : memref<4352xi32, #tpu.memory_space<vmem>>, vector<16xi32>,
    %swap3A_201 = arith.constant 1584 : index
    %swap3A_202 = tpu.vector_load %arg5[%swap3A_201] {strides = array<i32>} : memref<4352xi32, #tpu.memory_space<vmem>>, vector<16xi32>,
    tpu.vector_store %arg5[%swap3A_201], %broadcast_in_dim3A_3 {strides = array<i32>} : memref<4352xi32, #tpu.memory_space<vmem>>, vector<16xi32>,
    %swap3A_203 = arith.constant 1600 : index
    %swap3A_204 = tpu.vector_load %arg5[%swap3A_203] {strides = array<i32>} : memref<4352xi32, #tpu.memory_space<vmem>>, vector<16xi32>,
    tpu.vector_store %arg5[%swap3A_203], %broadcast_in_dim3A_3 {strides = array<i32>} : memref<4352xi32, #tpu.memory_space<vmem>>, vector<16xi32>,
    %swap3A_205 = arith.constant 1616 : index
    %swap3A_206 = tpu.vector_load %arg5[%swap3A_205] {strides = array<i32>} : memref<4352xi32, #tpu.memory_space<vmem>>, vector<16xi32>,
    tpu.vector_store %arg5[%swap3A_205], %broadcast_in_dim3A_3 {strides = array<i32>} : memref<4352xi32, #tpu.memory_space<vmem>>, vector<16xi32>,
    %swap3A_207 = arith.constant 1632 : index
    %swap3A_208 = tpu.vector_load %arg5[%swap3A_207] {strides = array<i32>} : memref<4352xi32, #tpu.memory_space<vmem>>, vector<16xi32>,
    tpu.vector_store %arg5[%swap3A_207], %broadcast_in_dim3A_3 {strides = array<i32>} : memref<4352xi32, #tpu.memory_space<vmem>>, vector<16xi32>,
    %swap3A_209 = arith.constant 1648 : index
    %swap3A_210 = tpu.vector_load %arg5[%swap3A_209] {strides = array<i32>} : memref<4352xi32, #tpu.memory_space<vmem>>, vector<16xi32>,
    tpu.vector_store %arg5[%swap3A_209], %broadcast_in_dim3A_3 {strides = array<i32>} : memref<4352xi32, #tpu.memory_space<vmem>>, vector<16xi32>,
    %swap3A_211 = arith.constant 1664 : index
    %swap3A_212 = tpu.vector_load %arg5[%swap3A_211] {strides = array<i32>} : memref<4352xi32, #tpu.memory_space<vmem>>, vector<16xi32>,
    tpu.vector_store %arg5[%swap3A_211], %broadcast_in_dim3A_3 {strides = array<i32>} : memref<4352xi32, #tpu.memory_space<vmem>>, vector<16xi32>,
    %swap3A_213 = arith.constant 1680 : index
    %swap3A_214 = tpu.vector_load %arg5[%swap3A_213] {strides = array<i32>} : memref<4352xi32, #tpu.memory_space<vmem>>, vector<16xi32>,
    tpu.vector_store %arg5[%swap3A_213], %broadcast_in_dim3A_3 {strides = array<i32>} : memref<4352xi32, #tpu.memory_space<vmem>>, vector<16xi32>,
    %swap3A_215 = arith.constant 1696 : index
    %swap3A_216 = tpu.vector_load %arg5[%swap3A_215] {strides = array<i32>} : memref<4352xi32, #tpu.memory_space<vmem>>, vector<16xi32>,
    tpu.vector_store %arg5[%swap3A_215], %broadcast_in_dim3A_3 {strides = array<i32>} : memref<4352xi32, #tpu.memory_space<vmem>>, vector<16xi32>,
    %swap3A_217 = arith.constant 1712 : index
    %swap3A_218 = tpu.vector_load %arg5[%swap3A_217] {strides = array<i32>} : memref<4352xi32, #tpu.memory_space<vmem>>, vector<16xi32>,
    tpu.vector_store %arg5[%swap3A_217], %broadcast_in_dim3A_3 {strides = array<i32>} : memref<4352xi32, #tpu.memory_space<vmem>>, vector<16xi32>,
    %swap3A_219 = arith.constant 1728 : index
    %swap3A_220 = tpu.vector_load %arg5[%swap3A_219] {strides = array<i32>} : memref<4352xi32, #tpu.memory_space<vmem>>, vector<16xi32>,
    tpu.vector_store %arg5[%swap3A_219], %broadcast_in_dim3A_3 {strides = array<i32>} : memref<4352xi32, #tpu.memory_space<vmem>>, vector<16xi32>,
    %swap3A_221 = arith.constant 1744 : index
    %swap3A_222 = tpu.vector_load %arg5[%swap3A_221] {strides = array<i32>} : memref<4352xi32, #tpu.memory_space<vmem>>, vector<16xi32>,
    tpu.vector_store %arg5[%swap3A_221], %broadcast_in_dim3A_3 {strides = array<i32>} : memref<4352xi32, #tpu.memory_space<vmem>>, vector<16xi32>,
    %swap3A_223 = arith.constant 1760 : index
    %swap3A_224 = tpu.vector_load %arg5[%swap3A_223] {strides = array<i32>} : memref<4352xi32, #tpu.memory_space<vmem>>, vector<16xi32>,
    tpu.vector_store %arg5[%swap3A_223], %broadcast_in_dim3A_3 {strides = array<i32>} : memref<4352xi32, #tpu.memory_space<vmem>>, vector<16xi32>,
    %swap3A_225 = arith.constant 1776 : index
    %swap3A_226 = tpu.vector_load %arg5[%swap3A_225] {strides = array<i32>} : memref<4352xi32, #tpu.memory_space<vmem>>, vector<16xi32>,
    tpu.vector_store %arg5[%swap3A_225], %broadcast_in_dim3A_3 {strides = array<i32>} : memref<4352xi32, #tpu.memory_space<vmem>>, vector<16xi32>,
    %swap3A_227 = arith.constant 1792 : index
    %swap3A_228 = tpu.vector_load %arg5[%swap3A_227] {strides = array<i32>} : memref<4352xi32, #tpu.memory_space<vmem>>, vector<16xi32>,
    tpu.vector_store %arg5[%swap3A_227], %broadcast_in_dim3A_3 {strides = array<i32>} : memref<4352xi32, #tpu.memory_space<vmem>>, vector<16xi32>,
    %swap3A_229 = arith.constant 1808 : index
    %swap3A_230 = tpu.vector_load %arg5[%swap3A_229] {strides = array<i32>} : memref<4352xi32, #tpu.memory_space<vmem>>, vector<16xi32>,
    tpu.vector_store %arg5[%swap3A_229], %broadcast_in_dim3A_3 {strides = array<i32>} : memref<4352xi32, #tpu.memory_space<vmem>>, vector<16xi32>,
    %swap3A_231 = arith.constant 1824 : index
    %swap3A_232 = tpu.vector_load %arg5[%swap3A_231] {strides = array<i32>} : memref<4352xi32, #tpu.memory_space<vmem>>, vector<16xi32>,
    tpu.vector_store %arg5[%swap3A_231], %broadcast_in_dim3A_3 {strides = array<i32>} : memref<4352xi32, #tpu.memory_space<vmem>>, vector<16xi32>,
    %swap3A_233 = arith.constant 1840 : index
    %swap3A_234 = tpu.vector_load %arg5[%swap3A_233] {strides = array<i32>} : memref<4352xi32, #tpu.memory_space<vmem>>, vector<16xi32>,
    tpu.vector_store %arg5[%swap3A_233], %broadcast_in_dim3A_3 {strides = array<i32>} : memref<4352xi32, #tpu.memory_space<vmem>>, vector<16xi32>,
    %swap3A_235 = arith.constant 1856 : index
    %swap3A_236 = tpu.vector_load %arg5[%swap3A_235] {strides = array<i32>} : memref<4352xi32, #tpu.memory_space<vmem>>, vector<16xi32>,
    tpu.vector_store %arg5[%swap3A_235], %broadcast_in_dim3A_3 {strides = array<i32>} : memref<4352xi32, #tpu.memory_space<vmem>>, vector<16xi32>,
    %swap3A_237 = arith.constant 1872 : index
    %swap3A_238 = tpu.vector_load %arg5[%swap3A_237] {strides = array<i32>} : memref<4352xi32, #tpu.memory_space<vmem>>, vector<16xi32>,
    tpu.vector_store %arg5[%swap3A_237], %broadcast_in_dim3A_3 {strides = array<i32>} : memref<4352xi32, #tpu.memory_space<vmem>>, vector<16xi32>,
    %swap3A_239 = arith.constant 1888 : index
    %swap3A_240 = tpu.vector_load %arg5[%swap3A_239] {strides = array<i32>} : memref<4352xi32, #tpu.memory_space<vmem>>, vector<16xi32>,
    tpu.vector_store %arg5[%swap3A_239], %broadcast_in_dim3A_3 {strides = array<i32>} : memref<4352xi32, #tpu.memory_space<vmem>>, vector<16xi32>,
    %swap3A_241 = arith.constant 1904 : index
    %swap3A_242 = tpu.vector_load %arg5[%swap3A_241] {strides = array<i32>} : memref<4352xi32, #tpu.memory_space<vmem>>, vector<16xi32>,
    tpu.vector_store %arg5[%swap3A_241], %broadcast_in_dim3A_3 {strides = array<i32>} : memref<4352xi32, #tpu.memory_space<vmem>>, vector<16xi32>,
    %swap3A_243 = arith.constant 1920 : index
    %swap3A_244 = tpu.vector_load %arg5[%swap3A_243] {strides = array<i32>} : memref<4352xi32, #tpu.memory_space<vmem>>, vector<16xi32>,
    tpu.vector_store %arg5[%swap3A_243], %broadcast_in_dim3A_3 {strides = array<i32>} : memref<4352xi32, #tpu.memory_space<vmem>>, vector<16xi32>,
    %swap3A_245 = arith.constant 1936 : index
    %swap3A_246 = tpu.vector_load %arg5[%swap3A_245] {strides = array<i32>} : memref<4352xi32, #tpu.memory_space<vmem>>, vector<16xi32>,
    tpu.vector_store %arg5[%swap3A_245], %broadcast_in_dim3A_3 {strides = array<i32>} : memref<4352xi32, #tpu.memory_space<vmem>>, vector<16xi32>,
    %swap3A_247 = arith.constant 1952 : index
    %swap3A_248 = tpu.vector_load %arg5[%swap3A_247] {strides = array<i32>} : memref<4352xi32, #tpu.memory_space<vmem>>, vector<16xi32>,
    tpu.vector_store %arg5[%swap3A_247], %broadcast_in_dim3A_3 {strides = array<i32>} : memref<4352xi32, #tpu.memory_space<vmem>>, vector<16xi32>,
    %swap3A_249 = arith.constant 1968 : index
    %swap3A_250 = tpu.vector_load %arg5[%swap3A_249] {strides = array<i32>} : memref<4352xi32, #tpu.memory_space<vmem>>, vector<16xi32>,
    tpu.vector_store %arg5[%swap3A_249], %broadcast_in_dim3A_3 {strides = array<i32>} : memref<4352xi32, #tpu.memory_space<vmem>>, vector<16xi32>,
    %swap3A_251 = arith.constant 1984 : index
    %swap3A_252 = tpu.vector_load %arg5[%swap3A_251] {strides = array<i32>} : memref<4352xi32, #tpu.memory_space<vmem>>, vector<16xi32>,
    tpu.vector_store %arg5[%swap3A_251], %broadcast_in_dim3A_3 {strides = array<i32>} : memref<4352xi32, #tpu.memory_space<vmem>>, vector<16xi32>,
    %swap3A_253 = arith.constant 2000 : index
    %swap3A_254 = tpu.vector_load %arg5[%swap3A_253] {strides = array<i32>} : memref<4352xi32, #tpu.memory_space<vmem>>, vector<16xi32>,
    tpu.vector_store %arg5[%swap3A_253], %broadcast_in_dim3A_3 {strides = array<i32>} : memref<4352xi32, #tpu.memory_space<vmem>>, vector<16xi32>,
    %swap3A_255 = arith.constant 2016 : index
    %swap3A_256 = tpu.vector_load %arg5[%swap3A_255] {strides = array<i32>} : memref<4352xi32, #tpu.memory_space<vmem>>, vector<16xi32>,
    tpu.vector_store %arg5[%swap3A_255], %broadcast_in_dim3A_3 {strides = array<i32>} : memref<4352xi32, #tpu.memory_space<vmem>>, vector<16xi32>,
    %swap3A_257 = arith.constant 2032 : index
    %swap3A_258 = tpu.vector_load %arg5[%swap3A_257] {strides = array<i32>} : memref<4352xi32, #tpu.memory_space<vmem>>, vector<16xi32>,
    tpu.vector_store %arg5[%swap3A_257], %broadcast_in_dim3A_3 {strides = array<i32>} : memref<4352xi32, #tpu.memory_space<vmem>>, vector<16xi32>,
    %swap3A_259 = arith.constant 2048 : index
    %swap3A_260 = tpu.vector_load %arg5[%swap3A_259] {strides = array<i32>} : memref<4352xi32, #tpu.memory_space<vmem>>, vector<16xi32>,
    tpu.vector_store %arg5[%swap3A_259], %broadcast_in_dim3A_3 {strides = array<i32>} : memref<4352xi32, #tpu.memory_space<vmem>>, vector<16xi32>,
    %swap3A_261 = arith.constant 2064 : index
    %swap3A_262 = tpu.vector_load %arg5[%swap3A_261] {strides = array<i32>} : memref<4352xi32, #tpu.memory_space<vmem>>, vector<16xi32>,
    tpu.vector_store %arg5[%swap3A_261], %broadcast_in_dim3A_3 {strides = array<i32>} : memref<4352xi32, #tpu.memory_space<vmem>>, vector<16xi32>,
    %swap3A_263 = arith.constant 2080 : index
    %swap3A_264 = tpu.vector_load %arg5[%swap3A_263] {strides = array<i32>} : memref<4352xi32, #tpu.memory_space<vmem>>, vector<16xi32>,
    tpu.vector_store %arg5[%swap3A_263], %broadcast_in_dim3A_3 {strides = array<i32>} : memref<4352xi32, #tpu.memory_space<vmem>>, vector<16xi32>,
    %swap3A_265 = arith.constant 2096 : index
    %swap3A_266 = tpu.vector_load %arg5[%swap3A_265] {strides = array<i32>} : memref<4352xi32, #tpu.memory_space<vmem>>, vector<16xi32>,
    tpu.vector_store %arg5[%swap3A_265], %broadcast_in_dim3A_3 {strides = array<i32>} : memref<4352xi32, #tpu.memory_space<vmem>>, vector<16xi32>,
    %swap3A_267 = arith.constant 2112 : index
    %swap3A_268 = tpu.vector_load %arg5[%swap3A_267] {strides = array<i32>} : memref<4352xi32, #tpu.memory_space<vmem>>, vector<16xi32>,
    tpu.vector_store %arg5[%swap3A_267], %broadcast_in_dim3A_3 {strides = array<i32>} : memref<4352xi32, #tpu.memory_space<vmem>>, vector<16xi32>,
    %swap3A_269 = arith.constant 2128 : index
    %swap3A_270 = tpu.vector_load %arg5[%swap3A_269] {strides = array<i32>} : memref<4352xi32, #tpu.memory_space<vmem>>, vector<16xi32>,
    tpu.vector_store %arg5[%swap3A_269], %broadcast_in_dim3A_3 {strides = array<i32>} : memref<4352xi32, #tpu.memory_space<vmem>>, vector<16xi32>,
    %swap3A_271 = arith.constant 2144 : index
    %swap3A_272 = tpu.vector_load %arg5[%swap3A_271] {strides = array<i32>} : memref<4352xi32, #tpu.memory_space<vmem>>, vector<16xi32>,
    tpu.vector_store %arg5[%swap3A_271], %broadcast_in_dim3A_3 {strides = array<i32>} : memref<4352xi32, #tpu.memory_space<vmem>>, vector<16xi32>,
    %swap3A_273 = arith.constant 2160 : index
    %swap3A_274 = tpu.vector_load %arg5[%swap3A_273] {strides = array<i32>} : memref<4352xi32, #tpu.memory_space<vmem>>, vector<16xi32>,
    tpu.vector_store %arg5[%swap3A_273], %broadcast_in_dim3A_3 {strides = array<i32>} : memref<4352xi32, #tpu.memory_space<vmem>>, vector<16xi32>,
    %swap3A_275 = arith.constant 2176 : index
    %swap3A_276 = tpu.vector_load %arg5[%swap3A_275] {strides = array<i32>} : memref<4352xi32, #tpu.memory_space<vmem>>, vector<16xi32>,
    tpu.vector_store %arg5[%swap3A_275], %broadcast_in_dim3A_3 {strides = array<i32>} : memref<4352xi32, #tpu.memory_space<vmem>>, vector<16xi32>,
    %swap3A_277 = arith.constant 2192 : index
    %swap3A_278 = tpu.vector_load %arg5[%swap3A_277] {strides = array<i32>} : memref<4352xi32, #tpu.memory_space<vmem>>, vector<16xi32>,
    tpu.vector_store %arg5[%swap3A_277], %broadcast_in_dim3A_3 {strides = array<i32>} : memref<4352xi32, #tpu.memory_space<vmem>>, vector<16xi32>,
    %swap3A_279 = arith.constant 2208 : index
    %swap3A_280 = tpu.vector_load %arg5[%swap3A_279] {strides = array<i32>} : memref<4352xi32, #tpu.memory_space<vmem>>, vector<16xi32>,
    tpu.vector_store %arg5[%swap3A_279], %broadcast_in_dim3A_3 {strides = array<i32>} : memref<4352xi32, #tpu.memory_space<vmem>>, vector<16xi32>,
    %swap3A_281 = arith.constant 2224 : index
    %swap3A_282 = tpu.vector_load %arg5[%swap3A_281] {strides = array<i32>} : memref<4352xi32, #tpu.memory_space<vmem>>, vector<16xi32>,
    tpu.vector_store %arg5[%swap3A_281], %broadcast_in_dim3A_3 {strides = array<i32>} : memref<4352xi32, #tpu.memory_space<vmem>>, vector<16xi32>,
    %swap3A_283 = arith.constant 2240 : index
    %swap3A_284 = tpu.vector_load %arg5[%swap3A_283] {strides = array<i32>} : memref<4352xi32, #tpu.memory_space<vmem>>, vector<16xi32>,
    tpu.vector_store %arg5[%swap3A_283], %broadcast_in_dim3A_3 {strides = array<i32>} : memref<4352xi32, #tpu.memory_space<vmem>>, vector<16xi32>,
    %swap3A_285 = arith.constant 2256 : index
    %swap3A_286 = tpu.vector_load %arg5[%swap3A_285] {strides = array<i32>} : memref<4352xi32, #tpu.memory_space<vmem>>, vector<16xi32>,
    tpu.vector_store %arg5[%swap3A_285], %broadcast_in_dim3A_3 {strides = array<i32>} : memref<4352xi32, #tpu.memory_space<vmem>>, vector<16xi32>,
    %swap3A_287 = arith.constant 2272 : index
    %swap3A_288 = tpu.vector_load %arg5[%swap3A_287] {strides = array<i32>} : memref<4352xi32, #tpu.memory_space<vmem>>, vector<16xi32>,
    tpu.vector_store %arg5[%swap3A_287], %broadcast_in_dim3A_3 {strides = array<i32>} : memref<4352xi32, #tpu.memory_space<vmem>>, vector<16xi32>,
    %swap3A_289 = arith.constant 2288 : index
    %swap3A_290 = tpu.vector_load %arg5[%swap3A_289] {strides = array<i32>} : memref<4352xi32, #tpu.memory_space<vmem>>, vector<16xi32>,
    tpu.vector_store %arg5[%swap3A_289], %broadcast_in_dim3A_3 {strides = array<i32>} : memref<4352xi32, #tpu.memory_space<vmem>>, vector<16xi32>,
    %swap3A_291 = arith.constant 2304 : index
    %swap3A_292 = tpu.vector_load %arg5[%swap3A_291] {strides = array<i32>} : memref<4352xi32, #tpu.memory_space<vmem>>, vector<16xi32>,
    tpu.vector_store %arg5[%swap3A_291], %broadcast_in_dim3A_3 {strides = array<i32>} : memref<4352xi32, #tpu.memory_space<vmem>>, vector<16xi32>,
    %swap3A_293 = arith.constant 2320 : index
    %swap3A_294 = tpu.vector_load %arg5[%swap3A_293] {strides = array<i32>} : memref<4352xi32, #tpu.memory_space<vmem>>, vector<16xi32>,
    tpu.vector_store %arg5[%swap3A_293], %broadcast_in_dim3A_3 {strides = array<i32>} : memref<4352xi32, #tpu.memory_space<vmem>>, vector<16xi32>,
    %swap3A_295 = arith.constant 2336 : index
    %swap3A_296 = tpu.vector_load %arg5[%swap3A_295] {strides = array<i32>} : memref<4352xi32, #tpu.memory_space<vmem>>, vector<16xi32>,
    tpu.vector_store %arg5[%swap3A_295], %broadcast_in_dim3A_3 {strides = array<i32>} : memref<4352xi32, #tpu.memory_space<vmem>>, vector<16xi32>,
    %swap3A_297 = arith.constant 2352 : index
    %swap3A_298 = tpu.vector_load %arg5[%swap3A_297] {strides = array<i32>} : memref<4352xi32, #tpu.memory_space<vmem>>, vector<16xi32>,
    tpu.vector_store %arg5[%swap3A_297], %broadcast_in_dim3A_3 {strides = array<i32>} : memref<4352xi32, #tpu.memory_space<vmem>>, vector<16xi32>,
    %swap3A_299 = arith.constant 2368 : index
    %swap3A_300 = tpu.vector_load %arg5[%swap3A_299] {strides = array<i32>} : memref<4352xi32, #tpu.memory_space<vmem>>, vector<16xi32>,
    tpu.vector_store %arg5[%swap3A_299], %broadcast_in_dim3A_3 {strides = array<i32>} : memref<4352xi32, #tpu.memory_space<vmem>>, vector<16xi32>,
    %swap3A_301 = arith.constant 2384 : index
    %swap3A_302 = tpu.vector_load %arg5[%swap3A_301] {strides = array<i32>} : memref<4352xi32, #tpu.memory_space<vmem>>, vector<16xi32>,
    tpu.vector_store %arg5[%swap3A_301], %broadcast_in_dim3A_3 {strides = array<i32>} : memref<4352xi32, #tpu.memory_space<vmem>>, vector<16xi32>,
    %swap3A_303 = arith.constant 2400 : index
    %swap3A_304 = tpu.vector_load %arg5[%swap3A_303] {strides = array<i32>} : memref<4352xi32, #tpu.memory_space<vmem>>, vector<16xi32>,
    tpu.vector_store %arg5[%swap3A_303], %broadcast_in_dim3A_3 {strides = array<i32>} : memref<4352xi32, #tpu.memory_space<vmem>>, vector<16xi32>,
    %swap3A_305 = arith.constant 2416 : index
    %swap3A_306 = tpu.vector_load %arg5[%swap3A_305] {strides = array<i32>} : memref<4352xi32, #tpu.memory_space<vmem>>, vector<16xi32>,
    tpu.vector_store %arg5[%swap3A_305], %broadcast_in_dim3A_3 {strides = array<i32>} : memref<4352xi32, #tpu.memory_space<vmem>>, vector<16xi32>,
    %swap3A_307 = arith.constant 2432 : index
    %swap3A_308 = tpu.vector_load %arg5[%swap3A_307] {strides = array<i32>} : memref<4352xi32, #tpu.memory_space<vmem>>, vector<16xi32>,
    tpu.vector_store %arg5[%swap3A_307], %broadcast_in_dim3A_3 {strides = array<i32>} : memref<4352xi32, #tpu.memory_space<vmem>>, vector<16xi32>,
    %swap3A_309 = arith.constant 2448 : index
    %swap3A_310 = tpu.vector_load %arg5[%swap3A_309] {strides = array<i32>} : memref<4352xi32, #tpu.memory_space<vmem>>, vector<16xi32>,
    tpu.vector_store %arg5[%swap3A_309], %broadcast_in_dim3A_3 {strides = array<i32>} : memref<4352xi32, #tpu.memory_space<vmem>>, vector<16xi32>,
    %swap3A_311 = arith.constant 2464 : index
    %swap3A_312 = tpu.vector_load %arg5[%swap3A_311] {strides = array<i32>} : memref<4352xi32, #tpu.memory_space<vmem>>, vector<16xi32>,
    tpu.vector_store %arg5[%swap3A_311], %broadcast_in_dim3A_3 {strides = array<i32>} : memref<4352xi32, #tpu.memory_space<vmem>>, vector<16xi32>,
    %swap3A_313 = arith.constant 2480 : index
    %swap3A_314 = tpu.vector_load %arg5[%swap3A_313] {strides = array<i32>} : memref<4352xi32, #tpu.memory_space<vmem>>, vector<16xi32>,
    tpu.vector_store %arg5[%swap3A_313], %broadcast_in_dim3A_3 {strides = array<i32>} : memref<4352xi32, #tpu.memory_space<vmem>>, vector<16xi32>,
    %swap3A_315 = arith.constant 2496 : index
    %swap3A_316 = tpu.vector_load %arg5[%swap3A_315] {strides = array<i32>} : memref<4352xi32, #tpu.memory_space<vmem>>, vector<16xi32>,
    tpu.vector_store %arg5[%swap3A_315], %broadcast_in_dim3A_3 {strides = array<i32>} : memref<4352xi32, #tpu.memory_space<vmem>>, vector<16xi32>,
    %swap3A_317 = arith.constant 2512 : index
    %swap3A_318 = tpu.vector_load %arg5[%swap3A_317] {strides = array<i32>} : memref<4352xi32, #tpu.memory_space<vmem>>, vector<16xi32>,
    tpu.vector_store %arg5[%swap3A_317], %broadcast_in_dim3A_3 {strides = array<i32>} : memref<4352xi32, #tpu.memory_space<vmem>>, vector<16xi32>,
    %swap3A_319 = arith.constant 2528 : index
    %swap3A_320 = tpu.vector_load %arg5[%swap3A_319] {strides = array<i32>} : memref<4352xi32, #tpu.memory_space<vmem>>, vector<16xi32>,
    tpu.vector_store %arg5[%swap3A_319], %broadcast_in_dim3A_3 {strides = array<i32>} : memref<4352xi32, #tpu.memory_space<vmem>>, vector<16xi32>,
    %swap3A_321 = arith.constant 2544 : index
    %swap3A_322 = tpu.vector_load %arg5[%swap3A_321] {strides = array<i32>} : memref<4352xi32, #tpu.memory_space<vmem>>, vector<16xi32>,
    tpu.vector_store %arg5[%swap3A_321], %broadcast_in_dim3A_3 {strides = array<i32>} : memref<4352xi32, #tpu.memory_space<vmem>>, vector<16xi32>,
    %swap3A_323 = arith.constant 2560 : index
    %swap3A_324 = tpu.vector_load %arg5[%swap3A_323] {strides = array<i32>} : memref<4352xi32, #tpu.memory_space<vmem>>, vector<16xi32>,
    tpu.vector_store %arg5[%swap3A_323], %broadcast_in_dim3A_3 {strides = array<i32>} : memref<4352xi32, #tpu.memory_space<vmem>>, vector<16xi32>,
    %swap3A_325 = arith.constant 2576 : index
    %swap3A_326 = tpu.vector_load %arg5[%swap3A_325] {strides = array<i32>} : memref<4352xi32, #tpu.memory_space<vmem>>, vector<16xi32>,
    tpu.vector_store %arg5[%swap3A_325], %broadcast_in_dim3A_3 {strides = array<i32>} : memref<4352xi32, #tpu.memory_space<vmem>>, vector<16xi32>,
    %swap3A_327 = arith.constant 2592 : index
    %swap3A_328 = tpu.vector_load %arg5[%swap3A_327] {strides = array<i32>} : memref<4352xi32, #tpu.memory_space<vmem>>, vector<16xi32>,
    tpu.vector_store %arg5[%swap3A_327], %broadcast_in_dim3A_3 {strides = array<i32>} : memref<4352xi32, #tpu.memory_space<vmem>>, vector<16xi32>,
    %swap3A_329 = arith.constant 2608 : index
    %swap3A_330 = tpu.vector_load %arg5[%swap3A_329] {strides = array<i32>} : memref<4352xi32, #tpu.memory_space<vmem>>, vector<16xi32>,
    tpu.vector_store %arg5[%swap3A_329], %broadcast_in_dim3A_3 {strides = array<i32>} : memref<4352xi32, #tpu.memory_space<vmem>>, vector<16xi32>,
    %swap3A_331 = arith.constant 2624 : index
    %swap3A_332 = tpu.vector_load %arg5[%swap3A_331] {strides = array<i32>} : memref<4352xi32, #tpu.memory_space<vmem>>, vector<16xi32>,
    tpu.vector_store %arg5[%swap3A_331], %broadcast_in_dim3A_3 {strides = array<i32>} : memref<4352xi32, #tpu.memory_space<vmem>>, vector<16xi32>,
    %swap3A_333 = arith.constant 2640 : index
    %swap3A_334 = tpu.vector_load %arg5[%swap3A_333] {strides = array<i32>} : memref<4352xi32, #tpu.memory_space<vmem>>, vector<16xi32>,
    tpu.vector_store %arg5[%swap3A_333], %broadcast_in_dim3A_3 {strides = array<i32>} : memref<4352xi32, #tpu.memory_space<vmem>>, vector<16xi32>,
    %swap3A_335 = arith.constant 2656 : index
    %swap3A_336 = tpu.vector_load %arg5[%swap3A_335] {strides = array<i32>} : memref<4352xi32, #tpu.memory_space<vmem>>, vector<16xi32>,
    tpu.vector_store %arg5[%swap3A_335], %broadcast_in_dim3A_3 {strides = array<i32>} : memref<4352xi32, #tpu.memory_space<vmem>>, vector<16xi32>,
    %swap3A_337 = arith.constant 2672 : index
    %swap3A_338 = tpu.vector_load %arg5[%swap3A_337] {strides = array<i32>} : memref<4352xi32, #tpu.memory_space<vmem>>, vector<16xi32>,
    tpu.vector_store %arg5[%swap3A_337], %broadcast_in_dim3A_3 {strides = array<i32>} : memref<4352xi32, #tpu.memory_space<vmem>>, vector<16xi32>,
    %swap3A_339 = arith.constant 2688 : index
    %swap3A_340 = tpu.vector_load %arg5[%swap3A_339] {strides = array<i32>} : memref<4352xi32, #tpu.memory_space<vmem>>, vector<16xi32>,
    tpu.vector_store %arg5[%swap3A_339], %broadcast_in_dim3A_3 {strides = array<i32>} : memref<4352xi32, #tpu.memory_space<vmem>>, vector<16xi32>,
    %swap3A_341 = arith.constant 2704 : index
    %swap3A_342 = tpu.vector_load %arg5[%swap3A_341] {strides = array<i32>} : memref<4352xi32, #tpu.memory_space<vmem>>, vector<16xi32>,
    tpu.vector_store %arg5[%swap3A_341], %broadcast_in_dim3A_3 {strides = array<i32>} : memref<4352xi32, #tpu.memory_space<vmem>>, vector<16xi32>,
    %swap3A_343 = arith.constant 2720 : index
    %swap3A_344 = tpu.vector_load %arg5[%swap3A_343] {strides = array<i32>} : memref<4352xi32, #tpu.memory_space<vmem>>, vector<16xi32>,
    tpu.vector_store %arg5[%swap3A_343], %broadcast_in_dim3A_3 {strides = array<i32>} : memref<4352xi32, #tpu.memory_space<vmem>>, vector<16xi32>,
    %swap3A_345 = arith.constant 2736 : index
    %swap3A_346 = tpu.vector_load %arg5[%swap3A_345] {strides = array<i32>} : memref<4352xi32, #tpu.memory_space<vmem>>, vector<16xi32>,
    tpu.vector_store %arg5[%swap3A_345], %broadcast_in_dim3A_3 {strides = array<i32>} : memref<4352xi32, #tpu.memory_space<vmem>>, vector<16xi32>,
    %swap3A_347 = arith.constant 2752 : index
    %swap3A_348 = tpu.vector_load %arg5[%swap3A_347] {strides = array<i32>} : memref<4352xi32, #tpu.memory_space<vmem>>, vector<16xi32>,
    tpu.vector_store %arg5[%swap3A_347], %broadcast_in_dim3A_3 {strides = array<i32>} : memref<4352xi32, #tpu.memory_space<vmem>>, vector<16xi32>,
    %swap3A_349 = arith.constant 2768 : index
    %swap3A_350 = tpu.vector_load %arg5[%swap3A_349] {strides = array<i32>} : memref<4352xi32, #tpu.memory_space<vmem>>, vector<16xi32>,
    tpu.vector_store %arg5[%swap3A_349], %broadcast_in_dim3A_3 {strides = array<i32>} : memref<4352xi32, #tpu.memory_space<vmem>>, vector<16xi32>,
    %swap3A_351 = arith.constant 2784 : index
    %swap3A_352 = tpu.vector_load %arg5[%swap3A_351] {strides = array<i32>} : memref<4352xi32, #tpu.memory_space<vmem>>, vector<16xi32>,
    tpu.vector_store %arg5[%swap3A_351], %broadcast_in_dim3A_3 {strides = array<i32>} : memref<4352xi32, #tpu.memory_space<vmem>>, vector<16xi32>,
    %swap3A_353 = arith.constant 2800 : index
    %swap3A_354 = tpu.vector_load %arg5[%swap3A_353] {strides = array<i32>} : memref<4352xi32, #tpu.memory_space<vmem>>, vector<16xi32>,
    tpu.vector_store %arg5[%swap3A_353], %broadcast_in_dim3A_3 {strides = array<i32>} : memref<4352xi32, #tpu.memory_space<vmem>>, vector<16xi32>,
    %swap3A_355 = arith.constant 2816 : index
    %swap3A_356 = tpu.vector_load %arg5[%swap3A_355] {strides = array<i32>} : memref<4352xi32, #tpu.memory_space<vmem>>, vector<16xi32>,
    tpu.vector_store %arg5[%swap3A_355], %broadcast_in_dim3A_3 {strides = array<i32>} : memref<4352xi32, #tpu.memory_space<vmem>>, vector<16xi32>,
    %swap3A_357 = arith.constant 2832 : index
    %swap3A_358 = tpu.vector_load %arg5[%swap3A_357] {strides = array<i32>} : memref<4352xi32, #tpu.memory_space<vmem>>, vector<16xi32>,
    tpu.vector_store %arg5[%swap3A_357], %broadcast_in_dim3A_3 {strides = array<i32>} : memref<4352xi32, #tpu.memory_space<vmem>>, vector<16xi32>,
    %swap3A_359 = arith.constant 2848 : index
    %swap3A_360 = tpu.vector_load %arg5[%swap3A_359] {strides = array<i32>} : memref<4352xi32, #tpu.memory_space<vmem>>, vector<16xi32>,
    tpu.vector_store %arg5[%swap3A_359], %broadcast_in_dim3A_3 {strides = array<i32>} : memref<4352xi32, #tpu.memory_space<vmem>>, vector<16xi32>,
    %swap3A_361 = arith.constant 2864 : index
    %swap3A_362 = tpu.vector_load %arg5[%swap3A_361] {strides = array<i32>} : memref<4352xi32, #tpu.memory_space<vmem>>, vector<16xi32>,
    tpu.vector_store %arg5[%swap3A_361], %broadcast_in_dim3A_3 {strides = array<i32>} : memref<4352xi32, #tpu.memory_space<vmem>>, vector<16xi32>,
    %swap3A_363 = arith.constant 2880 : index
    %swap3A_364 = tpu.vector_load %arg5[%swap3A_363] {strides = array<i32>} : memref<4352xi32, #tpu.memory_space<vmem>>, vector<16xi32>,
    tpu.vector_store %arg5[%swap3A_363], %broadcast_in_dim3A_3 {strides = array<i32>} : memref<4352xi32, #tpu.memory_space<vmem>>, vector<16xi32>,
    %swap3A_365 = arith.constant 2896 : index
    %swap3A_366 = tpu.vector_load %arg5[%swap3A_365] {strides = array<i32>} : memref<4352xi32, #tpu.memory_space<vmem>>, vector<16xi32>,
    tpu.vector_store %arg5[%swap3A_365], %broadcast_in_dim3A_3 {strides = array<i32>} : memref<4352xi32, #tpu.memory_space<vmem>>, vector<16xi32>,
    %swap3A_367 = arith.constant 2912 : index
    %swap3A_368 = tpu.vector_load %arg5[%swap3A_367] {strides = array<i32>} : memref<4352xi32, #tpu.memory_space<vmem>>, vector<16xi32>,
    tpu.vector_store %arg5[%swap3A_367], %broadcast_in_dim3A_3 {strides = array<i32>} : memref<4352xi32, #tpu.memory_space<vmem>>, vector<16xi32>,
    %swap3A_369 = arith.constant 2928 : index
    %swap3A_370 = tpu.vector_load %arg5[%swap3A_369] {strides = array<i32>} : memref<4352xi32, #tpu.memory_space<vmem>>, vector<16xi32>,
    tpu.vector_store %arg5[%swap3A_369], %broadcast_in_dim3A_3 {strides = array<i32>} : memref<4352xi32, #tpu.memory_space<vmem>>, vector<16xi32>,
    %swap3A_371 = arith.constant 2944 : index
    %swap3A_372 = tpu.vector_load %arg5[%swap3A_371] {strides = array<i32>} : memref<4352xi32, #tpu.memory_space<vmem>>, vector<16xi32>,
    tpu.vector_store %arg5[%swap3A_371], %broadcast_in_dim3A_3 {strides = array<i32>} : memref<4352xi32, #tpu.memory_space<vmem>>, vector<16xi32>,
    %swap3A_373 = arith.constant 2960 : index
    %swap3A_374 = tpu.vector_load %arg5[%swap3A_373] {strides = array<i32>} : memref<4352xi32, #tpu.memory_space<vmem>>, vector<16xi32>,
    tpu.vector_store %arg5[%swap3A_373], %broadcast_in_dim3A_3 {strides = array<i32>} : memref<4352xi32, #tpu.memory_space<vmem>>, vector<16xi32>,
    %swap3A_375 = arith.constant 2976 : index
    %swap3A_376 = tpu.vector_load %arg5[%swap3A_375] {strides = array<i32>} : memref<4352xi32, #tpu.memory_space<vmem>>, vector<16xi32>,
    tpu.vector_store %arg5[%swap3A_375], %broadcast_in_dim3A_3 {strides = array<i32>} : memref<4352xi32, #tpu.memory_space<vmem>>, vector<16xi32>,
    %swap3A_377 = arith.constant 2992 : index
    %swap3A_378 = tpu.vector_load %arg5[%swap3A_377] {strides = array<i32>} : memref<4352xi32, #tpu.memory_space<vmem>>, vector<16xi32>,
    tpu.vector_store %arg5[%swap3A_377], %broadcast_in_dim3A_3 {strides = array<i32>} : memref<4352xi32, #tpu.memory_space<vmem>>, vector<16xi32>,
    %swap3A_379 = arith.constant 3008 : index
    %swap3A_380 = tpu.vector_load %arg5[%swap3A_379] {strides = array<i32>} : memref<4352xi32, #tpu.memory_space<vmem>>, vector<16xi32>,
    tpu.vector_store %arg5[%swap3A_379], %broadcast_in_dim3A_3 {strides = array<i32>} : memref<4352xi32, #tpu.memory_space<vmem>>, vector<16xi32>,
    %swap3A_381 = arith.constant 3024 : index
    %swap3A_382 = tpu.vector_load %arg5[%swap3A_381] {strides = array<i32>} : memref<4352xi32, #tpu.memory_space<vmem>>, vector<16xi32>,
    tpu.vector_store %arg5[%swap3A_381], %broadcast_in_dim3A_3 {strides = array<i32>} : memref<4352xi32, #tpu.memory_space<vmem>>, vector<16xi32>,
    %swap3A_383 = arith.constant 3040 : index
    %swap3A_384 = tpu.vector_load %arg5[%swap3A_383] {strides = array<i32>} : memref<4352xi32, #tpu.memory_space<vmem>>, vector<16xi32>,
    tpu.vector_store %arg5[%swap3A_383], %broadcast_in_dim3A_3 {strides = array<i32>} : memref<4352xi32, #tpu.memory_space<vmem>>, vector<16xi32>,
    %swap3A_385 = arith.constant 3056 : index
    %swap3A_386 = tpu.vector_load %arg5[%swap3A_385] {strides = array<i32>} : memref<4352xi32, #tpu.memory_space<vmem>>, vector<16xi32>,
    tpu.vector_store %arg5[%swap3A_385], %broadcast_in_dim3A_3 {strides = array<i32>} : memref<4352xi32, #tpu.memory_space<vmem>>, vector<16xi32>,
    %swap3A_387 = arith.constant 3072 : index
    %swap3A_388 = tpu.vector_load %arg5[%swap3A_387] {strides = array<i32>} : memref<4352xi32, #tpu.memory_space<vmem>>, vector<16xi32>,
    tpu.vector_store %arg5[%swap3A_387], %broadcast_in_dim3A_3 {strides = array<i32>} : memref<4352xi32, #tpu.memory_space<vmem>>, vector<16xi32>,
    %swap3A_389 = arith.constant 3088 : index
    %swap3A_390 = tpu.vector_load %arg5[%swap3A_389] {strides = array<i32>} : memref<4352xi32, #tpu.memory_space<vmem>>, vector<16xi32>,
    tpu.vector_store %arg5[%swap3A_389], %broadcast_in_dim3A_3 {strides = array<i32>} : memref<4352xi32, #tpu.memory_space<vmem>>, vector<16xi32>,
    %swap3A_391 = arith.constant 3104 : index
    %swap3A_392 = tpu.vector_load %arg5[%swap3A_391] {strides = array<i32>} : memref<4352xi32, #tpu.memory_space<vmem>>, vector<16xi32>,
    tpu.vector_store %arg5[%swap3A_391], %broadcast_in_dim3A_3 {strides = array<i32>} : memref<4352xi32, #tpu.memory_space<vmem>>, vector<16xi32>,
    %swap3A_393 = arith.constant 3120 : index
    %swap3A_394 = tpu.vector_load %arg5[%swap3A_393] {strides = array<i32>} : memref<4352xi32, #tpu.memory_space<vmem>>, vector<16xi32>,
    tpu.vector_store %arg5[%swap3A_393], %broadcast_in_dim3A_3 {strides = array<i32>} : memref<4352xi32, #tpu.memory_space<vmem>>, vector<16xi32>,
    %swap3A_395 = arith.constant 3136 : index
    %swap3A_396 = tpu.vector_load %arg5[%swap3A_395] {strides = array<i32>} : memref<4352xi32, #tpu.memory_space<vmem>>, vector<16xi32>,
    tpu.vector_store %arg5[%swap3A_395], %broadcast_in_dim3A_3 {strides = array<i32>} : memref<4352xi32, #tpu.memory_space<vmem>>, vector<16xi32>,
    %swap3A_397 = arith.constant 3152 : index
    %swap3A_398 = tpu.vector_load %arg5[%swap3A_397] {strides = array<i32>} : memref<4352xi32, #tpu.memory_space<vmem>>, vector<16xi32>,
    tpu.vector_store %arg5[%swap3A_397], %broadcast_in_dim3A_3 {strides = array<i32>} : memref<4352xi32, #tpu.memory_space<vmem>>, vector<16xi32>,
    %swap3A_399 = arith.constant 3168 : index
    %swap3A_400 = tpu.vector_load %arg5[%swap3A_399] {strides = array<i32>} : memref<4352xi32, #tpu.memory_space<vmem>>, vector<16xi32>,
    tpu.vector_store %arg5[%swap3A_399], %broadcast_in_dim3A_3 {strides = array<i32>} : memref<4352xi32, #tpu.memory_space<vmem>>, vector<16xi32>,
    %swap3A_401 = arith.constant 3184 : index
    %swap3A_402 = tpu.vector_load %arg5[%swap3A_401] {strides = array<i32>} : memref<4352xi32, #tpu.memory_space<vmem>>, vector<16xi32>,
    tpu.vector_store %arg5[%swap3A_401], %broadcast_in_dim3A_3 {strides = array<i32>} : memref<4352xi32, #tpu.memory_space<vmem>>, vector<16xi32>,
    %swap3A_403 = arith.constant 3200 : index
    %swap3A_404 = tpu.vector_load %arg5[%swap3A_403] {strides = array<i32>} : memref<4352xi32, #tpu.memory_space<vmem>>, vector<16xi32>,
    tpu.vector_store %arg5[%swap3A_403], %broadcast_in_dim3A_3 {strides = array<i32>} : memref<4352xi32, #tpu.memory_space<vmem>>, vector<16xi32>,
    %swap3A_405 = arith.constant 3216 : index
    %swap3A_406 = tpu.vector_load %arg5[%swap3A_405] {strides = array<i32>} : memref<4352xi32, #tpu.memory_space<vmem>>, vector<16xi32>,
    tpu.vector_store %arg5[%swap3A_405], %broadcast_in_dim3A_3 {strides = array<i32>} : memref<4352xi32, #tpu.memory_space<vmem>>, vector<16xi32>,
    %swap3A_407 = arith.constant 3232 : index
    %swap3A_408 = tpu.vector_load %arg5[%swap3A_407] {strides = array<i32>} : memref<4352xi32, #tpu.memory_space<vmem>>, vector<16xi32>,
    tpu.vector_store %arg5[%swap3A_407], %broadcast_in_dim3A_3 {strides = array<i32>} : memref<4352xi32, #tpu.memory_space<vmem>>, vector<16xi32>,
    %swap3A_409 = arith.constant 3248 : index
    %swap3A_410 = tpu.vector_load %arg5[%swap3A_409] {strides = array<i32>} : memref<4352xi32, #tpu.memory_space<vmem>>, vector<16xi32>,
    tpu.vector_store %arg5[%swap3A_409], %broadcast_in_dim3A_3 {strides = array<i32>} : memref<4352xi32, #tpu.memory_space<vmem>>, vector<16xi32>,
    %swap3A_411 = arith.constant 3264 : index
    %swap3A_412 = tpu.vector_load %arg5[%swap3A_411] {strides = array<i32>} : memref<4352xi32, #tpu.memory_space<vmem>>, vector<16xi32>,
    tpu.vector_store %arg5[%swap3A_411], %broadcast_in_dim3A_3 {strides = array<i32>} : memref<4352xi32, #tpu.memory_space<vmem>>, vector<16xi32>,
    %swap3A_413 = arith.constant 3280 : index
    %swap3A_414 = tpu.vector_load %arg5[%swap3A_413] {strides = array<i32>} : memref<4352xi32, #tpu.memory_space<vmem>>, vector<16xi32>,
    tpu.vector_store %arg5[%swap3A_413], %broadcast_in_dim3A_3 {strides = array<i32>} : memref<4352xi32, #tpu.memory_space<vmem>>, vector<16xi32>,
    %swap3A_415 = arith.constant 3296 : index
    %swap3A_416 = tpu.vector_load %arg5[%swap3A_415] {strides = array<i32>} : memref<4352xi32, #tpu.memory_space<vmem>>, vector<16xi32>,
    tpu.vector_store %arg5[%swap3A_415], %broadcast_in_dim3A_3 {strides = array<i32>} : memref<4352xi32, #tpu.memory_space<vmem>>, vector<16xi32>,
    %swap3A_417 = arith.constant 3312 : index
    %swap3A_418 = tpu.vector_load %arg5[%swap3A_417] {strides = array<i32>} : memref<4352xi32, #tpu.memory_space<vmem>>, vector<16xi32>,
    tpu.vector_store %arg5[%swap3A_417], %broadcast_in_dim3A_3 {strides = array<i32>} : memref<4352xi32, #tpu.memory_space<vmem>>, vector<16xi32>,
    %swap3A_419 = arith.constant 3328 : index
    %swap3A_420 = tpu.vector_load %arg5[%swap3A_419] {strides = array<i32>} : memref<4352xi32, #tpu.memory_space<vmem>>, vector<16xi32>,
    tpu.vector_store %arg5[%swap3A_419], %broadcast_in_dim3A_3 {strides = array<i32>} : memref<4352xi32, #tpu.memory_space<vmem>>, vector<16xi32>,
    %swap3A_421 = arith.constant 3344 : index
    %swap3A_422 = tpu.vector_load %arg5[%swap3A_421] {strides = array<i32>} : memref<4352xi32, #tpu.memory_space<vmem>>, vector<16xi32>,
    tpu.vector_store %arg5[%swap3A_421], %broadcast_in_dim3A_3 {strides = array<i32>} : memref<4352xi32, #tpu.memory_space<vmem>>, vector<16xi32>,
    %swap3A_423 = arith.constant 3360 : index
    %swap3A_424 = tpu.vector_load %arg5[%swap3A_423] {strides = array<i32>} : memref<4352xi32, #tpu.memory_space<vmem>>, vector<16xi32>,
    tpu.vector_store %arg5[%swap3A_423], %broadcast_in_dim3A_3 {strides = array<i32>} : memref<4352xi32, #tpu.memory_space<vmem>>, vector<16xi32>,
    %swap3A_425 = arith.constant 3376 : index
    %swap3A_426 = tpu.vector_load %arg5[%swap3A_425] {strides = array<i32>} : memref<4352xi32, #tpu.memory_space<vmem>>, vector<16xi32>,
    tpu.vector_store %arg5[%swap3A_425], %broadcast_in_dim3A_3 {strides = array<i32>} : memref<4352xi32, #tpu.memory_space<vmem>>, vector<16xi32>,
    %swap3A_427 = arith.constant 3392 : index
    %swap3A_428 = tpu.vector_load %arg5[%swap3A_427] {strides = array<i32>} : memref<4352xi32, #tpu.memory_space<vmem>>, vector<16xi32>,
    tpu.vector_store %arg5[%swap3A_427], %broadcast_in_dim3A_3 {strides = array<i32>} : memref<4352xi32, #tpu.memory_space<vmem>>, vector<16xi32>,
    %swap3A_429 = arith.constant 3408 : index
    %swap3A_430 = tpu.vector_load %arg5[%swap3A_429] {strides = array<i32>} : memref<4352xi32, #tpu.memory_space<vmem>>, vector<16xi32>,
    tpu.vector_store %arg5[%swap3A_429], %broadcast_in_dim3A_3 {strides = array<i32>} : memref<4352xi32, #tpu.memory_space<vmem>>, vector<16xi32>,
    %swap3A_431 = arith.constant 3424 : index
    %swap3A_432 = tpu.vector_load %arg5[%swap3A_431] {strides = array<i32>} : memref<4352xi32, #tpu.memory_space<vmem>>, vector<16xi32>,
    tpu.vector_store %arg5[%swap3A_431], %broadcast_in_dim3A_3 {strides = array<i32>} : memref<4352xi32, #tpu.memory_space<vmem>>, vector<16xi32>,
    %swap3A_433 = arith.constant 3440 : index
    %swap3A_434 = tpu.vector_load %arg5[%swap3A_433] {strides = array<i32>} : memref<4352xi32, #tpu.memory_space<vmem>>, vector<16xi32>,
    tpu.vector_store %arg5[%swap3A_433], %broadcast_in_dim3A_3 {strides = array<i32>} : memref<4352xi32, #tpu.memory_space<vmem>>, vector<16xi32>,
    %swap3A_435 = arith.constant 3456 : index
    %swap3A_436 = tpu.vector_load %arg5[%swap3A_435] {strides = array<i32>} : memref<4352xi32, #tpu.memory_space<vmem>>, vector<16xi32>,
    tpu.vector_store %arg5[%swap3A_435], %broadcast_in_dim3A_3 {strides = array<i32>} : memref<4352xi32, #tpu.memory_space<vmem>>, vector<16xi32>,
    %swap3A_437 = arith.constant 3472 : index
    %swap3A_438 = tpu.vector_load %arg5[%swap3A_437] {strides = array<i32>} : memref<4352xi32, #tpu.memory_space<vmem>>, vector<16xi32>,
    tpu.vector_store %arg5[%swap3A_437], %broadcast_in_dim3A_3 {strides = array<i32>} : memref<4352xi32, #tpu.memory_space<vmem>>, vector<16xi32>,
    %swap3A_439 = arith.constant 3488 : index
    %swap3A_440 = tpu.vector_load %arg5[%swap3A_439] {strides = array<i32>} : memref<4352xi32, #tpu.memory_space<vmem>>, vector<16xi32>,
    tpu.vector_store %arg5[%swap3A_439], %broadcast_in_dim3A_3 {strides = array<i32>} : memref<4352xi32, #tpu.memory_space<vmem>>, vector<16xi32>,
    %swap3A_441 = arith.constant 3504 : index
    %swap3A_442 = tpu.vector_load %arg5[%swap3A_441] {strides = array<i32>} : memref<4352xi32, #tpu.memory_space<vmem>>, vector<16xi32>,
    tpu.vector_store %arg5[%swap3A_441], %broadcast_in_dim3A_3 {strides = array<i32>} : memref<4352xi32, #tpu.memory_space<vmem>>, vector<16xi32>,
    %swap3A_443 = arith.constant 3520 : index
    %swap3A_444 = tpu.vector_load %arg5[%swap3A_443] {strides = array<i32>} : memref<4352xi32, #tpu.memory_space<vmem>>, vector<16xi32>,
    tpu.vector_store %arg5[%swap3A_443], %broadcast_in_dim3A_3 {strides = array<i32>} : memref<4352xi32, #tpu.memory_space<vmem>>, vector<16xi32>,
    %swap3A_445 = arith.constant 3536 : index
    %swap3A_446 = tpu.vector_load %arg5[%swap3A_445] {strides = array<i32>} : memref<4352xi32, #tpu.memory_space<vmem>>, vector<16xi32>,
    tpu.vector_store %arg5[%swap3A_445], %broadcast_in_dim3A_3 {strides = array<i32>} : memref<4352xi32, #tpu.memory_space<vmem>>, vector<16xi32>,
    %swap3A_447 = arith.constant 3552 : index
    %swap3A_448 = tpu.vector_load %arg5[%swap3A_447] {strides = array<i32>} : memref<4352xi32, #tpu.memory_space<vmem>>, vector<16xi32>,
    tpu.vector_store %arg5[%swap3A_447], %broadcast_in_dim3A_3 {strides = array<i32>} : memref<4352xi32, #tpu.memory_space<vmem>>, vector<16xi32>,
    %swap3A_449 = arith.constant 3568 : index
    %swap3A_450 = tpu.vector_load %arg5[%swap3A_449] {strides = array<i32>} : memref<4352xi32, #tpu.memory_space<vmem>>, vector<16xi32>,
    tpu.vector_store %arg5[%swap3A_449], %broadcast_in_dim3A_3 {strides = array<i32>} : memref<4352xi32, #tpu.memory_space<vmem>>, vector<16xi32>,
    %swap3A_451 = arith.constant 3584 : index
    %swap3A_452 = tpu.vector_load %arg5[%swap3A_451] {strides = array<i32>} : memref<4352xi32, #tpu.memory_space<vmem>>, vector<16xi32>,
    tpu.vector_store %arg5[%swap3A_451], %broadcast_in_dim3A_3 {strides = array<i32>} : memref<4352xi32, #tpu.memory_space<vmem>>, vector<16xi32>,
    %swap3A_453 = arith.constant 3600 : index
    %swap3A_454 = tpu.vector_load %arg5[%swap3A_453] {strides = array<i32>} : memref<4352xi32, #tpu.memory_space<vmem>>, vector<16xi32>,
    tpu.vector_store %arg5[%swap3A_453], %broadcast_in_dim3A_3 {strides = array<i32>} : memref<4352xi32, #tpu.memory_space<vmem>>, vector<16xi32>,
    %swap3A_455 = arith.constant 3616 : index
    %swap3A_456 = tpu.vector_load %arg5[%swap3A_455] {strides = array<i32>} : memref<4352xi32, #tpu.memory_space<vmem>>, vector<16xi32>,
    tpu.vector_store %arg5[%swap3A_455], %broadcast_in_dim3A_3 {strides = array<i32>} : memref<4352xi32, #tpu.memory_space<vmem>>, vector<16xi32>,
    %swap3A_457 = arith.constant 3632 : index
    %swap3A_458 = tpu.vector_load %arg5[%swap3A_457] {strides = array<i32>} : memref<4352xi32, #tpu.memory_space<vmem>>, vector<16xi32>,
    tpu.vector_store %arg5[%swap3A_457], %broadcast_in_dim3A_3 {strides = array<i32>} : memref<4352xi32, #tpu.memory_space<vmem>>, vector<16xi32>,
    %swap3A_459 = arith.constant 3648 : index
    %swap3A_460 = tpu.vector_load %arg5[%swap3A_459] {strides = array<i32>} : memref<4352xi32, #tpu.memory_space<vmem>>, vector<16xi32>,
    tpu.vector_store %arg5[%swap3A_459], %broadcast_in_dim3A_3 {strides = array<i32>} : memref<4352xi32, #tpu.memory_space<vmem>>, vector<16xi32>,
    %swap3A_461 = arith.constant 3664 : index
    %swap3A_462 = tpu.vector_load %arg5[%swap3A_461] {strides = array<i32>} : memref<4352xi32, #tpu.memory_space<vmem>>, vector<16xi32>,
    tpu.vector_store %arg5[%swap3A_461], %broadcast_in_dim3A_3 {strides = array<i32>} : memref<4352xi32, #tpu.memory_space<vmem>>, vector<16xi32>,
    %swap3A_463 = arith.constant 3680 : index
    %swap3A_464 = tpu.vector_load %arg5[%swap3A_463] {strides = array<i32>} : memref<4352xi32, #tpu.memory_space<vmem>>, vector<16xi32>,
    tpu.vector_store %arg5[%swap3A_463], %broadcast_in_dim3A_3 {strides = array<i32>} : memref<4352xi32, #tpu.memory_space<vmem>>, vector<16xi32>,
    %swap3A_465 = arith.constant 3696 : index
    %swap3A_466 = tpu.vector_load %arg5[%swap3A_465] {strides = array<i32>} : memref<4352xi32, #tpu.memory_space<vmem>>, vector<16xi32>,
    tpu.vector_store %arg5[%swap3A_465], %broadcast_in_dim3A_3 {strides = array<i32>} : memref<4352xi32, #tpu.memory_space<vmem>>, vector<16xi32>,
    %swap3A_467 = arith.constant 3712 : index
    %swap3A_468 = tpu.vector_load %arg5[%swap3A_467] {strides = array<i32>} : memref<4352xi32, #tpu.memory_space<vmem>>, vector<16xi32>,
    tpu.vector_store %arg5[%swap3A_467], %broadcast_in_dim3A_3 {strides = array<i32>} : memref<4352xi32, #tpu.memory_space<vmem>>, vector<16xi32>,
    %swap3A_469 = arith.constant 3728 : index
    %swap3A_470 = tpu.vector_load %arg5[%swap3A_469] {strides = array<i32>} : memref<4352xi32, #tpu.memory_space<vmem>>, vector<16xi32>,
    tpu.vector_store %arg5[%swap3A_469], %broadcast_in_dim3A_3 {strides = array<i32>} : memref<4352xi32, #tpu.memory_space<vmem>>, vector<16xi32>,
    %swap3A_471 = arith.constant 3744 : index
    %swap3A_472 = tpu.vector_load %arg5[%swap3A_471] {strides = array<i32>} : memref<4352xi32, #tpu.memory_space<vmem>>, vector<16xi32>,
    tpu.vector_store %arg5[%swap3A_471], %broadcast_in_dim3A_3 {strides = array<i32>} : memref<4352xi32, #tpu.memory_space<vmem>>, vector<16xi32>,
    %swap3A_473 = arith.constant 3760 : index
    %swap3A_474 = tpu.vector_load %arg5[%swap3A_473] {strides = array<i32>} : memref<4352xi32, #tpu.memory_space<vmem>>, vector<16xi32>,
    tpu.vector_store %arg5[%swap3A_473], %broadcast_in_dim3A_3 {strides = array<i32>} : memref<4352xi32, #tpu.memory_space<vmem>>, vector<16xi32>,
    %swap3A_475 = arith.constant 3776 : index
    %swap3A_476 = tpu.vector_load %arg5[%swap3A_475] {strides = array<i32>} : memref<4352xi32, #tpu.memory_space<vmem>>, vector<16xi32>,
    tpu.vector_store %arg5[%swap3A_475], %broadcast_in_dim3A_3 {strides = array<i32>} : memref<4352xi32, #tpu.memory_space<vmem>>, vector<16xi32>,
    %swap3A_477 = arith.constant 3792 : index
    %swap3A_478 = tpu.vector_load %arg5[%swap3A_477] {strides = array<i32>} : memref<4352xi32, #tpu.memory_space<vmem>>, vector<16xi32>,
    tpu.vector_store %arg5[%swap3A_477], %broadcast_in_dim3A_3 {strides = array<i32>} : memref<4352xi32, #tpu.memory_space<vmem>>, vector<16xi32>,
    %swap3A_479 = arith.constant 3808 : index
    %swap3A_480 = tpu.vector_load %arg5[%swap3A_479] {strides = array<i32>} : memref<4352xi32, #tpu.memory_space<vmem>>, vector<16xi32>,
    tpu.vector_store %arg5[%swap3A_479], %broadcast_in_dim3A_3 {strides = array<i32>} : memref<4352xi32, #tpu.memory_space<vmem>>, vector<16xi32>,
    %swap3A_481 = arith.constant 3824 : index
    %swap3A_482 = tpu.vector_load %arg5[%swap3A_481] {strides = array<i32>} : memref<4352xi32, #tpu.memory_space<vmem>>, vector<16xi32>,
    tpu.vector_store %arg5[%swap3A_481], %broadcast_in_dim3A_3 {strides = array<i32>} : memref<4352xi32, #tpu.memory_space<vmem>>, vector<16xi32>,
    %swap3A_483 = arith.constant 3840 : index
    %swap3A_484 = tpu.vector_load %arg5[%swap3A_483] {strides = array<i32>} : memref<4352xi32, #tpu.memory_space<vmem>>, vector<16xi32>,
    tpu.vector_store %arg5[%swap3A_483], %broadcast_in_dim3A_3 {strides = array<i32>} : memref<4352xi32, #tpu.memory_space<vmem>>, vector<16xi32>,
    %swap3A_485 = arith.constant 3856 : index
    %swap3A_486 = tpu.vector_load %arg5[%swap3A_485] {strides = array<i32>} : memref<4352xi32, #tpu.memory_space<vmem>>, vector<16xi32>,
    tpu.vector_store %arg5[%swap3A_485], %broadcast_in_dim3A_3 {strides = array<i32>} : memref<4352xi32, #tpu.memory_space<vmem>>, vector<16xi32>,
    %swap3A_487 = arith.constant 3872 : index
    %swap3A_488 = tpu.vector_load %arg5[%swap3A_487] {strides = array<i32>} : memref<4352xi32, #tpu.memory_space<vmem>>, vector<16xi32>,
    tpu.vector_store %arg5[%swap3A_487], %broadcast_in_dim3A_3 {strides = array<i32>} : memref<4352xi32, #tpu.memory_space<vmem>>, vector<16xi32>,
    %swap3A_489 = arith.constant 3888 : index
    %swap3A_490 = tpu.vector_load %arg5[%swap3A_489] {strides = array<i32>} : memref<4352xi32, #tpu.memory_space<vmem>>, vector<16xi32>,
    tpu.vector_store %arg5[%swap3A_489], %broadcast_in_dim3A_3 {strides = array<i32>} : memref<4352xi32, #tpu.memory_space<vmem>>, vector<16xi32>,
    %swap3A_491 = arith.constant 3904 : index
    %swap3A_492 = tpu.vector_load %arg5[%swap3A_491] {strides = array<i32>} : memref<4352xi32, #tpu.memory_space<vmem>>, vector<16xi32>,
    tpu.vector_store %arg5[%swap3A_491], %broadcast_in_dim3A_3 {strides = array<i32>} : memref<4352xi32, #tpu.memory_space<vmem>>, vector<16xi32>,
    %swap3A_493 = arith.constant 3920 : index
    %swap3A_494 = tpu.vector_load %arg5[%swap3A_493] {strides = array<i32>} : memref<4352xi32, #tpu.memory_space<vmem>>, vector<16xi32>,
    tpu.vector_store %arg5[%swap3A_493], %broadcast_in_dim3A_3 {strides = array<i32>} : memref<4352xi32, #tpu.memory_space<vmem>>, vector<16xi32>,
    %swap3A_495 = arith.constant 3936 : index
    %swap3A_496 = tpu.vector_load %arg5[%swap3A_495] {strides = array<i32>} : memref<4352xi32, #tpu.memory_space<vmem>>, vector<16xi32>,
    tpu.vector_store %arg5[%swap3A_495], %broadcast_in_dim3A_3 {strides = array<i32>} : memref<4352xi32, #tpu.memory_space<vmem>>, vector<16xi32>,
    %swap3A_497 = arith.constant 3952 : index
    %swap3A_498 = tpu.vector_load %arg5[%swap3A_497] {strides = array<i32>} : memref<4352xi32, #tpu.memory_space<vmem>>, vector<16xi32>,
    tpu.vector_store %arg5[%swap3A_497], %broadcast_in_dim3A_3 {strides = array<i32>} : memref<4352xi32, #tpu.memory_space<vmem>>, vector<16xi32>,
    %swap3A_499 = arith.constant 3968 : index
    %swap3A_500 = tpu.vector_load %arg5[%swap3A_499] {strides = array<i32>} : memref<4352xi32, #tpu.memory_space<vmem>>, vector<16xi32>,
    tpu.vector_store %arg5[%swap3A_499], %broadcast_in_dim3A_3 {strides = array<i32>} : memref<4352xi32, #tpu.memory_space<vmem>>, vector<16xi32>,
    %swap3A_501 = arith.constant 3984 : index
    %swap3A_502 = tpu.vector_load %arg5[%swap3A_501] {strides = array<i32>} : memref<4352xi32, #tpu.memory_space<vmem>>, vector<16xi32>,
    tpu.vector_store %arg5[%swap3A_501], %broadcast_in_dim3A_3 {strides = array<i32>} : memref<4352xi32, #tpu.memory_space<vmem>>, vector<16xi32>,
    %swap3A_503 = arith.constant 4000 : index
    %swap3A_504 = tpu.vector_load %arg5[%swap3A_503] {strides = array<i32>} : memref<4352xi32, #tpu.memory_space<vmem>>, vector<16xi32>,
    tpu.vector_store %arg5[%swap3A_503], %broadcast_in_dim3A_3 {strides = array<i32>} : memref<4352xi32, #tpu.memory_space<vmem>>, vector<16xi32>,
    %swap3A_505 = arith.constant 4016 : index
    %swap3A_506 = tpu.vector_load %arg5[%swap3A_505] {strides = array<i32>} : memref<4352xi32, #tpu.memory_space<vmem>>, vector<16xi32>,
    tpu.vector_store %arg5[%swap3A_505], %broadcast_in_dim3A_3 {strides = array<i32>} : memref<4352xi32, #tpu.memory_space<vmem>>, vector<16xi32>,
    %swap3A_507 = arith.constant 4032 : index
    %swap3A_508 = tpu.vector_load %arg5[%swap3A_507] {strides = array<i32>} : memref<4352xi32, #tpu.memory_space<vmem>>, vector<16xi32>,
    tpu.vector_store %arg5[%swap3A_507], %broadcast_in_dim3A_3 {strides = array<i32>} : memref<4352xi32, #tpu.memory_space<vmem>>, vector<16xi32>,
    %swap3A_509 = arith.constant 4048 : index
    %swap3A_510 = tpu.vector_load %arg5[%swap3A_509] {strides = array<i32>} : memref<4352xi32, #tpu.memory_space<vmem>>, vector<16xi32>,
    tpu.vector_store %arg5[%swap3A_509], %broadcast_in_dim3A_3 {strides = array<i32>} : memref<4352xi32, #tpu.memory_space<vmem>>, vector<16xi32>,
    %swap3A_511 = arith.constant 4064 : index
    %swap3A_512 = tpu.vector_load %arg5[%swap3A_511] {strides = array<i32>} : memref<4352xi32, #tpu.memory_space<vmem>>, vector<16xi32>,
    tpu.vector_store %arg5[%swap3A_511], %broadcast_in_dim3A_3 {strides = array<i32>} : memref<4352xi32, #tpu.memory_space<vmem>>, vector<16xi32>,
    %swap3A_513 = arith.constant 4080 : index
    %swap3A_514 = tpu.vector_load %arg5[%swap3A_513] {strides = array<i32>} : memref<4352xi32, #tpu.memory_space<vmem>>, vector<16xi32>,
    tpu.vector_store %arg5[%swap3A_513], %broadcast_in_dim3A_3 {strides = array<i32>} : memref<4352xi32, #tpu.memory_space<vmem>>, vector<16xi32>,
    %swap3A_515 = arith.constant 4096 : index
    %swap3A_516 = tpu.vector_load %arg5[%swap3A_515] {strides = array<i32>} : memref<4352xi32, #tpu.memory_space<vmem>>, vector<16xi32>,
    tpu.vector_store %arg5[%swap3A_515], %broadcast_in_dim3A_3 {strides = array<i32>} : memref<4352xi32, #tpu.memory_space<vmem>>, vector<16xi32>,
    %swap3A_517 = arith.constant 4112 : index
    %swap3A_518 = tpu.vector_load %arg5[%swap3A_517] {strides = array<i32>} : memref<4352xi32, #tpu.memory_space<vmem>>, vector<16xi32>,
    tpu.vector_store %arg5[%swap3A_517], %broadcast_in_dim3A_3 {strides = array<i32>} : memref<4352xi32, #tpu.memory_space<vmem>>, vector<16xi32>,
    %swap3A_519 = arith.constant 4128 : index
    %swap3A_520 = tpu.vector_load %arg5[%swap3A_519] {strides = array<i32>} : memref<4352xi32, #tpu.memory_space<vmem>>, vector<16xi32>,
    tpu.vector_store %arg5[%swap3A_519], %broadcast_in_dim3A_3 {strides = array<i32>} : memref<4352xi32, #tpu.memory_space<vmem>>, vector<16xi32>,
    %swap3A_521 = arith.constant 4144 : index
    %swap3A_522 = tpu.vector_load %arg5[%swap3A_521] {strides = array<i32>} : memref<4352xi32, #tpu.memory_space<vmem>>, vector<16xi32>,
    tpu.vector_store %arg5[%swap3A_521], %broadcast_in_dim3A_3 {strides = array<i32>} : memref<4352xi32, #tpu.memory_space<vmem>>, vector<16xi32>,
    %swap3A_523 = arith.constant 4160 : index
    %swap3A_524 = tpu.vector_load %arg5[%swap3A_523] {strides = array<i32>} : memref<4352xi32, #tpu.memory_space<vmem>>, vector<16xi32>,
    tpu.vector_store %arg5[%swap3A_523], %broadcast_in_dim3A_3 {strides = array<i32>} : memref<4352xi32, #tpu.memory_space<vmem>>, vector<16xi32>,
    %swap3A_525 = arith.constant 4176 : index
    %swap3A_526 = tpu.vector_load %arg5[%swap3A_525] {strides = array<i32>} : memref<4352xi32, #tpu.memory_space<vmem>>, vector<16xi32>,
    tpu.vector_store %arg5[%swap3A_525], %broadcast_in_dim3A_3 {strides = array<i32>} : memref<4352xi32, #tpu.memory_space<vmem>>, vector<16xi32>,
    %swap3A_527 = arith.constant 4192 : index
    %swap3A_528 = tpu.vector_load %arg5[%swap3A_527] {strides = array<i32>} : memref<4352xi32, #tpu.memory_space<vmem>>, vector<16xi32>,
    tpu.vector_store %arg5[%swap3A_527], %broadcast_in_dim3A_3 {strides = array<i32>} : memref<4352xi32, #tpu.memory_space<vmem>>, vector<16xi32>,
    %swap3A_529 = arith.constant 4208 : index
    %swap3A_530 = tpu.vector_load %arg5[%swap3A_529] {strides = array<i32>} : memref<4352xi32, #tpu.memory_space<vmem>>, vector<16xi32>,
    tpu.vector_store %arg5[%swap3A_529], %broadcast_in_dim3A_3 {strides = array<i32>} : memref<4352xi32, #tpu.memory_space<vmem>>, vector<16xi32>,
    %swap3A_531 = arith.constant 4224 : index
    %swap3A_532 = tpu.vector_load %arg5[%swap3A_531] {strides = array<i32>} : memref<4352xi32, #tpu.memory_space<vmem>>, vector<16xi32>,
    tpu.vector_store %arg5[%swap3A_531], %broadcast_in_dim3A_3 {strides = array<i32>} : memref<4352xi32, #tpu.memory_space<vmem>>, vector<16xi32>,
    %swap3A_533 = arith.constant 4240 : index
    %swap3A_534 = tpu.vector_load %arg5[%swap3A_533] {strides = array<i32>} : memref<4352xi32, #tpu.memory_space<vmem>>, vector<16xi32>,
    tpu.vector_store %arg5[%swap3A_533], %broadcast_in_dim3A_3 {strides = array<i32>} : memref<4352xi32, #tpu.memory_space<vmem>>, vector<16xi32>,
    %swap3A_535 = arith.constant 4256 : index
    %swap3A_536 = tpu.vector_load %arg5[%swap3A_535] {strides = array<i32>} : memref<4352xi32, #tpu.memory_space<vmem>>, vector<16xi32>,
    tpu.vector_store %arg5[%swap3A_535], %broadcast_in_dim3A_3 {strides = array<i32>} : memref<4352xi32, #tpu.memory_space<vmem>>, vector<16xi32>,
    %swap3A_537 = arith.constant 4272 : index
    %swap3A_538 = tpu.vector_load %arg5[%swap3A_537] {strides = array<i32>} : memref<4352xi32, #tpu.memory_space<vmem>>, vector<16xi32>,
    tpu.vector_store %arg5[%swap3A_537], %broadcast_in_dim3A_3 {strides = array<i32>} : memref<4352xi32, #tpu.memory_space<vmem>>, vector<16xi32>,
    %swap3A_539 = arith.constant 4288 : index
    %swap3A_540 = tpu.vector_load %arg5[%swap3A_539] {strides = array<i32>} : memref<4352xi32, #tpu.memory_space<vmem>>, vector<16xi32>,
    tpu.vector_store %arg5[%swap3A_539], %broadcast_in_dim3A_3 {strides = array<i32>} : memref<4352xi32, #tpu.memory_space<vmem>>, vector<16xi32>,
    %swap3A_541 = arith.constant 4304 : index
    %swap3A_542 = tpu.vector_load %arg5[%swap3A_541] {strides = array<i32>} : memref<4352xi32, #tpu.memory_space<vmem>>, vector<16xi32>,
    tpu.vector_store %arg5[%swap3A_541], %broadcast_in_dim3A_3 {strides = array<i32>} : memref<4352xi32, #tpu.memory_space<vmem>>, vector<16xi32>,
    %swap3A_543 = arith.constant 4320 : index
    %swap3A_544 = tpu.vector_load %arg5[%swap3A_543] {strides = array<i32>} : memref<4352xi32, #tpu.memory_space<vmem>>, vector<16xi32>,
    tpu.vector_store %arg5[%swap3A_543], %broadcast_in_dim3A_3 {strides = array<i32>} : memref<4352xi32, #tpu.memory_space<vmem>>, vector<16xi32>,
    %swap3A_545 = arith.constant 4336 : index
    %swap3A_546 = tpu.vector_load %arg5[%swap3A_545] {strides = array<i32>} : memref<4352xi32, #tpu.memory_space<vmem>>, vector<16xi32>,
    tpu.vector_store %arg5[%swap3A_545], %broadcast_in_dim3A_3 {strides = array<i32>} : memref<4352xi32, #tpu.memory_space<vmem>>, vector<16xi32>,
    %iota3A = tpu.iota {dimensions = array<i32: 0>} : vector<16xi32>
    %mul3A_547 = arith.constant 272 : i32
    %mul3A_548 = vector.broadcast %mul3A_547 : i32 to vector<16xi32>
    %mul3A_549 = arith.muli %iota3A, %mul3A_548 : vector<16xi32>
    %broadcast_in_dim3A_550 = arith.constant 1 : i32
    %broadcast_in_dim3A_551 = vector.broadcast %broadcast_in_dim3A_550 : i32 to vector<16xi32>
    %scan3A = arith.constant 0 : i32
    %scan3A_552 = arith.constant 0 : i32
    %scan3A_553 = arith.constant 256 : i32
    %scan3A_554 = arith.addi %scan3A_552, %scan3A_553 : i32
    %scan3A_555 = arith.constant 1 : i32
    scf.for %scan3A_1406 = %scan3A_552 to %scan3A_554 step %scan3A_555  : i32 {
      %mul3A_1407 = arith.constant 16 : i32
      %mul3A_1408 = arith.muli %scan3A_1406, %mul3A_1407 : i32
      %get3A_1409 = arith.index_cast %mul3A_1408 : i32 to index
      %get3A_1410 = tpu.vector_load %arg4[%get3A_1409] {strides = array<i32>} : memref<4096xi32, #tpu.memory_space<vmem>>, vector<16xi32>,
      %add3A_1411 = arith.addi %mul3A_549, %get3A_1410 : vector<16xi32>
      tpu.vector_store_idx %arg5[%add3A_1411], %broadcast_in_dim3A_551 {add = true} : memref<4352xi32, #tpu.memory_space<vmem>>[vector<16xi32>], vector<16xi32>,
    }
    %scan3A_556 = arith.constant 256 : i32
    %get3A = arith.constant 0 : index
    %get3A_557 = tpu.vector_load %arg5[%get3A] {strides = array<i32>} : memref<4352xi32, #tpu.memory_space<vmem>>, vector<16xi32>,
    %add3A_558 = arith.addi %broadcast_in_dim3A_3, %get3A_557 : vector<16xi32>
    %get3A_559 = arith.constant 272 : index
    %get3A_560 = tpu.vector_load %arg5[%get3A_559] {strides = array<i32>} : memref<4352xi32, #tpu.memory_space<vmem>>, vector<16xi32>,
    %add3A_561 = arith.addi %add3A_558, %get3A_560 : vector<16xi32>
    %get3A_562 = arith.constant 544 : index
    %get3A_563 = tpu.vector_load %arg5[%get3A_562] {strides = array<i32>} : memref<4352xi32, #tpu.memory_space<vmem>>, vector<16xi32>,
    %add3A_564 = arith.addi %add3A_561, %get3A_563 : vector<16xi32>
    %get3A_565 = arith.constant 816 : index
    %get3A_566 = tpu.vector_load %arg5[%get3A_565] {strides = array<i32>} : memref<4352xi32, #tpu.memory_space<vmem>>, vector<16xi32>,
    %add3A_567 = arith.addi %add3A_564, %get3A_566 : vector<16xi32>
    %get3A_568 = arith.constant 1088 : index
    %get3A_569 = tpu.vector_load %arg5[%get3A_568] {strides = array<i32>} : memref<4352xi32, #tpu.memory_space<vmem>>, vector<16xi32>,
    %add3A_570 = arith.addi %add3A_567, %get3A_569 : vector<16xi32>
    %get3A_571 = arith.constant 1360 : index
    %get3A_572 = tpu.vector_load %arg5[%get3A_571] {strides = array<i32>} : memref<4352xi32, #tpu.memory_space<vmem>>, vector<16xi32>,
    %add3A_573 = arith.addi %add3A_570, %get3A_572 : vector<16xi32>
    %get3A_574 = arith.constant 1632 : index
    %get3A_575 = tpu.vector_load %arg5[%get3A_574] {strides = array<i32>} : memref<4352xi32, #tpu.memory_space<vmem>>, vector<16xi32>,
    %add3A_576 = arith.addi %add3A_573, %get3A_575 : vector<16xi32>
    %get3A_577 = arith.constant 1904 : index
    %get3A_578 = tpu.vector_load %arg5[%get3A_577] {strides = array<i32>} : memref<4352xi32, #tpu.memory_space<vmem>>, vector<16xi32>,
    %add3A_579 = arith.addi %add3A_576, %get3A_578 : vector<16xi32>
    %get3A_580 = arith.constant 2176 : index
    %get3A_581 = tpu.vector_load %arg5[%get3A_580] {strides = array<i32>} : memref<4352xi32, #tpu.memory_space<vmem>>, vector<16xi32>,
    %add3A_582 = arith.addi %add3A_579, %get3A_581 : vector<16xi32>
    %get3A_583 = arith.constant 2448 : index
    %get3A_584 = tpu.vector_load %arg5[%get3A_583] {strides = array<i32>} : memref<4352xi32, #tpu.memory_space<vmem>>, vector<16xi32>,
    %add3A_585 = arith.addi %add3A_582, %get3A_584 : vector<16xi32>
    %get3A_586 = arith.constant 2720 : index
    %get3A_587 = tpu.vector_load %arg5[%get3A_586] {strides = array<i32>} : memref<4352xi32, #tpu.memory_space<vmem>>, vector<16xi32>,
    %add3A_588 = arith.addi %add3A_585, %get3A_587 : vector<16xi32>
    %get3A_589 = arith.constant 2992 : index
    %get3A_590 = tpu.vector_load %arg5[%get3A_589] {strides = array<i32>} : memref<4352xi32, #tpu.memory_space<vmem>>, vector<16xi32>,
    %add3A_591 = arith.addi %add3A_588, %get3A_590 : vector<16xi32>
    %get3A_592 = arith.constant 3264 : index
    %get3A_593 = tpu.vector_load %arg5[%get3A_592] {strides = array<i32>} : memref<4352xi32, #tpu.memory_space<vmem>>, vector<16xi32>,
    %add3A_594 = arith.addi %add3A_591, %get3A_593 : vector<16xi32>
    %get3A_595 = arith.constant 3536 : index
    %get3A_596 = tpu.vector_load %arg5[%get3A_595] {strides = array<i32>} : memref<4352xi32, #tpu.memory_space<vmem>>, vector<16xi32>,
    %add3A_597 = arith.addi %add3A_594, %get3A_596 : vector<16xi32>
    %get3A_598 = arith.constant 3808 : index
    %get3A_599 = tpu.vector_load %arg5[%get3A_598] {strides = array<i32>} : memref<4352xi32, #tpu.memory_space<vmem>>, vector<16xi32>,
    %add3A_600 = arith.addi %add3A_597, %get3A_599 : vector<16xi32>
    %get3A_601 = arith.constant 4080 : index
    %get3A_602 = tpu.vector_load %arg5[%get3A_601] {strides = array<i32>} : memref<4352xi32, #tpu.memory_space<vmem>>, vector<16xi32>,
    %add3A_603 = arith.addi %add3A_600, %get3A_602 : vector<16xi32>
    %swap3A_604 = arith.constant 0 : index
    %swap3A_605 = tpu.vector_load %arg6[%swap3A_604] {strides = array<i32>} : memref<272xi32, #tpu.memory_space<vmem>>, vector<16xi32>,
    tpu.vector_store %arg6[%swap3A_604], %add3A_603 {strides = array<i32>} : memref<272xi32, #tpu.memory_space<vmem>>, vector<16xi32>,
    %get3A_606 = arith.constant 16 : index
    %get3A_607 = tpu.vector_load %arg5[%get3A_606] {strides = array<i32>} : memref<4352xi32, #tpu.memory_space<vmem>>, vector<16xi32>,
    %add3A_608 = arith.addi %broadcast_in_dim3A_3, %get3A_607 : vector<16xi32>
    %get3A_609 = arith.constant 288 : index
    %get3A_610 = tpu.vector_load %arg5[%get3A_609] {strides = array<i32>} : memref<4352xi32, #tpu.memory_space<vmem>>, vector<16xi32>,
    %add3A_611 = arith.addi %add3A_608, %get3A_610 : vector<16xi32>
    %get3A_612 = arith.constant 560 : index
    %get3A_613 = tpu.vector_load %arg5[%get3A_612] {strides = array<i32>} : memref<4352xi32, #tpu.memory_space<vmem>>, vector<16xi32>,
    %add3A_614 = arith.addi %add3A_611, %get3A_613 : vector<16xi32>
    %get3A_615 = arith.constant 832 : index
    %get3A_616 = tpu.vector_load %arg5[%get3A_615] {strides = array<i32>} : memref<4352xi32, #tpu.memory_space<vmem>>, vector<16xi32>,
    %add3A_617 = arith.addi %add3A_614, %get3A_616 : vector<16xi32>
    %get3A_618 = arith.constant 1104 : index
    %get3A_619 = tpu.vector_load %arg5[%get3A_618] {strides = array<i32>} : memref<4352xi32, #tpu.memory_space<vmem>>, vector<16xi32>,
    %add3A_620 = arith.addi %add3A_617, %get3A_619 : vector<16xi32>
    %get3A_621 = arith.constant 1376 : index
    %get3A_622 = tpu.vector_load %arg5[%get3A_621] {strides = array<i32>} : memref<4352xi32, #tpu.memory_space<vmem>>, vector<16xi32>,
    %add3A_623 = arith.addi %add3A_620, %get3A_622 : vector<16xi32>
    %get3A_624 = arith.constant 1648 : index
    %get3A_625 = tpu.vector_load %arg5[%get3A_624] {strides = array<i32>} : memref<4352xi32, #tpu.memory_space<vmem>>, vector<16xi32>,
    %add3A_626 = arith.addi %add3A_623, %get3A_625 : vector<16xi32>
    %get3A_627 = arith.constant 1920 : index
    %get3A_628 = tpu.vector_load %arg5[%get3A_627] {strides = array<i32>} : memref<4352xi32, #tpu.memory_space<vmem>>, vector<16xi32>,
    %add3A_629 = arith.addi %add3A_626, %get3A_628 : vector<16xi32>
    %get3A_630 = arith.constant 2192 : index
    %get3A_631 = tpu.vector_load %arg5[%get3A_630] {strides = array<i32>} : memref<4352xi32, #tpu.memory_space<vmem>>, vector<16xi32>,
    %add3A_632 = arith.addi %add3A_629, %get3A_631 : vector<16xi32>
    %get3A_633 = arith.constant 2464 : index
    %get3A_634 = tpu.vector_load %arg5[%get3A_633] {strides = array<i32>} : memref<4352xi32, #tpu.memory_space<vmem>>, vector<16xi32>,
    %add3A_635 = arith.addi %add3A_632, %get3A_634 : vector<16xi32>
    %get3A_636 = arith.constant 2736 : index
    %get3A_637 = tpu.vector_load %arg5[%get3A_636] {strides = array<i32>} : memref<4352xi32, #tpu.memory_space<vmem>>, vector<16xi32>,
    %add3A_638 = arith.addi %add3A_635, %get3A_637 : vector<16xi32>
    %get3A_639 = arith.constant 3008 : index
    %get3A_640 = tpu.vector_load %arg5[%get3A_639] {strides = array<i32>} : memref<4352xi32, #tpu.memory_space<vmem>>, vector<16xi32>,
    %add3A_641 = arith.addi %add3A_638, %get3A_640 : vector<16xi32>
    %get3A_642 = arith.constant 3280 : index
    %get3A_643 = tpu.vector_load %arg5[%get3A_642] {strides = array<i32>} : memref<4352xi32, #tpu.memory_space<vmem>>, vector<16xi32>,
    %add3A_644 = arith.addi %add3A_641, %get3A_643 : vector<16xi32>
    %get3A_645 = arith.constant 3552 : index
    %get3A_646 = tpu.vector_load %arg5[%get3A_645] {strides = array<i32>} : memref<4352xi32, #tpu.memory_space<vmem>>, vector<16xi32>,
    %add3A_647 = arith.addi %add3A_644, %get3A_646 : vector<16xi32>
    %get3A_648 = arith.constant 3824 : index
    %get3A_649 = tpu.vector_load %arg5[%get3A_648] {strides = array<i32>} : memref<4352xi32, #tpu.memory_space<vmem>>, vector<16xi32>,
    %add3A_650 = arith.addi %add3A_647, %get3A_649 : vector<16xi32>
    %get3A_651 = arith.constant 4096 : index
    %get3A_652 = tpu.vector_load %arg5[%get3A_651] {strides = array<i32>} : memref<4352xi32, #tpu.memory_space<vmem>>, vector<16xi32>,
    %add3A_653 = arith.addi %add3A_650, %get3A_652 : vector<16xi32>
    %swap3A_654 = arith.constant 16 : index
    %swap3A_655 = tpu.vector_load %arg6[%swap3A_654] {strides = array<i32>} : memref<272xi32, #tpu.memory_space<vmem>>, vector<16xi32>,
    tpu.vector_store %arg6[%swap3A_654], %add3A_653 {strides = array<i32>} : memref<272xi32, #tpu.memory_space<vmem>>, vector<16xi32>,
    %get3A_656 = arith.constant 32 : index
    %get3A_657 = tpu.vector_load %arg5[%get3A_656] {strides = array<i32>} : memref<4352xi32, #tpu.memory_space<vmem>>, vector<16xi32>,
    %add3A_658 = arith.addi %broadcast_in_dim3A_3, %get3A_657 : vector<16xi32>
    %get3A_659 = arith.constant 304 : index
    %get3A_660 = tpu.vector_load %arg5[%get3A_659] {strides = array<i32>} : memref<4352xi32, #tpu.memory_space<vmem>>, vector<16xi32>,
    %add3A_661 = arith.addi %add3A_658, %get3A_660 : vector<16xi32>
    %get3A_662 = arith.constant 576 : index
    %get3A_663 = tpu.vector_load %arg5[%get3A_662] {strides = array<i32>} : memref<4352xi32, #tpu.memory_space<vmem>>, vector<16xi32>,
    %add3A_664 = arith.addi %add3A_661, %get3A_663 : vector<16xi32>
    %get3A_665 = arith.constant 848 : index
    %get3A_666 = tpu.vector_load %arg5[%get3A_665] {strides = array<i32>} : memref<4352xi32, #tpu.memory_space<vmem>>, vector<16xi32>,
    %add3A_667 = arith.addi %add3A_664, %get3A_666 : vector<16xi32>
    %get3A_668 = arith.constant 1120 : index
    %get3A_669 = tpu.vector_load %arg5[%get3A_668] {strides = array<i32>} : memref<4352xi32, #tpu.memory_space<vmem>>, vector<16xi32>,
    %add3A_670 = arith.addi %add3A_667, %get3A_669 : vector<16xi32>
    %get3A_671 = arith.constant 1392 : index
    %get3A_672 = tpu.vector_load %arg5[%get3A_671] {strides = array<i32>} : memref<4352xi32, #tpu.memory_space<vmem>>, vector<16xi32>,
    %add3A_673 = arith.addi %add3A_670, %get3A_672 : vector<16xi32>
    %get3A_674 = arith.constant 1664 : index
    %get3A_675 = tpu.vector_load %arg5[%get3A_674] {strides = array<i32>} : memref<4352xi32, #tpu.memory_space<vmem>>, vector<16xi32>,
    %add3A_676 = arith.addi %add3A_673, %get3A_675 : vector<16xi32>
    %get3A_677 = arith.constant 1936 : index
    %get3A_678 = tpu.vector_load %arg5[%get3A_677] {strides = array<i32>} : memref<4352xi32, #tpu.memory_space<vmem>>, vector<16xi32>,
    %add3A_679 = arith.addi %add3A_676, %get3A_678 : vector<16xi32>
    %get3A_680 = arith.constant 2208 : index
    %get3A_681 = tpu.vector_load %arg5[%get3A_680] {strides = array<i32>} : memref<4352xi32, #tpu.memory_space<vmem>>, vector<16xi32>,
    %add3A_682 = arith.addi %add3A_679, %get3A_681 : vector<16xi32>
    %get3A_683 = arith.constant 2480 : index
    %get3A_684 = tpu.vector_load %arg5[%get3A_683] {strides = array<i32>} : memref<4352xi32, #tpu.memory_space<vmem>>, vector<16xi32>,
    %add3A_685 = arith.addi %add3A_682, %get3A_684 : vector<16xi32>
    %get3A_686 = arith.constant 2752 : index
    %get3A_687 = tpu.vector_load %arg5[%get3A_686] {strides = array<i32>} : memref<4352xi32, #tpu.memory_space<vmem>>, vector<16xi32>,
    %add3A_688 = arith.addi %add3A_685, %get3A_687 : vector<16xi32>
    %get3A_689 = arith.constant 3024 : index
    %get3A_690 = tpu.vector_load %arg5[%get3A_689] {strides = array<i32>} : memref<4352xi32, #tpu.memory_space<vmem>>, vector<16xi32>,
    %add3A_691 = arith.addi %add3A_688, %get3A_690 : vector<16xi32>
    %get3A_692 = arith.constant 3296 : index
    %get3A_693 = tpu.vector_load %arg5[%get3A_692] {strides = array<i32>} : memref<4352xi32, #tpu.memory_space<vmem>>, vector<16xi32>,
    %add3A_694 = arith.addi %add3A_691, %get3A_693 : vector<16xi32>
    %get3A_695 = arith.constant 3568 : index
    %get3A_696 = tpu.vector_load %arg5[%get3A_695] {strides = array<i32>} : memref<4352xi32, #tpu.memory_space<vmem>>, vector<16xi32>,
    %add3A_697 = arith.addi %add3A_694, %get3A_696 : vector<16xi32>
    %get3A_698 = arith.constant 3840 : index
    %get3A_699 = tpu.vector_load %arg5[%get3A_698] {strides = array<i32>} : memref<4352xi32, #tpu.memory_space<vmem>>, vector<16xi32>,
    %add3A_700 = arith.addi %add3A_697, %get3A_699 : vector<16xi32>
    %get3A_701 = arith.constant 4112 : index
    %get3A_702 = tpu.vector_load %arg5[%get3A_701] {strides = array<i32>} : memref<4352xi32, #tpu.memory_space<vmem>>, vector<16xi32>,
    %add3A_703 = arith.addi %add3A_700, %get3A_702 : vector<16xi32>
    %swap3A_704 = arith.constant 32 : index
    %swap3A_705 = tpu.vector_load %arg6[%swap3A_704] {strides = array<i32>} : memref<272xi32, #tpu.memory_space<vmem>>, vector<16xi32>,
    tpu.vector_store %arg6[%swap3A_704], %add3A_703 {strides = array<i32>} : memref<272xi32, #tpu.memory_space<vmem>>, vector<16xi32>,
    %get3A_706 = arith.constant 48 : index
    %get3A_707 = tpu.vector_load %arg5[%get3A_706] {strides = array<i32>} : memref<4352xi32, #tpu.memory_space<vmem>>, vector<16xi32>,
    %add3A_708 = arith.addi %broadcast_in_dim3A_3, %get3A_707 : vector<16xi32>
    %get3A_709 = arith.constant 320 : index
    %get3A_710 = tpu.vector_load %arg5[%get3A_709] {strides = array<i32>} : memref<4352xi32, #tpu.memory_space<vmem>>, vector<16xi32>,
    %add3A_711 = arith.addi %add3A_708, %get3A_710 : vector<16xi32>
    %get3A_712 = arith.constant 592 : index
    %get3A_713 = tpu.vector_load %arg5[%get3A_712] {strides = array<i32>} : memref<4352xi32, #tpu.memory_space<vmem>>, vector<16xi32>,
    %add3A_714 = arith.addi %add3A_711, %get3A_713 : vector<16xi32>
    %get3A_715 = arith.constant 864 : index
    %get3A_716 = tpu.vector_load %arg5[%get3A_715] {strides = array<i32>} : memref<4352xi32, #tpu.memory_space<vmem>>, vector<16xi32>,
    %add3A_717 = arith.addi %add3A_714, %get3A_716 : vector<16xi32>
    %get3A_718 = arith.constant 1136 : index
    %get3A_719 = tpu.vector_load %arg5[%get3A_718] {strides = array<i32>} : memref<4352xi32, #tpu.memory_space<vmem>>, vector<16xi32>,
    %add3A_720 = arith.addi %add3A_717, %get3A_719 : vector<16xi32>
    %get3A_721 = arith.constant 1408 : index
    %get3A_722 = tpu.vector_load %arg5[%get3A_721] {strides = array<i32>} : memref<4352xi32, #tpu.memory_space<vmem>>, vector<16xi32>,
    %add3A_723 = arith.addi %add3A_720, %get3A_722 : vector<16xi32>
    %get3A_724 = arith.constant 1680 : index
    %get3A_725 = tpu.vector_load %arg5[%get3A_724] {strides = array<i32>} : memref<4352xi32, #tpu.memory_space<vmem>>, vector<16xi32>,
    %add3A_726 = arith.addi %add3A_723, %get3A_725 : vector<16xi32>
    %get3A_727 = arith.constant 1952 : index
    %get3A_728 = tpu.vector_load %arg5[%get3A_727] {strides = array<i32>} : memref<4352xi32, #tpu.memory_space<vmem>>, vector<16xi32>,
    %add3A_729 = arith.addi %add3A_726, %get3A_728 : vector<16xi32>
    %get3A_730 = arith.constant 2224 : index
    %get3A_731 = tpu.vector_load %arg5[%get3A_730] {strides = array<i32>} : memref<4352xi32, #tpu.memory_space<vmem>>, vector<16xi32>,
    %add3A_732 = arith.addi %add3A_729, %get3A_731 : vector<16xi32>
    %get3A_733 = arith.constant 2496 : index
    %get3A_734 = tpu.vector_load %arg5[%get3A_733] {strides = array<i32>} : memref<4352xi32, #tpu.memory_space<vmem>>, vector<16xi32>,
    %add3A_735 = arith.addi %add3A_732, %get3A_734 : vector<16xi32>
    %get3A_736 = arith.constant 2768 : index
    %get3A_737 = tpu.vector_load %arg5[%get3A_736] {strides = array<i32>} : memref<4352xi32, #tpu.memory_space<vmem>>, vector<16xi32>,
    %add3A_738 = arith.addi %add3A_735, %get3A_737 : vector<16xi32>
    %get3A_739 = arith.constant 3040 : index
    %get3A_740 = tpu.vector_load %arg5[%get3A_739] {strides = array<i32>} : memref<4352xi32, #tpu.memory_space<vmem>>, vector<16xi32>,
    %add3A_741 = arith.addi %add3A_738, %get3A_740 : vector<16xi32>
    %get3A_742 = arith.constant 3312 : index
    %get3A_743 = tpu.vector_load %arg5[%get3A_742] {strides = array<i32>} : memref<4352xi32, #tpu.memory_space<vmem>>, vector<16xi32>,
    %add3A_744 = arith.addi %add3A_741, %get3A_743 : vector<16xi32>
    %get3A_745 = arith.constant 3584 : index
    %get3A_746 = tpu.vector_load %arg5[%get3A_745] {strides = array<i32>} : memref<4352xi32, #tpu.memory_space<vmem>>, vector<16xi32>,
    %add3A_747 = arith.addi %add3A_744, %get3A_746 : vector<16xi32>
    %get3A_748 = arith.constant 3856 : index
    %get3A_749 = tpu.vector_load %arg5[%get3A_748] {strides = array<i32>} : memref<4352xi32, #tpu.memory_space<vmem>>, vector<16xi32>,
    %add3A_750 = arith.addi %add3A_747, %get3A_749 : vector<16xi32>
    %get3A_751 = arith.constant 4128 : index
    %get3A_752 = tpu.vector_load %arg5[%get3A_751] {strides = array<i32>} : memref<4352xi32, #tpu.memory_space<vmem>>, vector<16xi32>,
    %add3A_753 = arith.addi %add3A_750, %get3A_752 : vector<16xi32>
    %swap3A_754 = arith.constant 48 : index
    %swap3A_755 = tpu.vector_load %arg6[%swap3A_754] {strides = array<i32>} : memref<272xi32, #tpu.memory_space<vmem>>, vector<16xi32>,
    tpu.vector_store %arg6[%swap3A_754], %add3A_753 {strides = array<i32>} : memref<272xi32, #tpu.memory_space<vmem>>, vector<16xi32>,
    %get3A_756 = arith.constant 64 : index
    %get3A_757 = tpu.vector_load %arg5[%get3A_756] {strides = array<i32>} : memref<4352xi32, #tpu.memory_space<vmem>>, vector<16xi32>,
    %add3A_758 = arith.addi %broadcast_in_dim3A_3, %get3A_757 : vector<16xi32>
    %get3A_759 = arith.constant 336 : index
    %get3A_760 = tpu.vector_load %arg5[%get3A_759] {strides = array<i32>} : memref<4352xi32, #tpu.memory_space<vmem>>, vector<16xi32>,
    %add3A_761 = arith.addi %add3A_758, %get3A_760 : vector<16xi32>
    %get3A_762 = arith.constant 608 : index
    %get3A_763 = tpu.vector_load %arg5[%get3A_762] {strides = array<i32>} : memref<4352xi32, #tpu.memory_space<vmem>>, vector<16xi32>,
    %add3A_764 = arith.addi %add3A_761, %get3A_763 : vector<16xi32>
    %get3A_765 = arith.constant 880 : index
    %get3A_766 = tpu.vector_load %arg5[%get3A_765] {strides = array<i32>} : memref<4352xi32, #tpu.memory_space<vmem>>, vector<16xi32>,
    %add3A_767 = arith.addi %add3A_764, %get3A_766 : vector<16xi32>
    %get3A_768 = arith.constant 1152 : index
    %get3A_769 = tpu.vector_load %arg5[%get3A_768] {strides = array<i32>} : memref<4352xi32, #tpu.memory_space<vmem>>, vector<16xi32>,
    %add3A_770 = arith.addi %add3A_767, %get3A_769 : vector<16xi32>
    %get3A_771 = arith.constant 1424 : index
    %get3A_772 = tpu.vector_load %arg5[%get3A_771] {strides = array<i32>} : memref<4352xi32, #tpu.memory_space<vmem>>, vector<16xi32>,
    %add3A_773 = arith.addi %add3A_770, %get3A_772 : vector<16xi32>
    %get3A_774 = arith.constant 1696 : index
    %get3A_775 = tpu.vector_load %arg5[%get3A_774] {strides = array<i32>} : memref<4352xi32, #tpu.memory_space<vmem>>, vector<16xi32>,
    %add3A_776 = arith.addi %add3A_773, %get3A_775 : vector<16xi32>
    %get3A_777 = arith.constant 1968 : index
    %get3A_778 = tpu.vector_load %arg5[%get3A_777] {strides = array<i32>} : memref<4352xi32, #tpu.memory_space<vmem>>, vector<16xi32>,
    %add3A_779 = arith.addi %add3A_776, %get3A_778 : vector<16xi32>
    %get3A_780 = arith.constant 2240 : index
    %get3A_781 = tpu.vector_load %arg5[%get3A_780] {strides = array<i32>} : memref<4352xi32, #tpu.memory_space<vmem>>, vector<16xi32>,
    %add3A_782 = arith.addi %add3A_779, %get3A_781 : vector<16xi32>
    %get3A_783 = arith.constant 2512 : index
    %get3A_784 = tpu.vector_load %arg5[%get3A_783] {strides = array<i32>} : memref<4352xi32, #tpu.memory_space<vmem>>, vector<16xi32>,
    %add3A_785 = arith.addi %add3A_782, %get3A_784 : vector<16xi32>
    %get3A_786 = arith.constant 2784 : index
    %get3A_787 = tpu.vector_load %arg5[%get3A_786] {strides = array<i32>} : memref<4352xi32, #tpu.memory_space<vmem>>, vector<16xi32>,
    %add3A_788 = arith.addi %add3A_785, %get3A_787 : vector<16xi32>
    %get3A_789 = arith.constant 3056 : index
    %get3A_790 = tpu.vector_load %arg5[%get3A_789] {strides = array<i32>} : memref<4352xi32, #tpu.memory_space<vmem>>, vector<16xi32>,
    %add3A_791 = arith.addi %add3A_788, %get3A_790 : vector<16xi32>
    %get3A_792 = arith.constant 3328 : index
    %get3A_793 = tpu.vector_load %arg5[%get3A_792] {strides = array<i32>} : memref<4352xi32, #tpu.memory_space<vmem>>, vector<16xi32>,
    %add3A_794 = arith.addi %add3A_791, %get3A_793 : vector<16xi32>
    %get3A_795 = arith.constant 3600 : index
    %get3A_796 = tpu.vector_load %arg5[%get3A_795] {strides = array<i32>} : memref<4352xi32, #tpu.memory_space<vmem>>, vector<16xi32>,
    %add3A_797 = arith.addi %add3A_794, %get3A_796 : vector<16xi32>
    %get3A_798 = arith.constant 3872 : index
    %get3A_799 = tpu.vector_load %arg5[%get3A_798] {strides = array<i32>} : memref<4352xi32, #tpu.memory_space<vmem>>, vector<16xi32>,
    %add3A_800 = arith.addi %add3A_797, %get3A_799 : vector<16xi32>
    %get3A_801 = arith.constant 4144 : index
    %get3A_802 = tpu.vector_load %arg5[%get3A_801] {strides = array<i32>} : memref<4352xi32, #tpu.memory_space<vmem>>, vector<16xi32>,
    %add3A_803 = arith.addi %add3A_800, %get3A_802 : vector<16xi32>
    %swap3A_804 = arith.constant 64 : index
    %swap3A_805 = tpu.vector_load %arg6[%swap3A_804] {strides = array<i32>} : memref<272xi32, #tpu.memory_space<vmem>>, vector<16xi32>,
    tpu.vector_store %arg6[%swap3A_804], %add3A_803 {strides = array<i32>} : memref<272xi32, #tpu.memory_space<vmem>>, vector<16xi32>,
    %get3A_806 = arith.constant 80 : index
    %get3A_807 = tpu.vector_load %arg5[%get3A_806] {strides = array<i32>} : memref<4352xi32, #tpu.memory_space<vmem>>, vector<16xi32>,
    %add3A_808 = arith.addi %broadcast_in_dim3A_3, %get3A_807 : vector<16xi32>
    %get3A_809 = arith.constant 352 : index
    %get3A_810 = tpu.vector_load %arg5[%get3A_809] {strides = array<i32>} : memref<4352xi32, #tpu.memory_space<vmem>>, vector<16xi32>,
    %add3A_811 = arith.addi %add3A_808, %get3A_810 : vector<16xi32>
    %get3A_812 = arith.constant 624 : index
    %get3A_813 = tpu.vector_load %arg5[%get3A_812] {strides = array<i32>} : memref<4352xi32, #tpu.memory_space<vmem>>, vector<16xi32>,
    %add3A_814 = arith.addi %add3A_811, %get3A_813 : vector<16xi32>
    %get3A_815 = arith.constant 896 : index
    %get3A_816 = tpu.vector_load %arg5[%get3A_815] {strides = array<i32>} : memref<4352xi32, #tpu.memory_space<vmem>>, vector<16xi32>,
    %add3A_817 = arith.addi %add3A_814, %get3A_816 : vector<16xi32>
    %get3A_818 = arith.constant 1168 : index
    %get3A_819 = tpu.vector_load %arg5[%get3A_818] {strides = array<i32>} : memref<4352xi32, #tpu.memory_space<vmem>>, vector<16xi32>,
    %add3A_820 = arith.addi %add3A_817, %get3A_819 : vector<16xi32>
    %get3A_821 = arith.constant 1440 : index
    %get3A_822 = tpu.vector_load %arg5[%get3A_821] {strides = array<i32>} : memref<4352xi32, #tpu.memory_space<vmem>>, vector<16xi32>,
    %add3A_823 = arith.addi %add3A_820, %get3A_822 : vector<16xi32>
    %get3A_824 = arith.constant 1712 : index
    %get3A_825 = tpu.vector_load %arg5[%get3A_824] {strides = array<i32>} : memref<4352xi32, #tpu.memory_space<vmem>>, vector<16xi32>,
    %add3A_826 = arith.addi %add3A_823, %get3A_825 : vector<16xi32>
    %get3A_827 = arith.constant 1984 : index
    %get3A_828 = tpu.vector_load %arg5[%get3A_827] {strides = array<i32>} : memref<4352xi32, #tpu.memory_space<vmem>>, vector<16xi32>,
    %add3A_829 = arith.addi %add3A_826, %get3A_828 : vector<16xi32>
    %get3A_830 = arith.constant 2256 : index
    %get3A_831 = tpu.vector_load %arg5[%get3A_830] {strides = array<i32>} : memref<4352xi32, #tpu.memory_space<vmem>>, vector<16xi32>,
    %add3A_832 = arith.addi %add3A_829, %get3A_831 : vector<16xi32>
    %get3A_833 = arith.constant 2528 : index
    %get3A_834 = tpu.vector_load %arg5[%get3A_833] {strides = array<i32>} : memref<4352xi32, #tpu.memory_space<vmem>>, vector<16xi32>,
    %add3A_835 = arith.addi %add3A_832, %get3A_834 : vector<16xi32>
    %get3A_836 = arith.constant 2800 : index
    %get3A_837 = tpu.vector_load %arg5[%get3A_836] {strides = array<i32>} : memref<4352xi32, #tpu.memory_space<vmem>>, vector<16xi32>,
    %add3A_838 = arith.addi %add3A_835, %get3A_837 : vector<16xi32>
    %get3A_839 = arith.constant 3072 : index
    %get3A_840 = tpu.vector_load %arg5[%get3A_839] {strides = array<i32>} : memref<4352xi32, #tpu.memory_space<vmem>>, vector<16xi32>,
    %add3A_841 = arith.addi %add3A_838, %get3A_840 : vector<16xi32>
    %get3A_842 = arith.constant 3344 : index
    %get3A_843 = tpu.vector_load %arg5[%get3A_842] {strides = array<i32>} : memref<4352xi32, #tpu.memory_space<vmem>>, vector<16xi32>,
    %add3A_844 = arith.addi %add3A_841, %get3A_843 : vector<16xi32>
    %get3A_845 = arith.constant 3616 : index
    %get3A_846 = tpu.vector_load %arg5[%get3A_845] {strides = array<i32>} : memref<4352xi32, #tpu.memory_space<vmem>>, vector<16xi32>,
    %add3A_847 = arith.addi %add3A_844, %get3A_846 : vector<16xi32>
    %get3A_848 = arith.constant 3888 : index
    %get3A_849 = tpu.vector_load %arg5[%get3A_848] {strides = array<i32>} : memref<4352xi32, #tpu.memory_space<vmem>>, vector<16xi32>,
    %add3A_850 = arith.addi %add3A_847, %get3A_849 : vector<16xi32>
    %get3A_851 = arith.constant 4160 : index
    %get3A_852 = tpu.vector_load %arg5[%get3A_851] {strides = array<i32>} : memref<4352xi32, #tpu.memory_space<vmem>>, vector<16xi32>,
    %add3A_853 = arith.addi %add3A_850, %get3A_852 : vector<16xi32>
    %swap3A_854 = arith.constant 80 : index
    %swap3A_855 = tpu.vector_load %arg6[%swap3A_854] {strides = array<i32>} : memref<272xi32, #tpu.memory_space<vmem>>, vector<16xi32>,
    tpu.vector_store %arg6[%swap3A_854], %add3A_853 {strides = array<i32>} : memref<272xi32, #tpu.memory_space<vmem>>, vector<16xi32>,
    %get3A_856 = arith.constant 96 : index
    %get3A_857 = tpu.vector_load %arg5[%get3A_856] {strides = array<i32>} : memref<4352xi32, #tpu.memory_space<vmem>>, vector<16xi32>,
    %add3A_858 = arith.addi %broadcast_in_dim3A_3, %get3A_857 : vector<16xi32>
    %get3A_859 = arith.constant 368 : index
    %get3A_860 = tpu.vector_load %arg5[%get3A_859] {strides = array<i32>} : memref<4352xi32, #tpu.memory_space<vmem>>, vector<16xi32>,
    %add3A_861 = arith.addi %add3A_858, %get3A_860 : vector<16xi32>
    %get3A_862 = arith.constant 640 : index
    %get3A_863 = tpu.vector_load %arg5[%get3A_862] {strides = array<i32>} : memref<4352xi32, #tpu.memory_space<vmem>>, vector<16xi32>,
    %add3A_864 = arith.addi %add3A_861, %get3A_863 : vector<16xi32>
    %get3A_865 = arith.constant 912 : index
    %get3A_866 = tpu.vector_load %arg5[%get3A_865] {strides = array<i32>} : memref<4352xi32, #tpu.memory_space<vmem>>, vector<16xi32>,
    %add3A_867 = arith.addi %add3A_864, %get3A_866 : vector<16xi32>
    %get3A_868 = arith.constant 1184 : index
    %get3A_869 = tpu.vector_load %arg5[%get3A_868] {strides = array<i32>} : memref<4352xi32, #tpu.memory_space<vmem>>, vector<16xi32>,
    %add3A_870 = arith.addi %add3A_867, %get3A_869 : vector<16xi32>
    %get3A_871 = arith.constant 1456 : index
    %get3A_872 = tpu.vector_load %arg5[%get3A_871] {strides = array<i32>} : memref<4352xi32, #tpu.memory_space<vmem>>, vector<16xi32>,
    %add3A_873 = arith.addi %add3A_870, %get3A_872 : vector<16xi32>
    %get3A_874 = arith.constant 1728 : index
    %get3A_875 = tpu.vector_load %arg5[%get3A_874] {strides = array<i32>} : memref<4352xi32, #tpu.memory_space<vmem>>, vector<16xi32>,
    %add3A_876 = arith.addi %add3A_873, %get3A_875 : vector<16xi32>
    %get3A_877 = arith.constant 2000 : index
    %get3A_878 = tpu.vector_load %arg5[%get3A_877] {strides = array<i32>} : memref<4352xi32, #tpu.memory_space<vmem>>, vector<16xi32>,
    %add3A_879 = arith.addi %add3A_876, %get3A_878 : vector<16xi32>
    %get3A_880 = arith.constant 2272 : index
    %get3A_881 = tpu.vector_load %arg5[%get3A_880] {strides = array<i32>} : memref<4352xi32, #tpu.memory_space<vmem>>, vector<16xi32>,
    %add3A_882 = arith.addi %add3A_879, %get3A_881 : vector<16xi32>
    %get3A_883 = arith.constant 2544 : index
    %get3A_884 = tpu.vector_load %arg5[%get3A_883] {strides = array<i32>} : memref<4352xi32, #tpu.memory_space<vmem>>, vector<16xi32>,
    %add3A_885 = arith.addi %add3A_882, %get3A_884 : vector<16xi32>
    %get3A_886 = arith.constant 2816 : index
    %get3A_887 = tpu.vector_load %arg5[%get3A_886] {strides = array<i32>} : memref<4352xi32, #tpu.memory_space<vmem>>, vector<16xi32>,
    %add3A_888 = arith.addi %add3A_885, %get3A_887 : vector<16xi32>
    %get3A_889 = arith.constant 3088 : index
    %get3A_890 = tpu.vector_load %arg5[%get3A_889] {strides = array<i32>} : memref<4352xi32, #tpu.memory_space<vmem>>, vector<16xi32>,
    %add3A_891 = arith.addi %add3A_888, %get3A_890 : vector<16xi32>
    %get3A_892 = arith.constant 3360 : index
    %get3A_893 = tpu.vector_load %arg5[%get3A_892] {strides = array<i32>} : memref<4352xi32, #tpu.memory_space<vmem>>, vector<16xi32>,
    %add3A_894 = arith.addi %add3A_891, %get3A_893 : vector<16xi32>
    %get3A_895 = arith.constant 3632 : index
    %get3A_896 = tpu.vector_load %arg5[%get3A_895] {strides = array<i32>} : memref<4352xi32, #tpu.memory_space<vmem>>, vector<16xi32>,
    %add3A_897 = arith.addi %add3A_894, %get3A_896 : vector<16xi32>
    %get3A_898 = arith.constant 3904 : index
    %get3A_899 = tpu.vector_load %arg5[%get3A_898] {strides = array<i32>} : memref<4352xi32, #tpu.memory_space<vmem>>, vector<16xi32>,
    %add3A_900 = arith.addi %add3A_897, %get3A_899 : vector<16xi32>
    %get3A_901 = arith.constant 4176 : index
    %get3A_902 = tpu.vector_load %arg5[%get3A_901] {strides = array<i32>} : memref<4352xi32, #tpu.memory_space<vmem>>, vector<16xi32>,
    %add3A_903 = arith.addi %add3A_900, %get3A_902 : vector<16xi32>
    %swap3A_904 = arith.constant 96 : index
    %swap3A_905 = tpu.vector_load %arg6[%swap3A_904] {strides = array<i32>} : memref<272xi32, #tpu.memory_space<vmem>>, vector<16xi32>,
    tpu.vector_store %arg6[%swap3A_904], %add3A_903 {strides = array<i32>} : memref<272xi32, #tpu.memory_space<vmem>>, vector<16xi32>,
    %get3A_906 = arith.constant 112 : index
    %get3A_907 = tpu.vector_load %arg5[%get3A_906] {strides = array<i32>} : memref<4352xi32, #tpu.memory_space<vmem>>, vector<16xi32>,
    %add3A_908 = arith.addi %broadcast_in_dim3A_3, %get3A_907 : vector<16xi32>
    %get3A_909 = arith.constant 384 : index
    %get3A_910 = tpu.vector_load %arg5[%get3A_909] {strides = array<i32>} : memref<4352xi32, #tpu.memory_space<vmem>>, vector<16xi32>,
    %add3A_911 = arith.addi %add3A_908, %get3A_910 : vector<16xi32>
    %get3A_912 = arith.constant 656 : index
    %get3A_913 = tpu.vector_load %arg5[%get3A_912] {strides = array<i32>} : memref<4352xi32, #tpu.memory_space<vmem>>, vector<16xi32>,
    %add3A_914 = arith.addi %add3A_911, %get3A_913 : vector<16xi32>
    %get3A_915 = arith.constant 928 : index
    %get3A_916 = tpu.vector_load %arg5[%get3A_915] {strides = array<i32>} : memref<4352xi32, #tpu.memory_space<vmem>>, vector<16xi32>,
    %add3A_917 = arith.addi %add3A_914, %get3A_916 : vector<16xi32>
    %get3A_918 = arith.constant 1200 : index
    %get3A_919 = tpu.vector_load %arg5[%get3A_918] {strides = array<i32>} : memref<4352xi32, #tpu.memory_space<vmem>>, vector<16xi32>,
    %add3A_920 = arith.addi %add3A_917, %get3A_919 : vector<16xi32>
    %get3A_921 = arith.constant 1472 : index
    %get3A_922 = tpu.vector_load %arg5[%get3A_921] {strides = array<i32>} : memref<4352xi32, #tpu.memory_space<vmem>>, vector<16xi32>,
    %add3A_923 = arith.addi %add3A_920, %get3A_922 : vector<16xi32>
    %get3A_924 = arith.constant 1744 : index
    %get3A_925 = tpu.vector_load %arg5[%get3A_924] {strides = array<i32>} : memref<4352xi32, #tpu.memory_space<vmem>>, vector<16xi32>,
    %add3A_926 = arith.addi %add3A_923, %get3A_925 : vector<16xi32>
    %get3A_927 = arith.constant 2016 : index
    %get3A_928 = tpu.vector_load %arg5[%get3A_927] {strides = array<i32>} : memref<4352xi32, #tpu.memory_space<vmem>>, vector<16xi32>,
    %add3A_929 = arith.addi %add3A_926, %get3A_928 : vector<16xi32>
    %get3A_930 = arith.constant 2288 : index
    %get3A_931 = tpu.vector_load %arg5[%get3A_930] {strides = array<i32>} : memref<4352xi32, #tpu.memory_space<vmem>>, vector<16xi32>,
    %add3A_932 = arith.addi %add3A_929, %get3A_931 : vector<16xi32>
    %get3A_933 = arith.constant 2560 : index
    %get3A_934 = tpu.vector_load %arg5[%get3A_933] {strides = array<i32>} : memref<4352xi32, #tpu.memory_space<vmem>>, vector<16xi32>,
    %add3A_935 = arith.addi %add3A_932, %get3A_934 : vector<16xi32>
    %get3A_936 = arith.constant 2832 : index
    %get3A_937 = tpu.vector_load %arg5[%get3A_936] {strides = array<i32>} : memref<4352xi32, #tpu.memory_space<vmem>>, vector<16xi32>,
    %add3A_938 = arith.addi %add3A_935, %get3A_937 : vector<16xi32>
    %get3A_939 = arith.constant 3104 : index
    %get3A_940 = tpu.vector_load %arg5[%get3A_939] {strides = array<i32>} : memref<4352xi32, #tpu.memory_space<vmem>>, vector<16xi32>,
    %add3A_941 = arith.addi %add3A_938, %get3A_940 : vector<16xi32>
    %get3A_942 = arith.constant 3376 : index
    %get3A_943 = tpu.vector_load %arg5[%get3A_942] {strides = array<i32>} : memref<4352xi32, #tpu.memory_space<vmem>>, vector<16xi32>,
    %add3A_944 = arith.addi %add3A_941, %get3A_943 : vector<16xi32>
    %get3A_945 = arith.constant 3648 : index
    %get3A_946 = tpu.vector_load %arg5[%get3A_945] {strides = array<i32>} : memref<4352xi32, #tpu.memory_space<vmem>>, vector<16xi32>,
    %add3A_947 = arith.addi %add3A_944, %get3A_946 : vector<16xi32>
    %get3A_948 = arith.constant 3920 : index
    %get3A_949 = tpu.vector_load %arg5[%get3A_948] {strides = array<i32>} : memref<4352xi32, #tpu.memory_space<vmem>>, vector<16xi32>,
    %add3A_950 = arith.addi %add3A_947, %get3A_949 : vector<16xi32>
    %get3A_951 = arith.constant 4192 : index
    %get3A_952 = tpu.vector_load %arg5[%get3A_951] {strides = array<i32>} : memref<4352xi32, #tpu.memory_space<vmem>>, vector<16xi32>,
    %add3A_953 = arith.addi %add3A_950, %get3A_952 : vector<16xi32>
    %swap3A_954 = arith.constant 112 : index
    %swap3A_955 = tpu.vector_load %arg6[%swap3A_954] {strides = array<i32>} : memref<272xi32, #tpu.memory_space<vmem>>, vector<16xi32>,
    tpu.vector_store %arg6[%swap3A_954], %add3A_953 {strides = array<i32>} : memref<272xi32, #tpu.memory_space<vmem>>, vector<16xi32>,
    %get3A_956 = arith.constant 128 : index
    %get3A_957 = tpu.vector_load %arg5[%get3A_956] {strides = array<i32>} : memref<4352xi32, #tpu.memory_space<vmem>>, vector<16xi32>,
    %add3A_958 = arith.addi %broadcast_in_dim3A_3, %get3A_957 : vector<16xi32>
    %get3A_959 = arith.constant 400 : index
    %get3A_960 = tpu.vector_load %arg5[%get3A_959] {strides = array<i32>} : memref<4352xi32, #tpu.memory_space<vmem>>, vector<16xi32>,
    %add3A_961 = arith.addi %add3A_958, %get3A_960 : vector<16xi32>
    %get3A_962 = arith.constant 672 : index
    %get3A_963 = tpu.vector_load %arg5[%get3A_962] {strides = array<i32>} : memref<4352xi32, #tpu.memory_space<vmem>>, vector<16xi32>,
    %add3A_964 = arith.addi %add3A_961, %get3A_963 : vector<16xi32>
    %get3A_965 = arith.constant 944 : index
    %get3A_966 = tpu.vector_load %arg5[%get3A_965] {strides = array<i32>} : memref<4352xi32, #tpu.memory_space<vmem>>, vector<16xi32>,
    %add3A_967 = arith.addi %add3A_964, %get3A_966 : vector<16xi32>
    %get3A_968 = arith.constant 1216 : index
    %get3A_969 = tpu.vector_load %arg5[%get3A_968] {strides = array<i32>} : memref<4352xi32, #tpu.memory_space<vmem>>, vector<16xi32>,
    %add3A_970 = arith.addi %add3A_967, %get3A_969 : vector<16xi32>
    %get3A_971 = arith.constant 1488 : index
    %get3A_972 = tpu.vector_load %arg5[%get3A_971] {strides = array<i32>} : memref<4352xi32, #tpu.memory_space<vmem>>, vector<16xi32>,
    %add3A_973 = arith.addi %add3A_970, %get3A_972 : vector<16xi32>
    %get3A_974 = arith.constant 1760 : index
    %get3A_975 = tpu.vector_load %arg5[%get3A_974] {strides = array<i32>} : memref<4352xi32, #tpu.memory_space<vmem>>, vector<16xi32>,
    %add3A_976 = arith.addi %add3A_973, %get3A_975 : vector<16xi32>
    %get3A_977 = arith.constant 2032 : index
    %get3A_978 = tpu.vector_load %arg5[%get3A_977] {strides = array<i32>} : memref<4352xi32, #tpu.memory_space<vmem>>, vector<16xi32>,
    %add3A_979 = arith.addi %add3A_976, %get3A_978 : vector<16xi32>
    %get3A_980 = arith.constant 2304 : index
    %get3A_981 = tpu.vector_load %arg5[%get3A_980] {strides = array<i32>} : memref<4352xi32, #tpu.memory_space<vmem>>, vector<16xi32>,
    %add3A_982 = arith.addi %add3A_979, %get3A_981 : vector<16xi32>
    %get3A_983 = arith.constant 2576 : index
    %get3A_984 = tpu.vector_load %arg5[%get3A_983] {strides = array<i32>} : memref<4352xi32, #tpu.memory_space<vmem>>, vector<16xi32>,
    %add3A_985 = arith.addi %add3A_982, %get3A_984 : vector<16xi32>
    %get3A_986 = arith.constant 2848 : index
    %get3A_987 = tpu.vector_load %arg5[%get3A_986] {strides = array<i32>} : memref<4352xi32, #tpu.memory_space<vmem>>, vector<16xi32>,
    %add3A_988 = arith.addi %add3A_985, %get3A_987 : vector<16xi32>
    %get3A_989 = arith.constant 3120 : index
    %get3A_990 = tpu.vector_load %arg5[%get3A_989] {strides = array<i32>} : memref<4352xi32, #tpu.memory_space<vmem>>, vector<16xi32>,
    %add3A_991 = arith.addi %add3A_988, %get3A_990 : vector<16xi32>
    %get3A_992 = arith.constant 3392 : index
    %get3A_993 = tpu.vector_load %arg5[%get3A_992] {strides = array<i32>} : memref<4352xi32, #tpu.memory_space<vmem>>, vector<16xi32>,
    %add3A_994 = arith.addi %add3A_991, %get3A_993 : vector<16xi32>
    %get3A_995 = arith.constant 3664 : index
    %get3A_996 = tpu.vector_load %arg5[%get3A_995] {strides = array<i32>} : memref<4352xi32, #tpu.memory_space<vmem>>, vector<16xi32>,
    %add3A_997 = arith.addi %add3A_994, %get3A_996 : vector<16xi32>
    %get3A_998 = arith.constant 3936 : index
    %get3A_999 = tpu.vector_load %arg5[%get3A_998] {strides = array<i32>} : memref<4352xi32, #tpu.memory_space<vmem>>, vector<16xi32>,
    %add3A_1000 = arith.addi %add3A_997, %get3A_999 : vector<16xi32>
    %get3A_1001 = arith.constant 4208 : index
    %get3A_1002 = tpu.vector_load %arg5[%get3A_1001] {strides = array<i32>} : memref<4352xi32, #tpu.memory_space<vmem>>, vector<16xi32>,
    %add3A_1003 = arith.addi %add3A_1000, %get3A_1002 : vector<16xi32>
    %swap3A_1004 = arith.constant 128 : index
    %swap3A_1005 = tpu.vector_load %arg6[%swap3A_1004] {strides = array<i32>} : memref<272xi32, #tpu.memory_space<vmem>>, vector<16xi32>,
    tpu.vector_store %arg6[%swap3A_1004], %add3A_1003 {strides = array<i32>} : memref<272xi32, #tpu.memory_space<vmem>>, vector<16xi32>,
    %get3A_1006 = arith.constant 144 : index
    %get3A_1007 = tpu.vector_load %arg5[%get3A_1006] {strides = array<i32>} : memref<4352xi32, #tpu.memory_space<vmem>>, vector<16xi32>,
    %add3A_1008 = arith.addi %broadcast_in_dim3A_3, %get3A_1007 : vector<16xi32>
    %get3A_1009 = arith.constant 416 : index
    %get3A_1010 = tpu.vector_load %arg5[%get3A_1009] {strides = array<i32>} : memref<4352xi32, #tpu.memory_space<vmem>>, vector<16xi32>,
    %add3A_1011 = arith.addi %add3A_1008, %get3A_1010 : vector<16xi32>
    %get3A_1012 = arith.constant 688 : index
    %get3A_1013 = tpu.vector_load %arg5[%get3A_1012] {strides = array<i32>} : memref<4352xi32, #tpu.memory_space<vmem>>, vector<16xi32>,
    %add3A_1014 = arith.addi %add3A_1011, %get3A_1013 : vector<16xi32>
    %get3A_1015 = arith.constant 960 : index
    %get3A_1016 = tpu.vector_load %arg5[%get3A_1015] {strides = array<i32>} : memref<4352xi32, #tpu.memory_space<vmem>>, vector<16xi32>,
    %add3A_1017 = arith.addi %add3A_1014, %get3A_1016 : vector<16xi32>
    %get3A_1018 = arith.constant 1232 : index
    %get3A_1019 = tpu.vector_load %arg5[%get3A_1018] {strides = array<i32>} : memref<4352xi32, #tpu.memory_space<vmem>>, vector<16xi32>,
    %add3A_1020 = arith.addi %add3A_1017, %get3A_1019 : vector<16xi32>
    %get3A_1021 = arith.constant 1504 : index
    %get3A_1022 = tpu.vector_load %arg5[%get3A_1021] {strides = array<i32>} : memref<4352xi32, #tpu.memory_space<vmem>>, vector<16xi32>,
    %add3A_1023 = arith.addi %add3A_1020, %get3A_1022 : vector<16xi32>
    %get3A_1024 = arith.constant 1776 : index
    %get3A_1025 = tpu.vector_load %arg5[%get3A_1024] {strides = array<i32>} : memref<4352xi32, #tpu.memory_space<vmem>>, vector<16xi32>,
    %add3A_1026 = arith.addi %add3A_1023, %get3A_1025 : vector<16xi32>
    %get3A_1027 = arith.constant 2048 : index
    %get3A_1028 = tpu.vector_load %arg5[%get3A_1027] {strides = array<i32>} : memref<4352xi32, #tpu.memory_space<vmem>>, vector<16xi32>,
    %add3A_1029 = arith.addi %add3A_1026, %get3A_1028 : vector<16xi32>
    %get3A_1030 = arith.constant 2320 : index
    %get3A_1031 = tpu.vector_load %arg5[%get3A_1030] {strides = array<i32>} : memref<4352xi32, #tpu.memory_space<vmem>>, vector<16xi32>,
    %add3A_1032 = arith.addi %add3A_1029, %get3A_1031 : vector<16xi32>
    %get3A_1033 = arith.constant 2592 : index
    %get3A_1034 = tpu.vector_load %arg5[%get3A_1033] {strides = array<i32>} : memref<4352xi32, #tpu.memory_space<vmem>>, vector<16xi32>,
    %add3A_1035 = arith.addi %add3A_1032, %get3A_1034 : vector<16xi32>
    %get3A_1036 = arith.constant 2864 : index
    %get3A_1037 = tpu.vector_load %arg5[%get3A_1036] {strides = array<i32>} : memref<4352xi32, #tpu.memory_space<vmem>>, vector<16xi32>,
    %add3A_1038 = arith.addi %add3A_1035, %get3A_1037 : vector<16xi32>
    %get3A_1039 = arith.constant 3136 : index
    %get3A_1040 = tpu.vector_load %arg5[%get3A_1039] {strides = array<i32>} : memref<4352xi32, #tpu.memory_space<vmem>>, vector<16xi32>,
    %add3A_1041 = arith.addi %add3A_1038, %get3A_1040 : vector<16xi32>
    %get3A_1042 = arith.constant 3408 : index
    %get3A_1043 = tpu.vector_load %arg5[%get3A_1042] {strides = array<i32>} : memref<4352xi32, #tpu.memory_space<vmem>>, vector<16xi32>,
    %add3A_1044 = arith.addi %add3A_1041, %get3A_1043 : vector<16xi32>
    %get3A_1045 = arith.constant 3680 : index
    %get3A_1046 = tpu.vector_load %arg5[%get3A_1045] {strides = array<i32>} : memref<4352xi32, #tpu.memory_space<vmem>>, vector<16xi32>,
    %add3A_1047 = arith.addi %add3A_1044, %get3A_1046 : vector<16xi32>
    %get3A_1048 = arith.constant 3952 : index
    %get3A_1049 = tpu.vector_load %arg5[%get3A_1048] {strides = array<i32>} : memref<4352xi32, #tpu.memory_space<vmem>>, vector<16xi32>,
    %add3A_1050 = arith.addi %add3A_1047, %get3A_1049 : vector<16xi32>
    %get3A_1051 = arith.constant 4224 : index
    %get3A_1052 = tpu.vector_load %arg5[%get3A_1051] {strides = array<i32>} : memref<4352xi32, #tpu.memory_space<vmem>>, vector<16xi32>,
    %add3A_1053 = arith.addi %add3A_1050, %get3A_1052 : vector<16xi32>
    %swap3A_1054 = arith.constant 144 : index
    %swap3A_1055 = tpu.vector_load %arg6[%swap3A_1054] {strides = array<i32>} : memref<272xi32, #tpu.memory_space<vmem>>, vector<16xi32>,
    tpu.vector_store %arg6[%swap3A_1054], %add3A_1053 {strides = array<i32>} : memref<272xi32, #tpu.memory_space<vmem>>, vector<16xi32>,
    %get3A_1056 = arith.constant 160 : index
    %get3A_1057 = tpu.vector_load %arg5[%get3A_1056] {strides = array<i32>} : memref<4352xi32, #tpu.memory_space<vmem>>, vector<16xi32>,
    %add3A_1058 = arith.addi %broadcast_in_dim3A_3, %get3A_1057 : vector<16xi32>
    %get3A_1059 = arith.constant 432 : index
    %get3A_1060 = tpu.vector_load %arg5[%get3A_1059] {strides = array<i32>} : memref<4352xi32, #tpu.memory_space<vmem>>, vector<16xi32>,
    %add3A_1061 = arith.addi %add3A_1058, %get3A_1060 : vector<16xi32>
    %get3A_1062 = arith.constant 704 : index
    %get3A_1063 = tpu.vector_load %arg5[%get3A_1062] {strides = array<i32>} : memref<4352xi32, #tpu.memory_space<vmem>>, vector<16xi32>,
    %add3A_1064 = arith.addi %add3A_1061, %get3A_1063 : vector<16xi32>
    %get3A_1065 = arith.constant 976 : index
    %get3A_1066 = tpu.vector_load %arg5[%get3A_1065] {strides = array<i32>} : memref<4352xi32, #tpu.memory_space<vmem>>, vector<16xi32>,
    %add3A_1067 = arith.addi %add3A_1064, %get3A_1066 : vector<16xi32>
    %get3A_1068 = arith.constant 1248 : index
    %get3A_1069 = tpu.vector_load %arg5[%get3A_1068] {strides = array<i32>} : memref<4352xi32, #tpu.memory_space<vmem>>, vector<16xi32>,
    %add3A_1070 = arith.addi %add3A_1067, %get3A_1069 : vector<16xi32>
    %get3A_1071 = arith.constant 1520 : index
    %get3A_1072 = tpu.vector_load %arg5[%get3A_1071] {strides = array<i32>} : memref<4352xi32, #tpu.memory_space<vmem>>, vector<16xi32>,
    %add3A_1073 = arith.addi %add3A_1070, %get3A_1072 : vector<16xi32>
    %get3A_1074 = arith.constant 1792 : index
    %get3A_1075 = tpu.vector_load %arg5[%get3A_1074] {strides = array<i32>} : memref<4352xi32, #tpu.memory_space<vmem>>, vector<16xi32>,
    %add3A_1076 = arith.addi %add3A_1073, %get3A_1075 : vector<16xi32>
    %get3A_1077 = arith.constant 2064 : index
    %get3A_1078 = tpu.vector_load %arg5[%get3A_1077] {strides = array<i32>} : memref<4352xi32, #tpu.memory_space<vmem>>, vector<16xi32>,
    %add3A_1079 = arith.addi %add3A_1076, %get3A_1078 : vector<16xi32>
    %get3A_1080 = arith.constant 2336 : index
    %get3A_1081 = tpu.vector_load %arg5[%get3A_1080] {strides = array<i32>} : memref<4352xi32, #tpu.memory_space<vmem>>, vector<16xi32>,
    %add3A_1082 = arith.addi %add3A_1079, %get3A_1081 : vector<16xi32>
    %get3A_1083 = arith.constant 2608 : index
    %get3A_1084 = tpu.vector_load %arg5[%get3A_1083] {strides = array<i32>} : memref<4352xi32, #tpu.memory_space<vmem>>, vector<16xi32>,
    %add3A_1085 = arith.addi %add3A_1082, %get3A_1084 : vector<16xi32>
    %get3A_1086 = arith.constant 2880 : index
    %get3A_1087 = tpu.vector_load %arg5[%get3A_1086] {strides = array<i32>} : memref<4352xi32, #tpu.memory_space<vmem>>, vector<16xi32>,
    %add3A_1088 = arith.addi %add3A_1085, %get3A_1087 : vector<16xi32>
    %get3A_1089 = arith.constant 3152 : index
    %get3A_1090 = tpu.vector_load %arg5[%get3A_1089] {strides = array<i32>} : memref<4352xi32, #tpu.memory_space<vmem>>, vector<16xi32>,
    %add3A_1091 = arith.addi %add3A_1088, %get3A_1090 : vector<16xi32>
    %get3A_1092 = arith.constant 3424 : index
    %get3A_1093 = tpu.vector_load %arg5[%get3A_1092] {strides = array<i32>} : memref<4352xi32, #tpu.memory_space<vmem>>, vector<16xi32>,
    %add3A_1094 = arith.addi %add3A_1091, %get3A_1093 : vector<16xi32>
    %get3A_1095 = arith.constant 3696 : index
    %get3A_1096 = tpu.vector_load %arg5[%get3A_1095] {strides = array<i32>} : memref<4352xi32, #tpu.memory_space<vmem>>, vector<16xi32>,
    %add3A_1097 = arith.addi %add3A_1094, %get3A_1096 : vector<16xi32>
    %get3A_1098 = arith.constant 3968 : index
    %get3A_1099 = tpu.vector_load %arg5[%get3A_1098] {strides = array<i32>} : memref<4352xi32, #tpu.memory_space<vmem>>, vector<16xi32>,
    %add3A_1100 = arith.addi %add3A_1097, %get3A_1099 : vector<16xi32>
    %get3A_1101 = arith.constant 4240 : index
    %get3A_1102 = tpu.vector_load %arg5[%get3A_1101] {strides = array<i32>} : memref<4352xi32, #tpu.memory_space<vmem>>, vector<16xi32>,
    %add3A_1103 = arith.addi %add3A_1100, %get3A_1102 : vector<16xi32>
    %swap3A_1104 = arith.constant 160 : index
    %swap3A_1105 = tpu.vector_load %arg6[%swap3A_1104] {strides = array<i32>} : memref<272xi32, #tpu.memory_space<vmem>>, vector<16xi32>,
    tpu.vector_store %arg6[%swap3A_1104], %add3A_1103 {strides = array<i32>} : memref<272xi32, #tpu.memory_space<vmem>>, vector<16xi32>,
    %get3A_1106 = arith.constant 176 : index
    %get3A_1107 = tpu.vector_load %arg5[%get3A_1106] {strides = array<i32>} : memref<4352xi32, #tpu.memory_space<vmem>>, vector<16xi32>,
    %add3A_1108 = arith.addi %broadcast_in_dim3A_3, %get3A_1107 : vector<16xi32>
    %get3A_1109 = arith.constant 448 : index
    %get3A_1110 = tpu.vector_load %arg5[%get3A_1109] {strides = array<i32>} : memref<4352xi32, #tpu.memory_space<vmem>>, vector<16xi32>,
    %add3A_1111 = arith.addi %add3A_1108, %get3A_1110 : vector<16xi32>
    %get3A_1112 = arith.constant 720 : index
    %get3A_1113 = tpu.vector_load %arg5[%get3A_1112] {strides = array<i32>} : memref<4352xi32, #tpu.memory_space<vmem>>, vector<16xi32>,
    %add3A_1114 = arith.addi %add3A_1111, %get3A_1113 : vector<16xi32>
    %get3A_1115 = arith.constant 992 : index
    %get3A_1116 = tpu.vector_load %arg5[%get3A_1115] {strides = array<i32>} : memref<4352xi32, #tpu.memory_space<vmem>>, vector<16xi32>,
    %add3A_1117 = arith.addi %add3A_1114, %get3A_1116 : vector<16xi32>
    %get3A_1118 = arith.constant 1264 : index
    %get3A_1119 = tpu.vector_load %arg5[%get3A_1118] {strides = array<i32>} : memref<4352xi32, #tpu.memory_space<vmem>>, vector<16xi32>,
    %add3A_1120 = arith.addi %add3A_1117, %get3A_1119 : vector<16xi32>
    %get3A_1121 = arith.constant 1536 : index
    %get3A_1122 = tpu.vector_load %arg5[%get3A_1121] {strides = array<i32>} : memref<4352xi32, #tpu.memory_space<vmem>>, vector<16xi32>,
    %add3A_1123 = arith.addi %add3A_1120, %get3A_1122 : vector<16xi32>
    %get3A_1124 = arith.constant 1808 : index
    %get3A_1125 = tpu.vector_load %arg5[%get3A_1124] {strides = array<i32>} : memref<4352xi32, #tpu.memory_space<vmem>>, vector<16xi32>,
    %add3A_1126 = arith.addi %add3A_1123, %get3A_1125 : vector<16xi32>
    %get3A_1127 = arith.constant 2080 : index
    %get3A_1128 = tpu.vector_load %arg5[%get3A_1127] {strides = array<i32>} : memref<4352xi32, #tpu.memory_space<vmem>>, vector<16xi32>,
    %add3A_1129 = arith.addi %add3A_1126, %get3A_1128 : vector<16xi32>
    %get3A_1130 = arith.constant 2352 : index
    %get3A_1131 = tpu.vector_load %arg5[%get3A_1130] {strides = array<i32>} : memref<4352xi32, #tpu.memory_space<vmem>>, vector<16xi32>,
    %add3A_1132 = arith.addi %add3A_1129, %get3A_1131 : vector<16xi32>
    %get3A_1133 = arith.constant 2624 : index
    %get3A_1134 = tpu.vector_load %arg5[%get3A_1133] {strides = array<i32>} : memref<4352xi32, #tpu.memory_space<vmem>>, vector<16xi32>,
    %add3A_1135 = arith.addi %add3A_1132, %get3A_1134 : vector<16xi32>
    %get3A_1136 = arith.constant 2896 : index
    %get3A_1137 = tpu.vector_load %arg5[%get3A_1136] {strides = array<i32>} : memref<4352xi32, #tpu.memory_space<vmem>>, vector<16xi32>,
    %add3A_1138 = arith.addi %add3A_1135, %get3A_1137 : vector<16xi32>
    %get3A_1139 = arith.constant 3168 : index
    %get3A_1140 = tpu.vector_load %arg5[%get3A_1139] {strides = array<i32>} : memref<4352xi32, #tpu.memory_space<vmem>>, vector<16xi32>,
    %add3A_1141 = arith.addi %add3A_1138, %get3A_1140 : vector<16xi32>
    %get3A_1142 = arith.constant 3440 : index
    %get3A_1143 = tpu.vector_load %arg5[%get3A_1142] {strides = array<i32>} : memref<4352xi32, #tpu.memory_space<vmem>>, vector<16xi32>,
    %add3A_1144 = arith.addi %add3A_1141, %get3A_1143 : vector<16xi32>
    %get3A_1145 = arith.constant 3712 : index
    %get3A_1146 = tpu.vector_load %arg5[%get3A_1145] {strides = array<i32>} : memref<4352xi32, #tpu.memory_space<vmem>>, vector<16xi32>,
    %add3A_1147 = arith.addi %add3A_1144, %get3A_1146 : vector<16xi32>
    %get3A_1148 = arith.constant 3984 : index
    %get3A_1149 = tpu.vector_load %arg5[%get3A_1148] {strides = array<i32>} : memref<4352xi32, #tpu.memory_space<vmem>>, vector<16xi32>,
    %add3A_1150 = arith.addi %add3A_1147, %get3A_1149 : vector<16xi32>
    %get3A_1151 = arith.constant 4256 : index
    %get3A_1152 = tpu.vector_load %arg5[%get3A_1151] {strides = array<i32>} : memref<4352xi32, #tpu.memory_space<vmem>>, vector<16xi32>,
    %add3A_1153 = arith.addi %add3A_1150, %get3A_1152 : vector<16xi32>
    %swap3A_1154 = arith.constant 176 : index
    %swap3A_1155 = tpu.vector_load %arg6[%swap3A_1154] {strides = array<i32>} : memref<272xi32, #tpu.memory_space<vmem>>, vector<16xi32>,
    tpu.vector_store %arg6[%swap3A_1154], %add3A_1153 {strides = array<i32>} : memref<272xi32, #tpu.memory_space<vmem>>, vector<16xi32>,
    %get3A_1156 = arith.constant 192 : index
    %get3A_1157 = tpu.vector_load %arg5[%get3A_1156] {strides = array<i32>} : memref<4352xi32, #tpu.memory_space<vmem>>, vector<16xi32>,
    %add3A_1158 = arith.addi %broadcast_in_dim3A_3, %get3A_1157 : vector<16xi32>
    %get3A_1159 = arith.constant 464 : index
    %get3A_1160 = tpu.vector_load %arg5[%get3A_1159] {strides = array<i32>} : memref<4352xi32, #tpu.memory_space<vmem>>, vector<16xi32>,
    %add3A_1161 = arith.addi %add3A_1158, %get3A_1160 : vector<16xi32>
    %get3A_1162 = arith.constant 736 : index
    %get3A_1163 = tpu.vector_load %arg5[%get3A_1162] {strides = array<i32>} : memref<4352xi32, #tpu.memory_space<vmem>>, vector<16xi32>,
    %add3A_1164 = arith.addi %add3A_1161, %get3A_1163 : vector<16xi32>
    %get3A_1165 = arith.constant 1008 : index
    %get3A_1166 = tpu.vector_load %arg5[%get3A_1165] {strides = array<i32>} : memref<4352xi32, #tpu.memory_space<vmem>>, vector<16xi32>,
    %add3A_1167 = arith.addi %add3A_1164, %get3A_1166 : vector<16xi32>
    %get3A_1168 = arith.constant 1280 : index
    %get3A_1169 = tpu.vector_load %arg5[%get3A_1168] {strides = array<i32>} : memref<4352xi32, #tpu.memory_space<vmem>>, vector<16xi32>,
    %add3A_1170 = arith.addi %add3A_1167, %get3A_1169 : vector<16xi32>
    %get3A_1171 = arith.constant 1552 : index
    %get3A_1172 = tpu.vector_load %arg5[%get3A_1171] {strides = array<i32>} : memref<4352xi32, #tpu.memory_space<vmem>>, vector<16xi32>,
    %add3A_1173 = arith.addi %add3A_1170, %get3A_1172 : vector<16xi32>
    %get3A_1174 = arith.constant 1824 : index
    %get3A_1175 = tpu.vector_load %arg5[%get3A_1174] {strides = array<i32>} : memref<4352xi32, #tpu.memory_space<vmem>>, vector<16xi32>,
    %add3A_1176 = arith.addi %add3A_1173, %get3A_1175 : vector<16xi32>
    %get3A_1177 = arith.constant 2096 : index
    %get3A_1178 = tpu.vector_load %arg5[%get3A_1177] {strides = array<i32>} : memref<4352xi32, #tpu.memory_space<vmem>>, vector<16xi32>,
    %add3A_1179 = arith.addi %add3A_1176, %get3A_1178 : vector<16xi32>
    %get3A_1180 = arith.constant 2368 : index
    %get3A_1181 = tpu.vector_load %arg5[%get3A_1180] {strides = array<i32>} : memref<4352xi32, #tpu.memory_space<vmem>>, vector<16xi32>,
    %add3A_1182 = arith.addi %add3A_1179, %get3A_1181 : vector<16xi32>
    %get3A_1183 = arith.constant 2640 : index
    %get3A_1184 = tpu.vector_load %arg5[%get3A_1183] {strides = array<i32>} : memref<4352xi32, #tpu.memory_space<vmem>>, vector<16xi32>,
    %add3A_1185 = arith.addi %add3A_1182, %get3A_1184 : vector<16xi32>
    %get3A_1186 = arith.constant 2912 : index
    %get3A_1187 = tpu.vector_load %arg5[%get3A_1186] {strides = array<i32>} : memref<4352xi32, #tpu.memory_space<vmem>>, vector<16xi32>,
    %add3A_1188 = arith.addi %add3A_1185, %get3A_1187 : vector<16xi32>
    %get3A_1189 = arith.constant 3184 : index
    %get3A_1190 = tpu.vector_load %arg5[%get3A_1189] {strides = array<i32>} : memref<4352xi32, #tpu.memory_space<vmem>>, vector<16xi32>,
    %add3A_1191 = arith.addi %add3A_1188, %get3A_1190 : vector<16xi32>
    %get3A_1192 = arith.constant 3456 : index
    %get3A_1193 = tpu.vector_load %arg5[%get3A_1192] {strides = array<i32>} : memref<4352xi32, #tpu.memory_space<vmem>>, vector<16xi32>,
    %add3A_1194 = arith.addi %add3A_1191, %get3A_1193 : vector<16xi32>
    %get3A_1195 = arith.constant 3728 : index
    %get3A_1196 = tpu.vector_load %arg5[%get3A_1195] {strides = array<i32>} : memref<4352xi32, #tpu.memory_space<vmem>>, vector<16xi32>,
    %add3A_1197 = arith.addi %add3A_1194, %get3A_1196 : vector<16xi32>
    %get3A_1198 = arith.constant 4000 : index
    %get3A_1199 = tpu.vector_load %arg5[%get3A_1198] {strides = array<i32>} : memref<4352xi32, #tpu.memory_space<vmem>>, vector<16xi32>,
    %add3A_1200 = arith.addi %add3A_1197, %get3A_1199 : vector<16xi32>
    %get3A_1201 = arith.constant 4272 : index
    %get3A_1202 = tpu.vector_load %arg5[%get3A_1201] {strides = array<i32>} : memref<4352xi32, #tpu.memory_space<vmem>>, vector<16xi32>,
    %add3A_1203 = arith.addi %add3A_1200, %get3A_1202 : vector<16xi32>
    %swap3A_1204 = arith.constant 192 : index
    %swap3A_1205 = tpu.vector_load %arg6[%swap3A_1204] {strides = array<i32>} : memref<272xi32, #tpu.memory_space<vmem>>, vector<16xi32>,
    tpu.vector_store %arg6[%swap3A_1204], %add3A_1203 {strides = array<i32>} : memref<272xi32, #tpu.memory_space<vmem>>, vector<16xi32>,
    %get3A_1206 = arith.constant 208 : index
    %get3A_1207 = tpu.vector_load %arg5[%get3A_1206] {strides = array<i32>} : memref<4352xi32, #tpu.memory_space<vmem>>, vector<16xi32>,
    %add3A_1208 = arith.addi %broadcast_in_dim3A_3, %get3A_1207 : vector<16xi32>
    %get3A_1209 = arith.constant 480 : index
    %get3A_1210 = tpu.vector_load %arg5[%get3A_1209] {strides = array<i32>} : memref<4352xi32, #tpu.memory_space<vmem>>, vector<16xi32>,
    %add3A_1211 = arith.addi %add3A_1208, %get3A_1210 : vector<16xi32>
    %get3A_1212 = arith.constant 752 : index
    %get3A_1213 = tpu.vector_load %arg5[%get3A_1212] {strides = array<i32>} : memref<4352xi32, #tpu.memory_space<vmem>>, vector<16xi32>,
    %add3A_1214 = arith.addi %add3A_1211, %get3A_1213 : vector<16xi32>
    %get3A_1215 = arith.constant 1024 : index
    %get3A_1216 = tpu.vector_load %arg5[%get3A_1215] {strides = array<i32>} : memref<4352xi32, #tpu.memory_space<vmem>>, vector<16xi32>,
    %add3A_1217 = arith.addi %add3A_1214, %get3A_1216 : vector<16xi32>
    %get3A_1218 = arith.constant 1296 : index
    %get3A_1219 = tpu.vector_load %arg5[%get3A_1218] {strides = array<i32>} : memref<4352xi32, #tpu.memory_space<vmem>>, vector<16xi32>,
    %add3A_1220 = arith.addi %add3A_1217, %get3A_1219 : vector<16xi32>
    %get3A_1221 = arith.constant 1568 : index
    %get3A_1222 = tpu.vector_load %arg5[%get3A_1221] {strides = array<i32>} : memref<4352xi32, #tpu.memory_space<vmem>>, vector<16xi32>,
    %add3A_1223 = arith.addi %add3A_1220, %get3A_1222 : vector<16xi32>
    %get3A_1224 = arith.constant 1840 : index
    %get3A_1225 = tpu.vector_load %arg5[%get3A_1224] {strides = array<i32>} : memref<4352xi32, #tpu.memory_space<vmem>>, vector<16xi32>,
    %add3A_1226 = arith.addi %add3A_1223, %get3A_1225 : vector<16xi32>
    %get3A_1227 = arith.constant 2112 : index
    %get3A_1228 = tpu.vector_load %arg5[%get3A_1227] {strides = array<i32>} : memref<4352xi32, #tpu.memory_space<vmem>>, vector<16xi32>,
    %add3A_1229 = arith.addi %add3A_1226, %get3A_1228 : vector<16xi32>
    %get3A_1230 = arith.constant 2384 : index
    %get3A_1231 = tpu.vector_load %arg5[%get3A_1230] {strides = array<i32>} : memref<4352xi32, #tpu.memory_space<vmem>>, vector<16xi32>,
    %add3A_1232 = arith.addi %add3A_1229, %get3A_1231 : vector<16xi32>
    %get3A_1233 = arith.constant 2656 : index
    %get3A_1234 = tpu.vector_load %arg5[%get3A_1233] {strides = array<i32>} : memref<4352xi32, #tpu.memory_space<vmem>>, vector<16xi32>,
    %add3A_1235 = arith.addi %add3A_1232, %get3A_1234 : vector<16xi32>
    %get3A_1236 = arith.constant 2928 : index
    %get3A_1237 = tpu.vector_load %arg5[%get3A_1236] {strides = array<i32>} : memref<4352xi32, #tpu.memory_space<vmem>>, vector<16xi32>,
    %add3A_1238 = arith.addi %add3A_1235, %get3A_1237 : vector<16xi32>
    %get3A_1239 = arith.constant 3200 : index
    %get3A_1240 = tpu.vector_load %arg5[%get3A_1239] {strides = array<i32>} : memref<4352xi32, #tpu.memory_space<vmem>>, vector<16xi32>,
    %add3A_1241 = arith.addi %add3A_1238, %get3A_1240 : vector<16xi32>
    %get3A_1242 = arith.constant 3472 : index
    %get3A_1243 = tpu.vector_load %arg5[%get3A_1242] {strides = array<i32>} : memref<4352xi32, #tpu.memory_space<vmem>>, vector<16xi32>,
    %add3A_1244 = arith.addi %add3A_1241, %get3A_1243 : vector<16xi32>
    %get3A_1245 = arith.constant 3744 : index
    %get3A_1246 = tpu.vector_load %arg5[%get3A_1245] {strides = array<i32>} : memref<4352xi32, #tpu.memory_space<vmem>>, vector<16xi32>,
    %add3A_1247 = arith.addi %add3A_1244, %get3A_1246 : vector<16xi32>
    %get3A_1248 = arith.constant 4016 : index
    %get3A_1249 = tpu.vector_load %arg5[%get3A_1248] {strides = array<i32>} : memref<4352xi32, #tpu.memory_space<vmem>>, vector<16xi32>,
    %add3A_1250 = arith.addi %add3A_1247, %get3A_1249 : vector<16xi32>
    %get3A_1251 = arith.constant 4288 : index
    %get3A_1252 = tpu.vector_load %arg5[%get3A_1251] {strides = array<i32>} : memref<4352xi32, #tpu.memory_space<vmem>>, vector<16xi32>,
    %add3A_1253 = arith.addi %add3A_1250, %get3A_1252 : vector<16xi32>
    %swap3A_1254 = arith.constant 208 : index
    %swap3A_1255 = tpu.vector_load %arg6[%swap3A_1254] {strides = array<i32>} : memref<272xi32, #tpu.memory_space<vmem>>, vector<16xi32>,
    tpu.vector_store %arg6[%swap3A_1254], %add3A_1253 {strides = array<i32>} : memref<272xi32, #tpu.memory_space<vmem>>, vector<16xi32>,
    %get3A_1256 = arith.constant 224 : index
    %get3A_1257 = tpu.vector_load %arg5[%get3A_1256] {strides = array<i32>} : memref<4352xi32, #tpu.memory_space<vmem>>, vector<16xi32>,
    %add3A_1258 = arith.addi %broadcast_in_dim3A_3, %get3A_1257 : vector<16xi32>
    %get3A_1259 = arith.constant 496 : index
    %get3A_1260 = tpu.vector_load %arg5[%get3A_1259] {strides = array<i32>} : memref<4352xi32, #tpu.memory_space<vmem>>, vector<16xi32>,
    %add3A_1261 = arith.addi %add3A_1258, %get3A_1260 : vector<16xi32>
    %get3A_1262 = arith.constant 768 : index
    %get3A_1263 = tpu.vector_load %arg5[%get3A_1262] {strides = array<i32>} : memref<4352xi32, #tpu.memory_space<vmem>>, vector<16xi32>,
    %add3A_1264 = arith.addi %add3A_1261, %get3A_1263 : vector<16xi32>
    %get3A_1265 = arith.constant 1040 : index
    %get3A_1266 = tpu.vector_load %arg5[%get3A_1265] {strides = array<i32>} : memref<4352xi32, #tpu.memory_space<vmem>>, vector<16xi32>,
    %add3A_1267 = arith.addi %add3A_1264, %get3A_1266 : vector<16xi32>
    %get3A_1268 = arith.constant 1312 : index
    %get3A_1269 = tpu.vector_load %arg5[%get3A_1268] {strides = array<i32>} : memref<4352xi32, #tpu.memory_space<vmem>>, vector<16xi32>,
    %add3A_1270 = arith.addi %add3A_1267, %get3A_1269 : vector<16xi32>
    %get3A_1271 = arith.constant 1584 : index
    %get3A_1272 = tpu.vector_load %arg5[%get3A_1271] {strides = array<i32>} : memref<4352xi32, #tpu.memory_space<vmem>>, vector<16xi32>,
    %add3A_1273 = arith.addi %add3A_1270, %get3A_1272 : vector<16xi32>
    %get3A_1274 = arith.constant 1856 : index
    %get3A_1275 = tpu.vector_load %arg5[%get3A_1274] {strides = array<i32>} : memref<4352xi32, #tpu.memory_space<vmem>>, vector<16xi32>,
    %add3A_1276 = arith.addi %add3A_1273, %get3A_1275 : vector<16xi32>
    %get3A_1277 = arith.constant 2128 : index
    %get3A_1278 = tpu.vector_load %arg5[%get3A_1277] {strides = array<i32>} : memref<4352xi32, #tpu.memory_space<vmem>>, vector<16xi32>,
    %add3A_1279 = arith.addi %add3A_1276, %get3A_1278 : vector<16xi32>
    %get3A_1280 = arith.constant 2400 : index
    %get3A_1281 = tpu.vector_load %arg5[%get3A_1280] {strides = array<i32>} : memref<4352xi32, #tpu.memory_space<vmem>>, vector<16xi32>,
    %add3A_1282 = arith.addi %add3A_1279, %get3A_1281 : vector<16xi32>
    %get3A_1283 = arith.constant 2672 : index
    %get3A_1284 = tpu.vector_load %arg5[%get3A_1283] {strides = array<i32>} : memref<4352xi32, #tpu.memory_space<vmem>>, vector<16xi32>,
    %add3A_1285 = arith.addi %add3A_1282, %get3A_1284 : vector<16xi32>
    %get3A_1286 = arith.constant 2944 : index
    %get3A_1287 = tpu.vector_load %arg5[%get3A_1286] {strides = array<i32>} : memref<4352xi32, #tpu.memory_space<vmem>>, vector<16xi32>,
    %add3A_1288 = arith.addi %add3A_1285, %get3A_1287 : vector<16xi32>
    %get3A_1289 = arith.constant 3216 : index
    %get3A_1290 = tpu.vector_load %arg5[%get3A_1289] {strides = array<i32>} : memref<4352xi32, #tpu.memory_space<vmem>>, vector<16xi32>,
    %add3A_1291 = arith.addi %add3A_1288, %get3A_1290 : vector<16xi32>
    %get3A_1292 = arith.constant 3488 : index
    %get3A_1293 = tpu.vector_load %arg5[%get3A_1292] {strides = array<i32>} : memref<4352xi32, #tpu.memory_space<vmem>>, vector<16xi32>,
    %add3A_1294 = arith.addi %add3A_1291, %get3A_1293 : vector<16xi32>
    %get3A_1295 = arith.constant 3760 : index
    %get3A_1296 = tpu.vector_load %arg5[%get3A_1295] {strides = array<i32>} : memref<4352xi32, #tpu.memory_space<vmem>>, vector<16xi32>,
    %add3A_1297 = arith.addi %add3A_1294, %get3A_1296 : vector<16xi32>
    %get3A_1298 = arith.constant 4032 : index
    %get3A_1299 = tpu.vector_load %arg5[%get3A_1298] {strides = array<i32>} : memref<4352xi32, #tpu.memory_space<vmem>>, vector<16xi32>,
    %add3A_1300 = arith.addi %add3A_1297, %get3A_1299 : vector<16xi32>
    %get3A_1301 = arith.constant 4304 : index
    %get3A_1302 = tpu.vector_load %arg5[%get3A_1301] {strides = array<i32>} : memref<4352xi32, #tpu.memory_space<vmem>>, vector<16xi32>,
    %add3A_1303 = arith.addi %add3A_1300, %get3A_1302 : vector<16xi32>
    %swap3A_1304 = arith.constant 224 : index
    %swap3A_1305 = tpu.vector_load %arg6[%swap3A_1304] {strides = array<i32>} : memref<272xi32, #tpu.memory_space<vmem>>, vector<16xi32>,
    tpu.vector_store %arg6[%swap3A_1304], %add3A_1303 {strides = array<i32>} : memref<272xi32, #tpu.memory_space<vmem>>, vector<16xi32>,
    %get3A_1306 = arith.constant 240 : index
    %get3A_1307 = tpu.vector_load %arg5[%get3A_1306] {strides = array<i32>} : memref<4352xi32, #tpu.memory_space<vmem>>, vector<16xi32>,
    %add3A_1308 = arith.addi %broadcast_in_dim3A_3, %get3A_1307 : vector<16xi32>
    %get3A_1309 = arith.constant 512 : index
    %get3A_1310 = tpu.vector_load %arg5[%get3A_1309] {strides = array<i32>} : memref<4352xi32, #tpu.memory_space<vmem>>, vector<16xi32>,
    %add3A_1311 = arith.addi %add3A_1308, %get3A_1310 : vector<16xi32>
    %get3A_1312 = arith.constant 784 : index
    %get3A_1313 = tpu.vector_load %arg5[%get3A_1312] {strides = array<i32>} : memref<4352xi32, #tpu.memory_space<vmem>>, vector<16xi32>,
    %add3A_1314 = arith.addi %add3A_1311, %get3A_1313 : vector<16xi32>
    %get3A_1315 = arith.constant 1056 : index
    %get3A_1316 = tpu.vector_load %arg5[%get3A_1315] {strides = array<i32>} : memref<4352xi32, #tpu.memory_space<vmem>>, vector<16xi32>,
    %add3A_1317 = arith.addi %add3A_1314, %get3A_1316 : vector<16xi32>
    %get3A_1318 = arith.constant 1328 : index
    %get3A_1319 = tpu.vector_load %arg5[%get3A_1318] {strides = array<i32>} : memref<4352xi32, #tpu.memory_space<vmem>>, vector<16xi32>,
    %add3A_1320 = arith.addi %add3A_1317, %get3A_1319 : vector<16xi32>
    %get3A_1321 = arith.constant 1600 : index
    %get3A_1322 = tpu.vector_load %arg5[%get3A_1321] {strides = array<i32>} : memref<4352xi32, #tpu.memory_space<vmem>>, vector<16xi32>,
    %add3A_1323 = arith.addi %add3A_1320, %get3A_1322 : vector<16xi32>
    %get3A_1324 = arith.constant 1872 : index
    %get3A_1325 = tpu.vector_load %arg5[%get3A_1324] {strides = array<i32>} : memref<4352xi32, #tpu.memory_space<vmem>>, vector<16xi32>,
    %add3A_1326 = arith.addi %add3A_1323, %get3A_1325 : vector<16xi32>
    %get3A_1327 = arith.constant 2144 : index
    %get3A_1328 = tpu.vector_load %arg5[%get3A_1327] {strides = array<i32>} : memref<4352xi32, #tpu.memory_space<vmem>>, vector<16xi32>,
    %add3A_1329 = arith.addi %add3A_1326, %get3A_1328 : vector<16xi32>
    %get3A_1330 = arith.constant 2416 : index
    %get3A_1331 = tpu.vector_load %arg5[%get3A_1330] {strides = array<i32>} : memref<4352xi32, #tpu.memory_space<vmem>>, vector<16xi32>,
    %add3A_1332 = arith.addi %add3A_1329, %get3A_1331 : vector<16xi32>
    %get3A_1333 = arith.constant 2688 : index
    %get3A_1334 = tpu.vector_load %arg5[%get3A_1333] {strides = array<i32>} : memref<4352xi32, #tpu.memory_space<vmem>>, vector<16xi32>,
    %add3A_1335 = arith.addi %add3A_1332, %get3A_1334 : vector<16xi32>
    %get3A_1336 = arith.constant 2960 : index
    %get3A_1337 = tpu.vector_load %arg5[%get3A_1336] {strides = array<i32>} : memref<4352xi32, #tpu.memory_space<vmem>>, vector<16xi32>,
    %add3A_1338 = arith.addi %add3A_1335, %get3A_1337 : vector<16xi32>
    %get3A_1339 = arith.constant 3232 : index
    %get3A_1340 = tpu.vector_load %arg5[%get3A_1339] {strides = array<i32>} : memref<4352xi32, #tpu.memory_space<vmem>>, vector<16xi32>,
    %add3A_1341 = arith.addi %add3A_1338, %get3A_1340 : vector<16xi32>
    %get3A_1342 = arith.constant 3504 : index
    %get3A_1343 = tpu.vector_load %arg5[%get3A_1342] {strides = array<i32>} : memref<4352xi32, #tpu.memory_space<vmem>>, vector<16xi32>,
    %add3A_1344 = arith.addi %add3A_1341, %get3A_1343 : vector<16xi32>
    %get3A_1345 = arith.constant 3776 : index
    %get3A_1346 = tpu.vector_load %arg5[%get3A_1345] {strides = array<i32>} : memref<4352xi32, #tpu.memory_space<vmem>>, vector<16xi32>,
    %add3A_1347 = arith.addi %add3A_1344, %get3A_1346 : vector<16xi32>
    %get3A_1348 = arith.constant 4048 : index
    %get3A_1349 = tpu.vector_load %arg5[%get3A_1348] {strides = array<i32>} : memref<4352xi32, #tpu.memory_space<vmem>>, vector<16xi32>,
    %add3A_1350 = arith.addi %add3A_1347, %get3A_1349 : vector<16xi32>
    %get3A_1351 = arith.constant 4320 : index
    %get3A_1352 = tpu.vector_load %arg5[%get3A_1351] {strides = array<i32>} : memref<4352xi32, #tpu.memory_space<vmem>>, vector<16xi32>,
    %add3A_1353 = arith.addi %add3A_1350, %get3A_1352 : vector<16xi32>
    %swap3A_1354 = arith.constant 240 : index
    %swap3A_1355 = tpu.vector_load %arg6[%swap3A_1354] {strides = array<i32>} : memref<272xi32, #tpu.memory_space<vmem>>, vector<16xi32>,
    tpu.vector_store %arg6[%swap3A_1354], %add3A_1353 {strides = array<i32>} : memref<272xi32, #tpu.memory_space<vmem>>, vector<16xi32>,
    %get3A_1356 = arith.constant 256 : index
    %get3A_1357 = tpu.vector_load %arg5[%get3A_1356] {strides = array<i32>} : memref<4352xi32, #tpu.memory_space<vmem>>, vector<16xi32>,
    %add3A_1358 = arith.addi %broadcast_in_dim3A_3, %get3A_1357 : vector<16xi32>
    %get3A_1359 = arith.constant 528 : index
    %get3A_1360 = tpu.vector_load %arg5[%get3A_1359] {strides = array<i32>} : memref<4352xi32, #tpu.memory_space<vmem>>, vector<16xi32>,
    %add3A_1361 = arith.addi %add3A_1358, %get3A_1360 : vector<16xi32>
    %get3A_1362 = arith.constant 800 : index
    %get3A_1363 = tpu.vector_load %arg5[%get3A_1362] {strides = array<i32>} : memref<4352xi32, #tpu.memory_space<vmem>>, vector<16xi32>,
    %add3A_1364 = arith.addi %add3A_1361, %get3A_1363 : vector<16xi32>
    %get3A_1365 = arith.constant 1072 : index
    %get3A_1366 = tpu.vector_load %arg5[%get3A_1365] {strides = array<i32>} : memref<4352xi32, #tpu.memory_space<vmem>>, vector<16xi32>,
    %add3A_1367 = arith.addi %add3A_1364, %get3A_1366 : vector<16xi32>
    %get3A_1368 = arith.constant 1344 : index
    %get3A_1369 = tpu.vector_load %arg5[%get3A_1368] {strides = array<i32>} : memref<4352xi32, #tpu.memory_space<vmem>>, vector<16xi32>,
    %add3A_1370 = arith.addi %add3A_1367, %get3A_1369 : vector<16xi32>
    %get3A_1371 = arith.constant 1616 : index
    %get3A_1372 = tpu.vector_load %arg5[%get3A_1371] {strides = array<i32>} : memref<4352xi32, #tpu.memory_space<vmem>>, vector<16xi32>,
    %add3A_1373 = arith.addi %add3A_1370, %get3A_1372 : vector<16xi32>
    %get3A_1374 = arith.constant 1888 : index
    %get3A_1375 = tpu.vector_load %arg5[%get3A_1374] {strides = array<i32>} : memref<4352xi32, #tpu.memory_space<vmem>>, vector<16xi32>,
    %add3A_1376 = arith.addi %add3A_1373, %get3A_1375 : vector<16xi32>
    %get3A_1377 = arith.constant 2160 : index
    %get3A_1378 = tpu.vector_load %arg5[%get3A_1377] {strides = array<i32>} : memref<4352xi32, #tpu.memory_space<vmem>>, vector<16xi32>,
    %add3A_1379 = arith.addi %add3A_1376, %get3A_1378 : vector<16xi32>
    %get3A_1380 = arith.constant 2432 : index
    %get3A_1381 = tpu.vector_load %arg5[%get3A_1380] {strides = array<i32>} : memref<4352xi32, #tpu.memory_space<vmem>>, vector<16xi32>,
    %add3A_1382 = arith.addi %add3A_1379, %get3A_1381 : vector<16xi32>
    %get3A_1383 = arith.constant 2704 : index
    %get3A_1384 = tpu.vector_load %arg5[%get3A_1383] {strides = array<i32>} : memref<4352xi32, #tpu.memory_space<vmem>>, vector<16xi32>,
    %add3A_1385 = arith.addi %add3A_1382, %get3A_1384 : vector<16xi32>
    %get3A_1386 = arith.constant 2976 : index
    %get3A_1387 = tpu.vector_load %arg5[%get3A_1386] {strides = array<i32>} : memref<4352xi32, #tpu.memory_space<vmem>>, vector<16xi32>,
    %add3A_1388 = arith.addi %add3A_1385, %get3A_1387 : vector<16xi32>
    %get3A_1389 = arith.constant 3248 : index
    %get3A_1390 = tpu.vector_load %arg5[%get3A_1389] {strides = array<i32>} : memref<4352xi32, #tpu.memory_space<vmem>>, vector<16xi32>,
    %add3A_1391 = arith.addi %add3A_1388, %get3A_1390 : vector<16xi32>
    %get3A_1392 = arith.constant 3520 : index
    %get3A_1393 = tpu.vector_load %arg5[%get3A_1392] {strides = array<i32>} : memref<4352xi32, #tpu.memory_space<vmem>>, vector<16xi32>,
    %add3A_1394 = arith.addi %add3A_1391, %get3A_1393 : vector<16xi32>
    %get3A_1395 = arith.constant 3792 : index
    %get3A_1396 = tpu.vector_load %arg5[%get3A_1395] {strides = array<i32>} : memref<4352xi32, #tpu.memory_space<vmem>>, vector<16xi32>,
    %add3A_1397 = arith.addi %add3A_1394, %get3A_1396 : vector<16xi32>
    %get3A_1398 = arith.constant 4064 : index
    %get3A_1399 = tpu.vector_load %arg5[%get3A_1398] {strides = array<i32>} : memref<4352xi32, #tpu.memory_space<vmem>>, vector<16xi32>,
    %add3A_1400 = arith.addi %add3A_1397, %get3A_1399 : vector<16xi32>
    %get3A_1401 = arith.constant 4336 : index
    %get3A_1402 = tpu.vector_load %arg5[%get3A_1401] {strides = array<i32>} : memref<4352xi32, #tpu.memory_space<vmem>>, vector<16xi32>,
    %add3A_1403 = arith.addi %add3A_1400, %get3A_1402 : vector<16xi32>
    %swap3A_1404 = arith.constant 256 : index
    %swap3A_1405 = tpu.vector_load %arg6[%swap3A_1404] {strides = array<i32>} : memref<272xi32, #tpu.memory_space<vmem>>, vector<16xi32>,
    tpu.vector_store %arg6[%swap3A_1404], %add3A_1403 {strides = array<i32>} : memref<272xi32, #tpu.memory_space<vmem>>, vector<16xi32>,
    "tpu.region"() ({
      %run_scoped3A = tpu.sem_alloc : memref<!tpu.dma_semaphore, #tpu.memory_space<semaphore_mem>>
      %dma_start3A = arith.constant 0 : i32
      %dma_start3A_1406 = tpu.memref_slice %arg3[%add3A, %dma_start3A] : memref<32x272xi32, #tpu.memory_space<hbm>> -> memref<1x272xi32, #tpu.memory_space<hbm>>
      %dma_start3A_1407 = tpu.memref_squeeze %dma_start3A_1406 : memref<1x272xi32, #tpu.memory_space<hbm>> -> memref<272xi32, #tpu.memory_space<hbm>>
      %dma_start3A_1408 = arith.constant 0 : i32
      %dma_start3A_1409 = tpu.memref_slice %arg3[%add3A, %dma_start3A_1408] : memref<32x272xi32, #tpu.memory_space<hbm>> -> memref<1x272xi32, #tpu.memory_space<hbm>>
      %dma_start3A_1410 = tpu.memref_squeeze %dma_start3A_1409 : memref<1x272xi32, #tpu.memory_space<hbm>> -> memref<272xi32, #tpu.memory_space<hbm>>
      tpu.enqueue_dma source(%arg6 : memref<272xi32, #tpu.memory_space<vmem>>) target(%dma_start3A_1410 : memref<272xi32, #tpu.memory_space<hbm>>) target_semaphore(%run_scoped3A : memref<!tpu.dma_semaphore, #tpu.memory_space<semaphore_mem>>)
      %dma_wait3A = arith.constant 0 : i32
      %dma_wait3A_1411 = tpu.memref_slice %arg3[%add3A, %dma_wait3A] : memref<32x272xi32, #tpu.memory_space<hbm>> -> memref<1x272xi32, #tpu.memory_space<hbm>>
      %dma_wait3A_1412 = tpu.memref_squeeze %dma_wait3A_1411 : memref<1x272xi32, #tpu.memory_space<hbm>> -> memref<272xi32, #tpu.memory_space<hbm>>
      %dma_wait3A_1413 = arith.constant 0 : i32
      %dma_wait3A_1414 = tpu.memref_slice %arg3[%add3A, %dma_wait3A_1413] : memref<32x272xi32, #tpu.memory_space<hbm>> -> memref<1x272xi32, #tpu.memory_space<hbm>>
      %dma_wait3A_1415 = tpu.memref_squeeze %dma_wait3A_1414 : memref<1x272xi32, #tpu.memory_space<hbm>> -> memref<272xi32, #tpu.memory_space<hbm>>
      tpu.wait_dma2 semaphore(%run_scoped3A : memref<!tpu.dma_semaphore, #tpu.memory_space<semaphore_mem>>) src(%arg6 : memref<272xi32, #tpu.memory_space<vmem>>) dst(%dma_wait3A_1415 : memref<272xi32, #tpu.memory_space<hbm>>)
      tpu.yield
    }) : () -> ()
    return
  }
}

module attributes {stable_mosaic.version = 14 : i64} {
  func.func @_stage1_body(%arg0: i32, %arg1: memref<1x256x4096xf32, #tpu.memory_space<vmem>>, %arg2: memref<16x256xf32, #tpu.memory_space<vmem>>, %arg3: memref<1x1xf32, #tpu.memory_space<smem>>, %arg4: memref<1x1x4096xi32, #tpu.memory_space<vmem>>) attributes {dimension_semantics = [#tpu.dimension_semantics<arbitrary>], iteration_bounds = array<i64: 32>, scalar_prefetch = 0 : i64, scratch_operands = 0 : i64, tpu.core_type = #tpu.core_type<tc>, window_params = [{transform_indices = @transform_0, window_bounds = array<i64: 1, 256, 4096>}, {pipeline_mode = #tpu.pipeline_mode<synchronous>, transform_indices = @transform_1, window_bounds = array<i64: 16, 256>}, {transform_indices = @transform_2, window_bounds = array<i64: 1, 1>}, {transform_indices = @transform_3, window_bounds = array<i64: 1, 1, 4096>}]} {
    %get3A = arith.constant 0 : index
    %get3A_0 = arith.constant 0 : index
    %get3A_1 = vector.load %arg2[%get3A, %get3A_0] : memref<16x256xf32, #tpu.memory_space<vmem>>, vector<16x256xf32>
    %get3A_2 = arith.constant 0 : index
    %get3A_3 = arith.constant 0 : index
    %get3A_4 = arith.constant 0 : index
    %get3A_5 = vector.load %arg1[%get3A_2, %get3A_3, %get3A_4] : memref<1x256x4096xf32, #tpu.memory_space<vmem>>, vector<1x256x4096xf32>
    %get3A_6 = vector.shape_cast %get3A_5 : vector<1x256x4096xf32> to vector<256x4096xf32>
    %dot_general3A = arith.constant dense<0.000000e+00> : vector<16x4096xf32>
    %dot_general3A_7 = tpu.matmul %get3A_1, %get3A_6, %dot_general3A {dimension_numbers = #tpu.dot_dimension_numbers<[1], [0], [0], [1], [0, 0, 1, 1], [], []>, transpose_lhs_hint = false} : vector<16x256xf32>, vector<256x4096xf32>, vector<16x4096xf32> -> vector<16x4096xf32>
    %broadcast_in_dim3A = arith.constant 0.000000e+00 : f32
    %broadcast_in_dim3A_8 = vector.broadcast %broadcast_in_dim3A : f32 to vector<1x3966xf32>
    %slice3A = vector.extract_strided_slice %dot_general3A_7 {offsets = [0, 0], sizes = [1, 3966], strides = [1, 1]} : vector<16x4096xf32> to vector<1x3966xf32>
    %add3A = arith.addf %broadcast_in_dim3A_8, %slice3A : vector<1x3966xf32>
    %slice3A_9 = vector.extract_strided_slice %dot_general3A_7 {offsets = [1, 1], sizes = [1, 3966], strides = [1, 1]} : vector<16x4096xf32> to vector<1x3966xf32>
    %add3A_10 = arith.addf %add3A, %slice3A_9 : vector<1x3966xf32>
    %slice3A_11 = vector.extract_strided_slice %dot_general3A_7 {offsets = [2, 2], sizes = [1, 3966], strides = [1, 1]} : vector<16x4096xf32> to vector<1x3966xf32>
    %add3A_12 = arith.addf %add3A_10, %slice3A_11 : vector<1x3966xf32>
    %slice3A_13 = vector.extract_strided_slice %dot_general3A_7 {offsets = [3, 64], sizes = [1, 3966], strides = [1, 1]} : vector<16x4096xf32> to vector<1x3966xf32>
    %add3A_14 = arith.addf %add3A_12, %slice3A_13 : vector<1x3966xf32>
    %slice3A_15 = vector.extract_strided_slice %dot_general3A_7 {offsets = [4, 65], sizes = [1, 3966], strides = [1, 1]} : vector<16x4096xf32> to vector<1x3966xf32>
    %add3A_16 = arith.addf %add3A_14, %slice3A_15 : vector<1x3966xf32>
    %slice3A_17 = vector.extract_strided_slice %dot_general3A_7 {offsets = [5, 66], sizes = [1, 3966], strides = [1, 1]} : vector<16x4096xf32> to vector<1x3966xf32>
    %add3A_18 = arith.addf %add3A_16, %slice3A_17 : vector<1x3966xf32>
    %slice3A_19 = vector.extract_strided_slice %dot_general3A_7 {offsets = [6, 128], sizes = [1, 3966], strides = [1, 1]} : vector<16x4096xf32> to vector<1x3966xf32>
    %add3A_20 = arith.addf %add3A_18, %slice3A_19 : vector<1x3966xf32>
    %slice3A_21 = vector.extract_strided_slice %dot_general3A_7 {offsets = [7, 129], sizes = [1, 3966], strides = [1, 1]} : vector<16x4096xf32> to vector<1x3966xf32>
    %add3A_22 = arith.addf %add3A_20, %slice3A_21 : vector<1x3966xf32>
    %slice3A_23 = vector.extract_strided_slice %dot_general3A_7 {offsets = [8, 130], sizes = [1, 3966], strides = [1, 1]} : vector<16x4096xf32> to vector<1x3966xf32>
    %add3A_24 = arith.addf %add3A_22, %slice3A_23 : vector<1x3966xf32>
    %broadcast_in_dim3A_25 = arith.constant 0.000000e+00 : f32
    %broadcast_in_dim3A_26 = vector.broadcast %broadcast_in_dim3A_25 : f32 to vector<1x130xf32>
    %concatenate3A = tpu.concatenate %add3A_24, %broadcast_in_dim3A_26 in 1 : vector<1x3966xf32>, vector<1x130xf32> -> vector<1x4096xf32>
    %get3A_27 = arith.constant 0 : index
    %get3A_28 = arith.constant 0 : index
    %get3A_29 = memref.load %arg3[%get3A_27, %get3A_28] : memref<1x1xf32, #tpu.memory_space<smem>>
    %add3A_30 = vector.broadcast %get3A_29 : f32 to vector<1x4096xf32>
    %add3A_31 = arith.addf %concatenate3A, %add3A_30 : vector<1x4096xf32>
    %div3A = arith.constant 4.000000e+00 : f32
    %div3A_32 = vector.broadcast %div3A : f32 to vector<1x4096xf32>
    %div3A_33 = arith.divf %add3A_31, %div3A_32 : vector<1x4096xf32>
    %floor3A = math.floor %div3A_33 : vector<1x4096xf32>
    %jit3A = arith.constant 2.560000e+02 : f32
    %rem3A = vector.broadcast %jit3A : f32 to vector<1x4096xf32>
    %rem3A_34 = arith.remf %floor3A, %rem3A : vector<1x4096xf32>
    %abs3A = math.absf %rem3A_34 : vector<1x4096xf32>
    %convert_element_type3A = arith.fptosi %abs3A : vector<1x4096xf32> to vector<1x4096xi32>
    %iota3A = tpu.iota {dimensions = array<i32: 1>} : vector<1x4096xi32>
    %jit3A_35 = arith.constant 64 : i32
    %eq3A = arith.constant 0 : i32
    %eq3A_36 = arith.cmpi eq, %jit3A_35, %eq3A : i32
    %jit3A_37 = arith.constant 1 : i32
    %select_n3A = arith.select %eq3A_36, %jit3A_37, %jit3A_35 : i32
    %rem3A_38 = vector.broadcast %select_n3A : i32 to vector<1x4096xi32>
    %rem3A_39 = arith.remsi %iota3A, %rem3A_38 : vector<1x4096xi32>
    %ne3A = arith.constant 0 : i32
    %ne3A_40 = vector.broadcast %ne3A : i32 to vector<1x4096xi32>
    %ne3A_41 = arith.cmpi ne, %rem3A_39, %ne3A_40 : vector<1x4096xi32>
    %lt3A = arith.constant 0 : i32
    %lt3A_42 = vector.broadcast %lt3A : i32 to vector<1x4096xi32>
    %lt3A_43 = arith.cmpi slt, %rem3A_39, %lt3A_42 : vector<1x4096xi32>
    %lt3A_44 = arith.constant 0 : i32
    %lt3A_45 = arith.cmpi slt, %select_n3A, %lt3A_44 : i32
    %ne3A_46 = vector.broadcast %lt3A_45 : i1 to vector<1x4096xi1>
    %ne3A_47 = vector.broadcast %ne3A_46 : vector<1x4096xi1> to vector<1x4096xi1>
    %ne3A_48 = arith.xori %lt3A_43, %ne3A_47 : vector<1x4096xi1>
    %and3A = arith.andi %ne3A_48, %ne3A_41 : vector<1x4096xi1>
    %add3A_49 = vector.broadcast %select_n3A : i32 to vector<1x4096xi32>
    %add3A_50 = arith.addi %rem3A_39, %add3A_49 : vector<1x4096xi32>
    %select_n3A_51 = arith.select %and3A, %add3A_50, %rem3A_39 : vector<1x4096xi1>, vector<1x4096xi32>
    %lt3A_52 = arith.constant 62 : i32
    %lt3A_53 = vector.broadcast %lt3A_52 : i32 to vector<1x4096xi32>
    %lt3A_54 = arith.cmpi slt, %select_n3A_51, %lt3A_53 : vector<1x4096xi32>
    %lt3A_55 = arith.constant 3968 : i32
    %lt3A_56 = vector.broadcast %lt3A_55 : i32 to vector<1x4096xi32>
    %lt3A_57 = arith.cmpi slt, %iota3A, %lt3A_56 : vector<1x4096xi32>
    %and3A_58 = arith.andi %lt3A_54, %lt3A_57 : vector<1x4096xi1>
    %jit3A_59 = arith.constant 256 : i32
    %broadcast_in_dim3A_60 = vector.broadcast %jit3A_59 : i32 to vector<1x4096xi32>
    %select_n3A_61 = arith.select %and3A_58, %convert_element_type3A, %broadcast_in_dim3A_60 : vector<1x4096xi1>, vector<1x4096xi32>
    %swap3A = arith.constant 0 : index
    %swap3A_62 = arith.constant 0 : index
    %swap3A_63 = arith.constant 0 : index
    %swap3A_64 = vector.load %arg4[%swap3A, %swap3A_62, %swap3A_63] : memref<1x1x4096xi32, #tpu.memory_space<vmem>>, vector<1x1x4096xi32>
    %swap3A_65 = vector.shape_cast %swap3A_64 : vector<1x1x4096xi32> to vector<1x4096xi32>
    %swap3A_66 = vector.shape_cast %select_n3A_61 : vector<1x4096xi32> to vector<1x1x4096xi32>
    tpu.vector_store %arg4[%swap3A, %swap3A_62, %swap3A_63], %swap3A_66 {strides = array<i32>} : memref<1x1x4096xi32, #tpu.memory_space<vmem>>, vector<1x1x4096xi32>,
    return
  }
  func.func @transform_0(%arg0: i32) -> (i32, i32, i32) {
    %c0_i32 = arith.constant 0 : i32
    %c0_i32_0 = arith.constant 0 : i32
    %c0_i32_1 = arith.constant 0 : i32
    return %arg0, %c0_i32, %c0_i32_0 : i32, i32, i32
  }
  func.func @transform_1(%arg0: i32) -> (i32, i32) {
    %c0_i32 = arith.constant 0 : i32
    %c0_i32_0 = arith.constant 0 : i32
    %c0_i32_1 = arith.constant 0 : i32
    return %c0_i32, %c0_i32_0 : i32, i32
  }
  func.func @transform_2(%arg0: i32) -> (i32, i32) {
    %c0_i32 = arith.constant 0 : i32
    %c0_i32_0 = arith.constant 0 : i32
    %c0_i32_1 = arith.constant 0 : i32
    return %c0_i32, %c0_i32_0 : i32, i32
  }
  func.func @transform_3(%arg0: i32) -> (i32, i32, i32) {
    %c0_i32 = arith.constant 0 : i32
    %c0_i32_0 = arith.constant 0 : i32
    %c0_i32_1 = arith.constant 0 : i32
    return %arg0, %c0_i32, %c0_i32_0 : i32, i32, i32
  }
}

module attributes {stable_mosaic.version = 14 : i64} {
  func.func @_stage3_body(%arg0: memref<512x2304xf32, #tpu.memory_space<vmem>>, %arg1: memref<2304x128xf32, #tpu.memory_space<vmem>>, %arg2: memref<32x272xi32, #tpu.memory_space<vmem>>, %arg3: memref<16xf32, #tpu.memory_space<smem>>, %arg4: memref<512x2304xf32, #tpu.memory_space<vmem>>, %arg5: memref<1x1xi32, #tpu.memory_space<vmem>>, %arg6: memref<1x256xi32, #tpu.memory_space<vmem>>) attributes {dimension_semantics = [], scalar_prefetch = 0 : i64, scratch_operands = 0 : i64, tpu.core_type = #tpu.core_type<tc>} {
    %get3A = arith.constant 0 : index
    %get3A_0 = arith.constant 0 : index
    %get3A_1 = vector.load %arg0[%get3A, %get3A_0] : memref<512x2304xf32, #tpu.memory_space<vmem>>, vector<512x2304xf32>
    %get3A_2 = arith.constant 10 : index
    %get3A_3 = memref.load %arg3[%get3A_2] : memref<16xf32, #tpu.memory_space<smem>>
    %mul3A = vector.broadcast %get3A_3 : f32 to vector<512x2304xf32>
    %mul3A_4 = arith.mulf %get3A_1, %mul3A : vector<512x2304xf32>
    %mul3A_5 = arith.mulf %mul3A_4, %mul3A_4 : vector<512x2304xf32>
    %reduce_sum3A = arith.constant dense<0.000000e+00> : vector<512xf32>
    %reduce_sum3A_6 = vector.multi_reduction <add>, %mul3A_5, %reduce_sum3A [1] : vector<512x2304xf32> to vector<512xf32>
    %get3A_7 = arith.constant 0 : index
    %get3A_8 = arith.constant 0 : index
    %get3A_9 = vector.load %arg1[%get3A_7, %get3A_8] : memref<2304x128xf32, #tpu.memory_space<vmem>>, vector<2304x128xf32>
    %dot_general3A = arith.constant dense<0.000000e+00> : vector<512x128xf32>
    %dot_general3A_10 = tpu.matmul %mul3A_4, %get3A_9, %dot_general3A {dimension_numbers = #tpu.dot_dimension_numbers<[1], [0], [0], [1], [0, 0, 1, 1], [], []>, transpose_lhs_hint = false} : vector<512x2304xf32>, vector<2304x128xf32>, vector<512x128xf32> -> vector<512x128xf32>
    %slice3A = vector.extract_strided_slice %dot_general3A_10 {offsets = [0, 0], sizes = [512, 1], strides = [1, 1]} : vector<512x128xf32> to vector<512x1xf32>
    %reshape3A = vector.shape_cast %slice3A : vector<512x1xf32> to vector<512xf32>
    %convert_element_type3A = arith.truncf %reduce_sum3A_6 : vector<512xf32> to vector<512xbf16>
    %convert_element_type3A_11 = arith.extf %convert_element_type3A : vector<512xbf16> to vector<512xf32>
    %get3A_12 = arith.constant 0 : index
    %get3A_13 = memref.load %arg3[%get3A_12] : memref<16xf32, #tpu.memory_space<smem>>
    %mul3A_14 = vector.broadcast %get3A_13 : f32 to vector<512xf32>
    %mul3A_15 = arith.mulf %convert_element_type3A_11, %mul3A_14 : vector<512xf32>
    %add3A = arith.addf %reshape3A, %mul3A_15 : vector<512xf32>
    %mul3A_16 = arith.mulf %reduce_sum3A_6, %reduce_sum3A_6 : vector<512xf32>
    %convert_element_type3A_17 = arith.truncf %mul3A_16 : vector<512xf32> to vector<512xbf16>
    %convert_element_type3A_18 = arith.extf %convert_element_type3A_17 : vector<512xbf16> to vector<512xf32>
    %get3A_19 = arith.constant 1 : index
    %get3A_20 = memref.load %arg3[%get3A_19] : memref<16xf32, #tpu.memory_space<smem>>
    %mul3A_21 = vector.broadcast %get3A_20 : f32 to vector<512xf32>
    %mul3A_22 = arith.mulf %convert_element_type3A_18, %mul3A_21 : vector<512xf32>
    %add3A_23 = arith.addf %add3A, %mul3A_22 : vector<512xf32>
    %mul3A_24 = arith.mulf %mul3A_16, %mul3A_16 : vector<512xf32>
    %convert_element_type3A_25 = arith.truncf %mul3A_24 : vector<512xf32> to vector<512xbf16>
    %convert_element_type3A_26 = arith.extf %convert_element_type3A_25 : vector<512xbf16> to vector<512xf32>
    %get3A_27 = arith.constant 2 : index
    %get3A_28 = memref.load %arg3[%get3A_27] : memref<16xf32, #tpu.memory_space<smem>>
    %mul3A_29 = vector.broadcast %get3A_28 : f32 to vector<512xf32>
    %mul3A_30 = arith.mulf %convert_element_type3A_26, %mul3A_29 : vector<512xf32>
    %add3A_31 = arith.addf %add3A_23, %mul3A_30 : vector<512xf32>
    %mul3A_32 = arith.mulf %mul3A_24, %mul3A_24 : vector<512xf32>
    %convert_element_type3A_33 = arith.truncf %mul3A_32 : vector<512xf32> to vector<512xbf16>
    %convert_element_type3A_34 = arith.extf %convert_element_type3A_33 : vector<512xbf16> to vector<512xf32>
    %get3A_35 = arith.constant 3 : index
    %get3A_36 = memref.load %arg3[%get3A_35] : memref<16xf32, #tpu.memory_space<smem>>
    %mul3A_37 = vector.broadcast %get3A_36 : f32 to vector<512xf32>
    %mul3A_38 = arith.mulf %convert_element_type3A_34, %mul3A_37 : vector<512xf32>
    %add3A_39 = arith.addf %add3A_31, %mul3A_38 : vector<512xf32>
    %mul3A_40 = arith.mulf %mul3A_32, %mul3A_32 : vector<512xf32>
    %convert_element_type3A_41 = arith.truncf %mul3A_40 : vector<512xf32> to vector<512xbf16>
    %convert_element_type3A_42 = arith.extf %convert_element_type3A_41 : vector<512xbf16> to vector<512xf32>
    %get3A_43 = arith.constant 4 : index
    %get3A_44 = memref.load %arg3[%get3A_43] : memref<16xf32, #tpu.memory_space<smem>>
    %mul3A_45 = vector.broadcast %get3A_44 : f32 to vector<512xf32>
    %mul3A_46 = arith.mulf %convert_element_type3A_42, %mul3A_45 : vector<512xf32>
    %add3A_47 = arith.addf %add3A_39, %mul3A_46 : vector<512xf32>
    %mul3A_48 = arith.mulf %mul3A_40, %mul3A_40 : vector<512xf32>
    %convert_element_type3A_49 = arith.truncf %mul3A_48 : vector<512xf32> to vector<512xbf16>
    %convert_element_type3A_50 = arith.extf %convert_element_type3A_49 : vector<512xbf16> to vector<512xf32>
    %get3A_51 = arith.constant 5 : index
    %get3A_52 = memref.load %arg3[%get3A_51] : memref<16xf32, #tpu.memory_space<smem>>
    %mul3A_53 = vector.broadcast %get3A_52 : f32 to vector<512xf32>
    %mul3A_54 = arith.mulf %convert_element_type3A_50, %mul3A_53 : vector<512xf32>
    %add3A_55 = arith.addf %add3A_47, %mul3A_54 : vector<512xf32>
    %mul3A_56 = arith.mulf %mul3A_48, %mul3A_48 : vector<512xf32>
    %convert_element_type3A_57 = arith.truncf %mul3A_56 : vector<512xf32> to vector<512xbf16>
    %convert_element_type3A_58 = arith.extf %convert_element_type3A_57 : vector<512xbf16> to vector<512xf32>
    %get3A_59 = arith.constant 6 : index
    %get3A_60 = memref.load %arg3[%get3A_59] : memref<16xf32, #tpu.memory_space<smem>>
    %mul3A_61 = vector.broadcast %get3A_60 : f32 to vector<512xf32>
    %mul3A_62 = arith.mulf %convert_element_type3A_58, %mul3A_61 : vector<512xf32>
    %add3A_63 = arith.addf %add3A_55, %mul3A_62 : vector<512xf32>
    %mul3A_64 = arith.mulf %mul3A_56, %mul3A_56 : vector<512xf32>
    %convert_element_type3A_65 = arith.truncf %mul3A_64 : vector<512xf32> to vector<512xbf16>
    %convert_element_type3A_66 = arith.extf %convert_element_type3A_65 : vector<512xbf16> to vector<512xf32>
    %get3A_67 = arith.constant 7 : index
    %get3A_68 = memref.load %arg3[%get3A_67] : memref<16xf32, #tpu.memory_space<smem>>
    %mul3A_69 = vector.broadcast %get3A_68 : f32 to vector<512xf32>
    %mul3A_70 = arith.mulf %convert_element_type3A_66, %mul3A_69 : vector<512xf32>
    %add3A_71 = arith.addf %add3A_63, %mul3A_70 : vector<512xf32>
    %mul3A_72 = arith.mulf %mul3A_64, %mul3A_64 : vector<512xf32>
    %convert_element_type3A_73 = arith.truncf %mul3A_72 : vector<512xf32> to vector<512xbf16>
    %convert_element_type3A_74 = arith.extf %convert_element_type3A_73 : vector<512xbf16> to vector<512xf32>
    %get3A_75 = arith.constant 8 : index
    %get3A_76 = memref.load %arg3[%get3A_75] : memref<16xf32, #tpu.memory_space<smem>>
    %mul3A_77 = vector.broadcast %get3A_76 : f32 to vector<512xf32>
    %mul3A_78 = arith.mulf %convert_element_type3A_74, %mul3A_77 : vector<512xf32>
    %add3A_79 = arith.addf %add3A_71, %mul3A_78 : vector<512xf32>
    %get3A_80 = arith.constant 9 : index
    %get3A_81 = memref.load %arg3[%get3A_80] : memref<16xf32, #tpu.memory_space<smem>>
    %add3A_82 = vector.broadcast %get3A_81 : f32 to vector<512xf32>
    %add3A_83 = arith.addf %add3A_79, %add3A_82 : vector<512xf32>
    %div3A = arith.constant 4.000000e+00 : f32
    %div3A_84 = vector.broadcast %div3A : f32 to vector<512xf32>
    %div3A_85 = arith.divf %add3A_83, %div3A_84 : vector<512xf32>
    %floor3A = math.floor %div3A_85 : vector<512xf32>
    %jit3A = arith.constant 2.560000e+02 : f32
    %rem3A = vector.broadcast %jit3A : f32 to vector<512xf32>
    %rem3A_86 = arith.remf %floor3A, %rem3A : vector<512xf32>
    %abs3A = math.absf %rem3A_86 : vector<512xf32>
    %convert_element_type3A_87 = arith.fptosi %abs3A : vector<512xf32> to vector<512xi32>
    %get3A_88 = arith.constant 0 : index
    %get3A_89 = arith.constant 0 : index
    %get3A_90 = vector.load %arg2[%get3A_88, %get3A_89] : memref<32x272xi32, #tpu.memory_space<vmem>>, vector<32x272xi32>
    %reduce_sum3A_91 = arith.constant dense<0> : vector<272xi32>
    %reduce_sum3A_92 = vector.multi_reduction <add>, %get3A_90, %reduce_sum3A_91 [0] : vector<32x272xi32> to vector<272xi32>
    %broadcast_in_dim3A = vector.shape_cast %reduce_sum3A_92 : vector<272xi32> to vector<1x272xi32>
    %slice3A_93 = vector.extract_strided_slice %broadcast_in_dim3A {offsets = [0, 0], sizes = [1, 256], strides = [1, 1]} : vector<1x272xi32> to vector<1x256xi32>
    %iota3A = tpu.iota {dimensions = array<i32: 1>} : vector<1x256xi32>
    %reduce_max3A = vector.shape_cast %slice3A_93 : vector<1x256xi32> to vector<1x1x256xi32>
    %reduce_max3A_94 = arith.constant dense<-2147483648> : vector<1xi32>
    %reduce_max3A_95 = vector.multi_reduction <maxsi>, %reduce_max3A, %reduce_max3A_94 [1, 2] : vector<1x1x256xi32> to vector<1xi32>
    %reduce_max3A_96 = vector.shape_cast %reduce_max3A_95 : vector<1xi32> to vector<1x1x1xi32>
    %reduce_max3A_97 = vector.extract %reduce_max3A_96[0, 0, 0] : i32 from vector<1x1x1xi32>
    %eq3A = vector.broadcast %reduce_max3A_97 : i32 to vector<1x256xi32>
    %eq3A_98 = arith.cmpi eq, %slice3A_93, %eq3A : vector<1x256xi32>
    %jit3A_99 = arith.constant 1073741824 : i32
    %broadcast_in_dim3A_100 = vector.broadcast %jit3A_99 : i32 to vector<1x256xi32>
    %select_n3A = arith.select %eq3A_98, %iota3A, %broadcast_in_dim3A_100 : vector<1x256xi1>, vector<1x256xi32>
    %reduce_min3A = vector.shape_cast %select_n3A : vector<1x256xi32> to vector<1x1x256xi32>
    %reduce_min3A_101 = arith.constant dense<2147483647> : vector<1xi32>
    %reduce_min3A_102 = vector.multi_reduction <minsi>, %reduce_min3A, %reduce_min3A_101 [1, 2] : vector<1x1x256xi32> to vector<1xi32>
    %reduce_min3A_103 = vector.shape_cast %reduce_min3A_102 : vector<1xi32> to vector<1x1x1xi32>
    %reduce_min3A_104 = vector.extract %reduce_min3A_103[0, 0, 0] : i32 from vector<1x1x1xi32>
    %broadcast_in_dim3A_105 = vector.broadcast %reduce_min3A_104 : i32 to vector<1x1xi32>
    %swap3A = arith.constant 0 : index
    %swap3A_106 = arith.constant 0 : index
    %swap3A_107 = vector.load %arg5[%swap3A, %swap3A_106] : memref<1x1xi32, #tpu.memory_space<vmem>>, vector<1x1xi32>
    tpu.vector_store %arg5[%swap3A, %swap3A_106], %broadcast_in_dim3A_105 {strides = array<i32>} : memref<1x1xi32, #tpu.memory_space<vmem>>, vector<1x1xi32>,
    %swap3A_108 = arith.constant 0 : index
    %swap3A_109 = arith.constant 0 : index
    %swap3A_110 = vector.load %arg6[%swap3A_108, %swap3A_109] : memref<1x256xi32, #tpu.memory_space<vmem>>, vector<1x256xi32>
    tpu.vector_store %arg6[%swap3A_108, %swap3A_109], %slice3A_93 {strides = array<i32>} : memref<1x256xi32, #tpu.memory_space<vmem>>, vector<1x256xi32>,
    %eq3A_111 = vector.broadcast %reduce_min3A_104 : i32 to vector<512xi32>
    %eq3A_112 = arith.cmpi eq, %convert_element_type3A_87, %eq3A_111 : vector<512xi32>
    %broadcast_in_dim3A_113 = vector.shape_cast %eq3A_112 : vector<512xi1> to vector<512x1xi1>
    %jit3A_114 = arith.constant 0.000000e+00 : f32
    %broadcast_in_dim3A_115 = vector.shape_cast %broadcast_in_dim3A_113 : vector<512x1xi1> to vector<512x1xi1>
    %broadcast_in_dim3A_116 = vector.broadcast %broadcast_in_dim3A_115 : vector<512x1xi1> to vector<512x2304xi1>
    %broadcast_in_dim3A_117 = vector.broadcast %jit3A_114 : f32 to vector<512x2304xf32>
    %select_n3A_118 = arith.select %broadcast_in_dim3A_116, %get3A_1, %broadcast_in_dim3A_117 : vector<512x2304xi1>, vector<512x2304xf32>
    %swap3A_119 = arith.constant 0 : index
    %swap3A_120 = arith.constant 0 : index
    %swap3A_121 = vector.load %arg4[%swap3A_119, %swap3A_120] : memref<512x2304xf32, #tpu.memory_space<vmem>>, vector<512x2304xf32>
    tpu.vector_store %arg4[%swap3A_119, %swap3A_120], %select_n3A_118 {strides = array<i32>} : memref<512x2304xf32, #tpu.memory_space<vmem>>, vector<512x2304xf32>,
    return
  }
}

</mosaic_0001>

<sc_bundles>
// kernel: kernel.5.cloned.1.call-start
scs
__scs_entry_jumppad:
0x0: {  	(pc) =	sbr.rel $0x88, $3  }
0x1: {  	(tag) =	ssettag $0x0;
	lr =	simm.s32 $0x1  }
0x2: {  	[smem:$0x3F9D] =	sst lr;
	_ =	strace $0xD0000000  }
0x3: {  	_ = 	snop  }
0x4: {  	_ = 	snop  }
0x5: {  	_ = 	snop  }
0x6: {  	_ = 	snop  }
0x7: {  	_ = 	snop  }
__scs_overlays_trampoline_lowered:
0x8: {  	[smem:$0x3FAC] =	sst s0  }
0x9: {  	[smem:$0x3FAD] =	sst s1  }
0xa: {  	[smem:$0x3FAE] =	sst s2  }
0xb: {  	[smem:$0x3FAF] =	sst s3  }
0xc: {  	[smem:$0x3FB0] =	sst s4  }
0xd: {  	[smem:$0x3FB1] =	sst s5  }
0xe: {  	[smem:$0x3FB2] =	sst s6  }
0xf: {  	[smem:$0x3FB3] =	sst s7  }
0x10: {  	[smem:$0x3FB4] =	sst s8  }
0x11: {  	[smem:$0x3FB5] =	sst s9;
	s0 =	simm.s32 @!p0 $0x0  }
0x12: {  	s1 =	sld [smem:$0x3F9B];
	s0 =	simm.s32 @p0 $0x1  }
0x13: {  	[smem:$0x3FB6] =	sst s0;
	s0 =	simm.s32 @!p1 $0x0  }
0x14: {  	s2 =	sld [smem:$0x3F9A];
	s0 =	simm.s32 @p1 $0x1  }
0x15: {  	[smem:$0x3FB7] =	sst s0;
	s0 =	simm.s32 @!p2 $0x0  }
0x16: {  	s3 =	sld [smem:$0x3FDB];
	s0 =	simm.s32 @p2 $0x1  }
0x17: {  	s4 =	simm.s32 $0x1BF5;
	[smem:$0x3FB9] =	sst s0  }
0x18: {  	s0 =	sld [smem:$0x3F9C];
	_ =	swait.ge [sflag:s4], $0x0  }
0x19: {  	s7 =	sld [smem:$0x3F9D]  }
0x1a: {  	s8 =	sadd.s32 $0xFFFFE003, lr  }
0x1b: {  	s9 =	sadd.s32 $0xFFFFFEF7, lr;
	s5 =	simm.s32 $0xFFFFFFFF;
	p2 =	slt.u32 s8, $0xFFFFF086  }
0x1c: {  	p1 =	slt.u32 s9, $0xF7A;
	s5 =	simm.s32 @!p2 $0x0  }
0x1d: {  	s5 =	simm.s32 @p1 $0x1;
	p0 =	seq.s32 s7, s2  }
0x1e: {  	s7 =	smul.u32 @!p0 $0xF7A, s2;
	p2 =	seq.s32 @!p0 s5, $0x0  }
0x1f: {  	s9 =	smul.u32 $0xF7A, s1;
	s8 =	simm.s32 @!p0 $0x1BF5;
	p2 =	por !p2, p0  }
0x20: {  	[sflag:s8] =	ssyncset.s32 @!p0 $0xFFFFF086;
	s6 =	sadd.s32 @!p0 s3, s7;
	s7 =	simm.s32 @!p0 $0x108  }
0x21: {  	s3 =	sadd.s32 s3, s9;
	s6 =	sadd.s32 @!p0 $0x88, s6;
	s7 =	simm.s32 @p2 $0x1082  }
0x22: {  	[simem:s7], [sflag:s8] =	dma.local @!p0 [hbm:s6], $0xF7A  }
0x23: {  	s9 =	sor.u32 $0xD0000000, s2;
	s6 =	simm.s32 $0x108;
	_ =	swait.ge @!p0 [sflag:s8], $0x0  }
0x24: {  	s3 =	sadd.s32 $0x88, s3;
	s6 =	simm.s32 @!p1 $0x1082;
	[sflag:s4] =	ssyncset.s32 $0xFFFFF086  }
0x25: {  	[simem:s6], [sflag:s4] =	dma.local [hbm:s3], $0xF7A  }
0x26: {  	[smem:$0x3F9D] =	sst s1;
	(tag) =	ssettag s2;
	_ =	strace s9  }
0x27: {  	s1 =	sld [smem:$0x3FAD]  }
0x28: {  	s2 =	sld [smem:$0x3FAE]  }
0x29: {  	s4 =	sld [smem:$0x3FB0]  }
0x2a: {  	p0 =	seq.s32 s5, $0x0;
	s5 =	sld [smem:$0x3FB1]  }
0x2b: {  	s6 =	sld [smem:$0x3FB2]  }
0x2c: {  	s7 =	sld [smem:$0x3FB3]  }
0x2d: {  	s3 =	simm.s32 $0x108;
	s8 =	sld [smem:$0x3FB4]  }
0x2e: {  	s3 =	simm.s32 @!p0 $0x1082;
	s9 =	sld [smem:$0x3FB5]  }
0x2f: {  	lr =	sadd.s32 s0, s3;
	s0 =	sld [smem:$0x3FAC]  }
0x30: {  	s3 =	sld [smem:$0x3FAF]  }
0x31: {  	[smem:$0x3FB8] =	sst s10  }
0x32: {  	s10 =	sld [smem:$0x3FB6];
	_ =	sdelay $0x3  }
0x33: {  	p0 =	seq.s32 s10, $0x1;
	s10 =	sld [smem:$0x3FB8];
	_ =	sdelay $0x3  }
0x34: {  	[smem:$0x3FB8] =	sst s10  }
0x35: {  	s10 =	sld [smem:$0x3FB7];
	_ =	sdelay $0x3  }
0x36: {  	p1 =	seq.s32 s10, $0x1;
	s10 =	sld [smem:$0x3FB8];
	_ =	sdelay $0x3  }
0x37: {  	[smem:$0x3FB8] =	sst s10  }
0x38: {  	s10 =	sld [smem:$0x3FB9]  }
0x39: {  	_ = 	snop;
	(pc) =	sbr.ind lr, $3  }
0x3a: {  	_ = 	snop  }
0x3b: {  	_ = 	snop  }
0x3c: {  	p2 =	seq.s32 s10, $0x1;
	s10 =	sld [smem:$0x3FB8]  }
0x3d: {  	_ =	shalt  }
0x3e: {  	_ =	shalt  }
0x3f: {  	_ =	shalt  }
0x40: {  	_ =	shalt  }
0x41: {  	_ =	shalt  }
0x42: {  	_ =	shalt  }
0x43: {  	_ =	shalt  }
0x44: {  	_ =	shalt  }
0x45: {  	_ =	shalt  }
0x46: {  	_ =	shalt  }
0x47: {  	_ =	shalt  }
0x48: {  	_ =	shalt  }
0x49: {  	_ =	shalt  }
0x4a: {  	_ =	shalt  }
0x4b: {  	_ =	shalt  }
0x4c: {  	_ =	shalt  }
0x4d: {  	_ =	shalt  }
0x4e: {  	_ =	shalt  }
0x4f: {  	_ =	shalt  }
0x50: {  	_ =	shalt  }
0x51: {  	_ =	shalt  }
0x52: {  	_ =	shalt  }
0x53: {  	_ =	shalt  }
0x54: {  	_ =	shalt  }
0x55: {  	_ =	shalt  }
0x56: {  	_ =	shalt  }
0x57: {  	_ =	shalt  }
0x58: {  	_ =	shalt  }
0x59: {  	_ =	shalt  }
0x5a: {  	_ =	shalt  }
0x5b: {  	_ =	shalt  }
0x5c: {  	_ =	shalt  }
0x5d: {  	_ =	shalt  }
0x5e: {  	_ =	shalt  }
0x5f: {  	_ =	shalt  }
0x60: {  	_ =	shalt  }
0x61: {  	_ =	shalt  }
0x62: {  	_ =	shalt  }
0x63: {  	_ =	shalt  }
0x64: {  	_ =	shalt  }
0x65: {  	_ =	shalt  }
0x66: {  	_ =	shalt  }
0x67: {  	_ =	shalt  }
0x68: {  	_ =	shalt  }
0x69: {  	_ =	shalt  }
0x6a: {  	_ =	shalt  }
0x6b: {  	_ =	shalt  }
0x6c: {  	_ =	shalt  }
0x6d: {  	_ =	shalt  }
0x6e: {  	_ =	shalt  }
0x6f: {  	_ =	shalt  }
0x70: {  	_ =	shalt  }
0x71: {  	_ =	shalt  }
0x72: {  	_ =	shalt  }
0x73: {  	_ =	shalt  }
0x74: {  	_ =	shalt  }
0x75: {  	_ =	shalt  }
0x76: {  	_ =	shalt  }
0x77: {  	_ =	shalt  }
0x78: {  	_ =	shalt  }
0x79: {  	_ =	shalt  }
0x7a: {  	_ =	shalt  }
0x7b: {  	_ =	shalt  }
0x7c: {  	_ =	shalt  }
0x7d: {  	_ =	shalt  }
0x7e: {  	_ =	shalt  }
0x7f: {  	_ =	shalt  }
0x80: {  	_ =	shalt  }
0x81: {  	_ =	shalt  }
0x82: {  	_ =	shalt  }
0x83: {  	_ =	shalt  }
0x84: {  	_ =	shalt  }
0x85: {  	_ =	shalt  }
0x86: {  	_ =	shalt  }
0x87: {  	_ =	shalt  }
.Lfunc_end0:
.L_simem_size_0:
called_computation_lowered:
.L_overlay_start_0:
0x88: {  	s2 =	sld [smem:$0x3FD9]  }
0x89: {  	s3 =	sld [smem:$0x3FFE];
	_ =	sdelay $0x1  }
0x8a: {  	s1 =	srdreg.scid  }
0x8b: {  	s0 =	sand.u32 $0x1, s1  }
0x8c: {  	s14 =	sshll.u32 s0, $0xA;
	s2 =	sadd.s32 s3, s2  }
0x8d: {  	s2 =	sadd.s32 s2, s14  }
0x8e: {  	[smem:$0x3FC4] =	sst s2  }
0x8f: {  	_ = 	snop  }
0x90: {  	s2 =	sld [smem:$0x3FD0];
	_ =	sdelay $0x2  }
0x91: {  	s15 =	simm.s32 $0xA;
	s4 =	simm.s32 $0x10  }
0x92: {  	[smem:s4], [sflag:s15] =	dma.local [hbm:s2], $0x1  }
0x93: {  	_ =	swait.eq [sflag:s15], $0x1  }
0x94: {  	[sflag:s15] =	ssyncset.done $0x0  }
0x95: {  	[sflag:s15] =	ssyncadd.s32 $0xFFFFFFFF  }
0x96: {  	s16 =	sld [smem:$0x10];
	(tm) =	ssettm $0x1  }
0x97: {  	s17 =	sld [smem:$0x3FFB];
	_ =	sdelay $0x3  }
0x98: {  	_ =	strace s17  }
0x99: {  	s3 =	sld [smem:$0x3FFC];
	_ =	sdelay $0x3  }
0x9a: {  	_ =	strace s3  }
0x9b: {  	s3 =	sld [smem:$0x3FFD];
	_ =	sdelay $0x3  }
0x9c: {  	_ =	strace s3  }
0x9d: {  	_ =	strace $0x8FFFFFFF  }
0x9e: {  	s18 =	sld [smem:$0x3FDB];
	_ =	sdelay $0x1  }
0x9f: {  	s19 =	simm.s32 $_scs_section_size  }
0xa0: {  	s5 =	simm.s32 $_size__tile_overlayer_lowered;
	s6 =	simm.s32 $_tile_overlayer_lowered  }
0xa1: {  	s22 =	simm.s32 $0x1BFF;
	s21 =	sshll.u32 s6, $0x1;
	s3 =	sadd.s32 s19, s18  }
0xa2: {  	s7 =	simm.s32 $0x0;
	s20 =	sshll.u32 s5, $0x1;
	s5 =	sadd.s32 s21, s3  }
0xa3: {  	[timem:s7], [sflag:s22] =	dma.local [hbm:s5], s20  }
0xa4: {  	_ =	swait.ge [sflag:s22], s20  }
0xa5: {  	s4 =	ssub.s32 $0x0, s20;
	[sflag:s22] =	ssyncset.done $0x0  }
0xa6: {  	[sflag:s22] =	ssyncadd.s32 s4;
	_ =	sdelay $0x1  }
0xa7: {  	s23 =	simm.s32 $0x1B8B  }
0xa8: {  	_ =	swait.ge [sflag:s23], $0x1  }
0xa9: {  	[sflag:s23] =	ssyncset.done $0x0  }
0xaa: {  	s25 =	simm.s32 $0x1B8E;
	s24 =	sld [smem:$0x3FFE];
	[sflag:s23] =	ssyncadd.s32 $0xFFFFFFFF  }
0xab: {  	s26 =	simm.s32 $execute0_lowered;
	[smem:$0x3FD2] =	sst s25  }
0xac: {  	s5 =	sshll.u32 s26, $0x1;
	_ =	strace $0x80000046;
	[dreg:$0x1] =	wrdreg $0xFFFFFFFF  }
0xad: {  	s28 =	simm.s32 $_size_execute0_lowered;
	s3 =	sadd.s32 s3, s5;
	[dreg:$0x0] =	wrdreg $0x0  }
0xae: {  	s5 =	sshll.u32 s28, $0x1;
	[dreg:$0x2] =	wrdreg s3  }
0xaf: {  	[dreg:$0x3] =	wrdreg s5  }
0xb0: {  	[dreg:$0x4] =	wrdreg $0xC0  }
0xb1: {  	_ =	task [dreg:s7], $0x5FFFF  }
0xb2: {  	[dreg:$0x1] =	wrdreg $0xFFFFFFFF  }
0xb3: {  	[dreg:$0x0] =	wrdreg $0x60  }
0xb4: {  	[dreg:$0x2] =	wrdreg s16  }
0xb5: {  	[dreg:$0x3] =	wrdreg s24  }
0xb6: {  	[dreg:$0x4] =	wrdreg $0x9  }
0xb7: {  	_ =	task.clear_ibuf [dreg:s7], $0x5FFFF;
	_ =	strace $0x90000046  }
0xb8: {  	s29 =	simm.s32 $0x9;
	_ =	strace $0x80000048  }
0xb9: {  	_ =	swait.ge [sflag:s29], $0x1  }
0xba: {  	[sflag:s29] =	ssyncadd.s32 $0xFFFFFFFF  }
0xbb: {  	_ =	strace $0x90000048  }
0xbc: {  	_ =	sfence  }
0xbd: {  	s30 =	sld [smem:$0x0];
	_ =	sdelay $0x2  }
0xbe: {  	s31 =	sshll.u32 s1, $0xD;
	s1 =	sshrl.u32 s1, $0x2  }
0xbf: {  	s3 =	sand.u32 $0x4000, s31;
	s1 =	sadd.s32 s1, s30  }
0xc0: {  	s0 =	sor.u32 s3, s0;
	s1 =	sshll.u32 s1, $0x11  }
0xc1: {  	s0 =	sor.u32 s1, s0  }
0xc2: {  	s0 =	sadd.s32 $0x8F2B, s0  }
0xc3: {  	[sflag:s0] =	ssyncadd.remote.s32 $0x1  }
0xc4: {  	_ =	sfence.sel $0xFFFF  }
0xc5: {  	[dreg:$0x0] =	wrdreg $0xFFFFFFFF;
	(pc) =	sbr.abs _section_cstart, $3  }
0xc6: {  	[dreg:$0x1] =	wrdreg $0xFFFFFFFF  }
0xc7: {  	_ =	task.clear_ibuf [dreg:s7], $0x2FFFF;
	_ =	strace $0x9FFFFFFF  }
0xc8: {  	(tm) =	ssettm $0x7FFFFFFF  }
0xc9: {  	_ =	shalt  }
tec
execute0_lowered:
.L_overlay_start_1:
0x0: {  	(tag) =	ssettag $0x1  }
0x1: {  	s3 =	rddreg [dreg:$0x0]  }
0x2: {  	s1 =	srdreg.scid;
	s0 =	stileid.u32  }
0x3: {  	s4 =	rddreg [dreg:$0x1];
	s10 =	simm.s32 $0x2100;
	s11 =	simm.s32 $0x0  }
0x4: {  	s5 =	sand.u32 $0x1, s1;
	s2 =	sshll.u32 s0, $0x1;
	s1 =	rddreg [dreg:$0x2]  }
0x5: {  	s7 =	sshrl.u32 s0, $0x2;
	s6 =	sor.u32 s5, s2;
	s2 =	simm.s32 $0x0  }
0x6: {  	s7 =	smul.u32 $0xC00, s7;
	s5 =	ssub.s32 $0x2, s5;
	s8 =	sshll.u32 s6, $0x7  }
0x7: {  	[smem:$0x7FF] =	sst s2;
	s9 =	sshrl.u32 s5, $0x1;
	s6 =	sshll.u32 s6, $0x9  }
0x8: {  	s8 =	sand.u32 $0x380, s8;
	_ =	strace $0x80000047;
	s5 =	ssub.s32 s5, s9  }
0x9: {  	s3 =	sadd.s32 s3, s6;
	s6 =	simm.s32 $0x1;
	s7 =	sor.u32 s7, s8  }
0xa: {  	v1 =	vlaneseq.u32;
	s9 =	simm.s32 $0x400;
	s5 =	smax.u32 s5, $0x1;
	s7 =	sshrl.u32 s7, $0x3  }
0xb: {  	v0 =	vimm.s32 $0x0;
	v2 =	vimm.s32 $0x1;
	v1 =	vmul.u32 $0x110, v1;
	s8 =	simm.s32 $0x80;
	s4 =	sadd.s32 s4, s7;
	s7 =	simm.s32 $0x1000  }
.LBB2_1:
0xc: {  	[tilespmem:s2], [sflag:$0x1] =	stream.linear.gather [hbm4b:s3+s2], $0x1000, $0x38;
	[tilespmem:$0x2280] =	vst v63  }
0xd: {  	_ =	swait.ge [sflag:s6], $0x1000  }
0xe: {  	[sflag:s6] =	ssyncset.done $0x0  }
0xf: {  	[sflag:s6] =	ssyncadd.s32 $0xFFFFF000  }
0x10: {  	[tilespmem:$0x1000] =	vst v0  }
0x11: {  	[tilespmem:$0x1010] =	vst v0  }
0x12: {  	[tilespmem:$0x1020] =	vst v0  }
0x13: {  	[tilespmem:$0x1030] =	vst v0  }
0x14: {  	[tilespmem:$0x1040] =	vst v0  }
0x15: {  	[tilespmem:$0x1050] =	vst v0  }
0x16: {  	[tilespmem:$0x1060] =	vst v0  }
0x17: {  	[tilespmem:$0x1070] =	vst v0  }
0x18: {  	[tilespmem:$0x1080] =	vst v0  }
0x19: {  	[tilespmem:$0x1090] =	vst v0  }
0x1a: {  	[tilespmem:$0x10A0] =	vst v0  }
0x1b: {  	[tilespmem:$0x10B0] =	vst v0  }
0x1c: {  	[tilespmem:$0x10C0] =	vst v0  }
0x1d: {  	[tilespmem:$0x10D0] =	vst v0  }
0x1e: {  	[tilespmem:$0x10E0] =	vst v0  }
0x1f: {  	[tilespmem:$0x10F0] =	vst v0  }
0x20: {  	[tilespmem:$0x1100] =	vst v0  }
0x21: {  	[tilespmem:$0x1110] =	vst v0  }
0x22: {  	[tilespmem:$0x1120] =	vst v0  }
0x23: {  	[tilespmem:$0x1130] =	vst v0  }
0x24: {  	[tilespmem:$0x1140] =	vst v0  }
0x25: {  	[tilespmem:$0x1150] =	vst v0  }
0x26: {  	[tilespmem:$0x1160] =	vst v0  }
0x27: {  	[tilespmem:$0x1170] =	vst v0  }
0x28: {  	[tilespmem:$0x1180] =	vst v0  }
0x29: {  	[tilespmem:$0x1190] =	vst v0  }
0x2a: {  	[tilespmem:$0x11A0] =	vst v0  }
0x2b: {  	[tilespmem:$0x11B0] =	vst v0  }
0x2c: {  	[tilespmem:$0x11C0] =	vst v0  }
0x2d: {  	[tilespmem:$0x11D0] =	vst v0  }
0x2e: {  	[tilespmem:$0x11E0] =	vst v0  }
0x2f: {  	[tilespmem:$0x11F0] =	vst v0  }
0x30: {  	[tilespmem:$0x1200] =	vst v0  }
0x31: {  	[tilespmem:$0x1210] =	vst v0  }
0x32: {  	[tilespmem:$0x1220] =	vst v0  }
0x33: {  	[tilespmem:$0x1230] =	vst v0  }
0x34: {  	[tilespmem:$0x1240] =	vst v0  }
0x35: {  	[tilespmem:$0x1250] =	vst v0  }
0x36: {  	[tilespmem:$0x1260] =	vst v0  }
0x37: {  	[tilespmem:$0x1270] =	vst v0  }
0x38: {  	[tilespmem:$0x1280] =	vst v0  }
0x39: {  	[tilespmem:$0x1290] =	vst v0  }
0x3a: {  	[tilespmem:$0x12A0] =	vst v0  }
0x3b: {  	[tilespmem:$0x12B0] =	vst v0  }
0x3c: {  	[tilespmem:$0x12C0] =	vst v0  }
0x3d: {  	[tilespmem:$0x12D0] =	vst v0  }
0x3e: {  	[tilespmem:$0x12E0] =	vst v0  }
0x3f: {  	[tilespmem:$0x12F0] =	vst v0  }
0x40: {  	[tilespmem:$0x1300] =	vst v0  }
0x41: {  	[tilespmem:$0x1310] =	vst v0  }
0x42: {  	[tilespmem:$0x1320] =	vst v0  }
0x43: {  	[tilespmem:$0x1330] =	vst v0  }
0x44: {  	[tilespmem:$0x1340] =	vst v0  }
0x45: {  	[tilespmem:$0x1350] =	vst v0  }
0x46: {  	[tilespmem:$0x1360] =	vst v0  }
0x47: {  	[tilespmem:$0x1370] =	vst v0  }
0x48: {  	[tilespmem:$0x1380] =	vst v0  }
0x49: {  	[tilespmem:$0x1390] =	vst v0  }
0x4a: {  	[tilespmem:$0x13A0] =	vst v0  }
0x4b: {  	[tilespmem:$0x13B0] =	vst v0  }
0x4c: {  	[tilespmem:$0x13C0] =	vst v0  }
0x4d: {  	[tilespmem:$0x13D0] =	vst v0  }
0x4e: {  	[tilespmem:$0x13E0] =	vst v0  }
0x4f: {  	[tilespmem:$0x13F0] =	vst v0  }
0x50: {  	[tilespmem:$0x1400] =	vst v0  }
0x51: {  	[tilespmem:$0x1410] =	vst v0  }
0x52: {  	[tilespmem:$0x1420] =	vst v0  }
0x53: {  	[tilespmem:$0x1430] =	vst v0  }
0x54: {  	[tilespmem:$0x1440] =	vst v0  }
0x55: {  	[tilespmem:$0x1450] =	vst v0  }
0x56: {  	[tilespmem:$0x1460] =	vst v0  }
0x57: {  	[tilespmem:$0x1470] =	vst v0  }
0x58: {  	[tilespmem:$0x1480] =	vst v0  }
0x59: {  	[tilespmem:$0x1490] =	vst v0  }
0x5a: {  	[tilespmem:$0x14A0] =	vst v0  }
0x5b: {  	[tilespmem:$0x14B0] =	vst v0  }
0x5c: {  	[tilespmem:$0x14C0] =	vst v0  }
0x5d: {  	[tilespmem:$0x14D0] =	vst v0  }
0x5e: {  	[tilespmem:$0x14E0] =	vst v0  }
0x5f: {  	[tilespmem:$0x14F0] =	vst v0  }
0x60: {  	[tilespmem:$0x1500] =	vst v0  }
0x61: {  	[tilespmem:$0x1510] =	vst v0  }
0x62: {  	[tilespmem:$0x1520] =	vst v0  }
0x63: {  	[tilespmem:$0x1530] =	vst v0  }
0x64: {  	[tilespmem:$0x1540] =	vst v0  }
0x65: {  	[tilespmem:$0x1550] =	vst v0  }
0x66: {  	[tilespmem:$0x1560] =	vst v0  }
0x67: {  	[tilespmem:$0x1570] =	vst v0  }
0x68: {  	[tilespmem:$0x1580] =	vst v0  }
0x69: {  	[tilespmem:$0x1590] =	vst v0  }
0x6a: {  	[tilespmem:$0x15A0] =	vst v0  }
0x6b: {  	[tilespmem:$0x15B0] =	vst v0  }
0x6c: {  	[tilespmem:$0x15C0] =	vst v0  }
0x6d: {  	[tilespmem:$0x15D0] =	vst v0  }
0x6e: {  	[tilespmem:$0x15E0] =	vst v0  }
0x6f: {  	[tilespmem:$0x15F0] =	vst v0  }
0x70: {  	[tilespmem:$0x1600] =	vst v0  }
0x71: {  	[tilespmem:$0x1610] =	vst v0  }
0x72: {  	[tilespmem:$0x1620] =	vst v0  }
0x73: {  	[tilespmem:$0x1630] =	vst v0  }
0x74: {  	[tilespmem:$0x1640] =	vst v0  }
0x75: {  	[tilespmem:$0x1650] =	vst v0  }
0x76: {  	[tilespmem:$0x1660] =	vst v0  }
0x77: {  	[tilespmem:$0x1670] =	vst v0  }
0x78: {  	[tilespmem:$0x1680] =	vst v0  }
0x79: {  	[tilespmem:$0x1690] =	vst v0  }
0x7a: {  	[tilespmem:$0x16A0] =	vst v0  }
0x7b: {  	[tilespmem:$0x16B0] =	vst v0  }
0x7c: {  	[tilespmem:$0x16C0] =	vst v0  }
0x7d: {  	[tilespmem:$0x16D0] =	vst v0  }
0x7e: {  	[tilespmem:$0x16E0] =	vst v0  }
0x7f: {  	[tilespmem:$0x16F0] =	vst v0  }
0x80: {  	[tilespmem:$0x1700] =	vst v0  }
0x81: {  	[tilespmem:$0x1710] =	vst v0  }
0x82: {  	[tilespmem:$0x1720] =	vst v0  }
0x83: {  	[tilespmem:$0x1730] =	vst v0  }
0x84: {  	[tilespmem:$0x1740] =	vst v0  }
0x85: {  	[tilespmem:$0x1750] =	vst v0  }
0x86: {  	[tilespmem:$0x1760] =	vst v0  }
0x87: {  	[tilespmem:$0x1770] =	vst v0  }
0x88: {  	[tilespmem:$0x1780] =	vst v0  }
0x89: {  	[tilespmem:$0x1790] =	vst v0  }
0x8a: {  	[tilespmem:$0x17A0] =	vst v0  }
0x8b: {  	[tilespmem:$0x17B0] =	vst v0  }
0x8c: {  	[tilespmem:$0x17C0] =	vst v0  }
0x8d: {  	[tilespmem:$0x17D0] =	vst v0  }
0x8e: {  	[tilespmem:$0x17E0] =	vst v0  }
0x8f: {  	[tilespmem:$0x17F0] =	vst v0  }
0x90: {  	[tilespmem:$0x1800] =	vst v0  }
0x91: {  	[tilespmem:$0x1810] =	vst v0  }
0x92: {  	[tilespmem:$0x1820] =	vst v0  }
0x93: {  	[tilespmem:$0x1830] =	vst v0  }
0x94: {  	[tilespmem:$0x1840] =	vst v0  }
0x95: {  	[tilespmem:$0x1850] =	vst v0  }
0x96: {  	[tilespmem:$0x1860] =	vst v0  }
0x97: {  	[tilespmem:$0x1870] =	vst v0  }
0x98: {  	[tilespmem:$0x1880] =	vst v0  }
0x99: {  	[tilespmem:$0x1890] =	vst v0  }
0x9a: {  	[tilespmem:$0x18A0] =	vst v0  }
0x9b: {  	[tilespmem:$0x18B0] =	vst v0  }
0x9c: {  	[tilespmem:$0x18C0] =	vst v0  }
0x9d: {  	[tilespmem:$0x18D0] =	vst v0  }
0x9e: {  	[tilespmem:$0x18E0] =	vst v0  }
0x9f: {  	[tilespmem:$0x18F0] =	vst v0  }
0xa0: {  	[tilespmem:$0x1900] =	vst v0  }
0xa1: {  	[tilespmem:$0x1910] =	vst v0  }
0xa2: {  	[tilespmem:$0x1920] =	vst v0  }
0xa3: {  	[tilespmem:$0x1930] =	vst v0  }
0xa4: {  	[tilespmem:$0x1940] =	vst v0  }
0xa5: {  	[tilespmem:$0x1950] =	vst v0  }
0xa6: {  	[tilespmem:$0x1960] =	vst v0  }
0xa7: {  	[tilespmem:$0x1970] =	vst v0  }
0xa8: {  	[tilespmem:$0x1980] =	vst v0  }
0xa9: {  	[tilespmem:$0x1990] =	vst v0  }
0xaa: {  	[tilespmem:$0x19A0] =	vst v0  }
0xab: {  	[tilespmem:$0x19B0] =	vst v0  }
0xac: {  	[tilespmem:$0x19C0] =	vst v0  }
0xad: {  	[tilespmem:$0x19D0] =	vst v0  }
0xae: {  	[tilespmem:$0x19E0] =	vst v0  }
0xaf: {  	[tilespmem:$0x19F0] =	vst v0  }
0xb0: {  	[tilespmem:$0x1A00] =	vst v0  }
0xb1: {  	[tilespmem:$0x1A10] =	vst v0  }
0xb2: {  	[tilespmem:$0x1A20] =	vst v0  }
0xb3: {  	[tilespmem:$0x1A30] =	vst v0  }
0xb4: {  	[tilespmem:$0x1A40] =	vst v0  }
0xb5: {  	[tilespmem:$0x1A50] =	vst v0  }
0xb6: {  	[tilespmem:$0x1A60] =	vst v0  }
0xb7: {  	[tilespmem:$0x1A70] =	vst v0  }
0xb8: {  	[tilespmem:$0x1A80] =	vst v0  }
0xb9: {  	[tilespmem:$0x1A90] =	vst v0  }
0xba: {  	[tilespmem:$0x1AA0] =	vst v0  }
0xbb: {  	[tilespmem:$0x1AB0] =	vst v0  }
0xbc: {  	[tilespmem:$0x1AC0] =	vst v0  }
0xbd: {  	[tilespmem:$0x1AD0] =	vst v0  }
0xbe: {  	[tilespmem:$0x1AE0] =	vst v0  }
0xbf: {  	[tilespmem:$0x1AF0] =	vst v0  }
0xc0: {  	[tilespmem:$0x1B00] =	vst v0  }
0xc1: {  	[tilespmem:$0x1B10] =	vst v0  }
0xc2: {  	[tilespmem:$0x1B20] =	vst v0  }
0xc3: {  	[tilespmem:$0x1B30] =	vst v0  }
0xc4: {  	[tilespmem:$0x1B40] =	vst v0  }
0xc5: {  	[tilespmem:$0x1B50] =	vst v0  }
0xc6: {  	[tilespmem:$0x1B60] =	vst v0  }
0xc7: {  	[tilespmem:$0x1B70] =	vst v0  }
0xc8: {  	[tilespmem:$0x1B80] =	vst v0  }
0xc9: {  	[tilespmem:$0x1B90] =	vst v0  }
0xca: {  	[tilespmem:$0x1BA0] =	vst v0  }
0xcb: {  	[tilespmem:$0x1BB0] =	vst v0  }
0xcc: {  	[tilespmem:$0x1BC0] =	vst v0  }
0xcd: {  	[tilespmem:$0x1BD0] =	vst v0  }
0xce: {  	[tilespmem:$0x1BE0] =	vst v0  }
0xcf: {  	[tilespmem:$0x1BF0] =	vst v0  }
0xd0: {  	[tilespmem:$0x1C00] =	vst v0  }
0xd1: {  	[tilespmem:$0x1C10] =	vst v0  }
0xd2: {  	[tilespmem:$0x1C20] =	vst v0  }
0xd3: {  	[tilespmem:$0x1C30] =	vst v0  }
0xd4: {  	[tilespmem:$0x1C40] =	vst v0  }
0xd5: {  	[tilespmem:$0x1C50] =	vst v0  }
0xd6: {  	[tilespmem:$0x1C60] =	vst v0  }
0xd7: {  	[tilespmem:$0x1C70] =	vst v0  }
0xd8: {  	[tilespmem:$0x1C80] =	vst v0  }
0xd9: {  	[tilespmem:$0x1C90] =	vst v0  }
0xda: {  	[tilespmem:$0x1CA0] =	vst v0  }
0xdb: {  	[tilespmem:$0x1CB0] =	vst v0  }
0xdc: {  	[tilespmem:$0x1CC0] =	vst v0  }
0xdd: {  	[tilespmem:$0x1CD0] =	vst v0  }
0xde: {  	[tilespmem:$0x1CE0] =	vst v0  }
0xdf: {  	[tilespmem:$0x1CF0] =	vst v0  }
0xe0: {  	[tilespmem:$0x1D00] =	vst v0  }
0xe1: {  	[tilespmem:$0x1D10] =	vst v0  }
0xe2: {  	[tilespmem:$0x1D20] =	vst v0  }
0xe3: {  	[tilespmem:$0x1D30] =	vst v0  }
0xe4: {  	[tilespmem:$0x1D40] =	vst v0  }
0xe5: {  	[tilespmem:$0x1D50] =	vst v0  }
0xe6: {  	[tilespmem:$0x1D60] =	vst v0  }
0xe7: {  	[tilespmem:$0x1D70] =	vst v0  }
0xe8: {  	[tilespmem:$0x1D80] =	vst v0  }
0xe9: {  	[tilespmem:$0x1D90] =	vst v0  }
0xea: {  	[tilespmem:$0x1DA0] =	vst v0  }
0xeb: {  	[tilespmem:$0x1DB0] =	vst v0  }
0xec: {  	[tilespmem:$0x1DC0] =	vst v0  }
0xed: {  	[tilespmem:$0x1DD0] =	vst v0  }
0xee: {  	[tilespmem:$0x1DE0] =	vst v0  }
0xef: {  	[tilespmem:$0x1DF0] =	vst v0  }
0xf0: {  	[tilespmem:$0x1E00] =	vst v0  }
0xf1: {  	[tilespmem:$0x1E10] =	vst v0  }
0xf2: {  	[tilespmem:$0x1E20] =	vst v0  }
0xf3: {  	[tilespmem:$0x1E30] =	vst v0  }
0xf4: {  	[tilespmem:$0x1E40] =	vst v0  }
0xf5: {  	[tilespmem:$0x1E50] =	vst v0  }
0xf6: {  	[tilespmem:$0x1E60] =	vst v0  }
0xf7: {  	[tilespmem:$0x1E70] =	vst v0  }
0xf8: {  	[tilespmem:$0x1E80] =	vst v0  }
0xf9: {  	[tilespmem:$0x1E90] =	vst v0  }
0xfa: {  	[tilespmem:$0x1EA0] =	vst v0  }
0xfb: {  	[tilespmem:$0x1EB0] =	vst v0  }
0xfc: {  	[tilespmem:$0x1EC0] =	vst v0  }
0xfd: {  	[tilespmem:$0x1ED0] =	vst v0  }
0xfe: {  	[tilespmem:$0x1EE0] =	vst v0  }
0xff: {  	[tilespmem:$0x1EF0] =	vst v0  }
0x100: {  	[tilespmem:$0x1F00] =	vst v0  }
0x101: {  	[tilespmem:$0x1F10] =	vst v0  }
0x102: {  	[tilespmem:$0x1F20] =	vst v0  }
0x103: {  	[tilespmem:$0x1F30] =	vst v0  }
0x104: {  	[tilespmem:$0x1F40] =	vst v0  }
0x105: {  	[tilespmem:$0x1F50] =	vst v0  }
0x106: {  	[tilespmem:$0x1F60] =	vst v0  }
0x107: {  	[tilespmem:$0x1F70] =	vst v0  }
0x108: {  	[tilespmem:$0x1F80] =	vst v0  }
0x109: {  	[tilespmem:$0x1F90] =	vst v0  }
0x10a: {  	[tilespmem:$0x1FA0] =	vst v0  }
0x10b: {  	[tilespmem:$0x1FB0] =	vst v0  }
0x10c: {  	[tilespmem:$0x1FC0] =	vst v0  }
0x10d: {  	[tilespmem:$0x1FD0] =	vst v0  }
0x10e: {  	[tilespmem:$0x1FE0] =	vst v0  }
0x10f: {  	[tilespmem:$0x1FF0] =	vst v0  }
0x110: {  	[tilespmem:$0x2000] =	vst v0  }
0x111: {  	[tilespmem:$0x2010] =	vst v0  }
0x112: {  	[tilespmem:$0x2020] =	vst v0  }
0x113: {  	[tilespmem:$0x2030] =	vst v0  }
0x114: {  	[tilespmem:$0x2040] =	vst v0  }
0x115: {  	[tilespmem:$0x2050] =	vst v0  }
0x116: {  	[tilespmem:$0x2060] =	vst v0  }
0x117: {  	[tilespmem:$0x2070] =	vst v0  }
0x118: {  	[tilespmem:$0x2080] =	vst v0  }
0x119: {  	[tilespmem:$0x2090] =	vst v0  }
0x11a: {  	[tilespmem:$0x20A0] =	vst v0  }
0x11b: {  	[tilespmem:$0x20B0] =	vst v0  }
0x11c: {  	[tilespmem:$0x20C0] =	vst v0  }
0x11d: {  	[tilespmem:$0x20D0] =	vst v0  }
0x11e: {  	[tilespmem:$0x20E0] =	vst v0  }
0x11f: {  	s13 =	simm.s32 $0x0;
	s12 =	simm.s32 $0x40;
	[tilespmem:$0x20F0] =	vst v0  }
.LBB2_2:
0x120: {  	p0 =	sne.s32 s12, $0x3FC0;
	v3 =	vld [tilespmem:s13+$0x0];
	_ =	sdelay $0x4  }
0x121: {  	v3 =	vadd.s32 v1, v3  }
.Ltmp0:
0x122: {  	(pc) =	sbr.rel @p0 .LBB2_2-.Ltmp0, $2  }
0x123: {  	_ =	sdelay $0x2  }
0x124: {  	s13 =	sshra.s32 s12, $0x2;
	s12 =	sadd.s32 $0x40, s12;
	[tilespmem:v3+s7+$0x0] =	vst.idx.add.s32.msk $0xffff, v2  }
0x125: {  	v3 =	vld [tilespmem:s13+$0x0];
	_ =	sdelay $0x4  }
0x126: {  	v3 =	vadd.s32 v1, v3;
	_ =	sdelay $0x4  }
0x127: {  	[tilespmem:v3+s7+$0x0] =	vst.idx.add.s32.msk $0xffff, v2  }
0x128: {  	v23 =	vld [tilespmem:$0x1000]  }
0x129: {  	v21 =	vld [tilespmem:$0x1110]  }
0x12a: {  	v24 =	vld [tilespmem:$0x1220]  }
0x12b: {  	v29 =	vld [tilespmem:$0x1330]  }
0x12c: {  	v34 =	vld [tilespmem:$0x1440]  }
0x12d: {  	v49 =	vld [tilespmem:$0x1550]  }
0x12e: {  	v40 =	vld [tilespmem:$0x1660]  }
0x12f: {  	v47 =	vld [tilespmem:$0x1770]  }
0x130: {  	v54 =	vld [tilespmem:$0x1880]  }
0x131: {  	v63 =	vld [tilespmem:$0x1990]  }
0x132: {  	v3 =	vld [tilespmem:$0x1AA0]  }
0x133: {  	v5 =	vld [tilespmem:$0x1010]  }
0x134: {  	v7 =	vld [tilespmem:$0x1230]  }
0x135: {  	v9 =	vld [tilespmem:$0x1340]  }
0x136: {  	v11 =	vld [tilespmem:$0x1450]  }
0x137: {  	v12 =	vld [tilespmem:$0x1560]  }
0x138: {  	v14 =	vld [tilespmem:$0x1670]  }
0x139: {  	v15 =	vld [tilespmem:$0x1780]  }
0x13a: {  	v25 =	vld [tilespmem:$0x1890]  }
0x13b: {  	v28 =	vld [tilespmem:$0x19A0]  }
0x13c: {  	v32 =	vld [tilespmem:$0x1AB0]  }
0x13d: {  	v36 =	vld [tilespmem:$0x1BC0]  }
0x13e: {  	v39 =	vld [tilespmem:$0x1CD0]  }
0x13f: {  	[tilespmem:$0x1F760] =	vst v3;
	v3 =	vld [tilespmem:$0x1BB0]  }
0x140: {  	v45 =	vld [tilespmem:$0x1DE0]  }
0x141: {  	v55 =	vld [tilespmem:$0x1EF0]  }
0x142: {  	v62 =	vld [tilespmem:$0x2000]  }
0x143: {  	v4 =	vld [tilespmem:$0x1350]  }
0x144: {  	[tilespmem:$0x1F770] =	vst v3;
	v3 =	vld [tilespmem:$0x1CC0]  }
0x145: {  	v19 =	vld [tilespmem:$0x1460]  }
0x146: {  	v20 =	vld [tilespmem:$0x1570]  }
0x147: {  	v22 =	vld [tilespmem:$0x1680]  }
0x148: {  	v26 =	vld [tilespmem:$0x1790];
	[tilespmem:$0x1F7C0] =	vst v4  }
0x149: {  	[tilespmem:$0x1F780] =	vst v3;
	v3 =	vld [tilespmem:$0x1DD0]  }
0x14a: {  	v27 =	vld [tilespmem:$0x18A0];
	[tilespmem:$0x1F7D0] =	vst v19  }
0x14b: {  	v30 =	vld [tilespmem:$0x19B0];
	[tilespmem:$0x1F7E0] =	vst v20  }
0x14c: {  	v31 =	vld [tilespmem:$0x1AC0];
	[tilespmem:$0x1F7F0] =	vst v22  }
0x14d: {  	v33 =	vld [tilespmem:$0x1BD0];
	[tilespmem:$0x1F800] =	vst v26  }
0x14e: {  	[tilespmem:$0x1F790] =	vst v3;
	v3 =	vld [tilespmem:$0x1EE0]  }
0x14f: {  	v35 =	vld [tilespmem:$0x1CE0];
	[tilespmem:$0x1F810] =	vst v27  }
0x150: {  	v37 =	vld [tilespmem:$0x1DF0];
	[tilespmem:$0x1F830] =	vst v30  }
0x151: {  	v38 =	vld [tilespmem:$0x1F00];
	[tilespmem:$0x1F850] =	vst v31  }
0x152: {  	v41 =	vld [tilespmem:$0x2010];
	[tilespmem:$0x1F870] =	vst v33  }
0x153: {  	[tilespmem:$0x1F7A0] =	vst v3;
	v3 =	vld [tilespmem:$0x1FF0]  }
0x154: {  	v48 =	vld [tilespmem:$0x1020];
	[tilespmem:$0x1F890] =	vst v35  }
0x155: {  	v46 =	vld [tilespmem:$0x1130];
	[tilespmem:$0x1F8B0] =	vst v37  }
0x156: {  	v56 =	vld [tilespmem:$0x1240];
	[tilespmem:$0x1F8E0] =	vst v38  }
0x157: {  	[tilespmem:$0x1F910] =	vst v41;
	v19 =	vld [tilespmem:$0x1030]  }
0x158: {  	[tilespmem:$0x1F7B0] =	vst v3;
	v3 =	vld [tilespmem:$0x1120]  }
0x159: {  	v16 =	vld [tilespmem:$0x1140]  }
0x15a: {  	v61 =	vld [tilespmem:$0x1E10];
	_ =	sdelay $0x4  }
0x15b: {  	[tilespmem:$0x1F930] =	vst v61;
	v61 =	vld [tilespmem:$0x19E0];
	_ =	sdelay $0x4  }
0x15c: {  	[tilespmem:$0x1FA50] =	vst v61;
	v61 =	vld [tilespmem:$0x17D0];
	_ =	sdelay $0x4  }
0x15d: {  	[tilespmem:$0x1FA40] =	vst v61;
	v61 =	vld [tilespmem:$0x18F0];
	_ =	sdelay $0x4  }
0x15e: {  	[tilespmem:$0x1FAA0] =	vst v61;
	v61 =	vld [tilespmem:$0x1B10];
	_ =	sdelay $0x4  }
0x15f: {  	[tilespmem:$0x1FB00] =	vst v61;
	v61 =	vld [tilespmem:$0x1D30];
	_ =	sdelay $0x4  }
0x160: {  	[tilespmem:$0x1FB60] =	vst v61;
	v61 =	vld [tilespmem:$0x1F50];
	_ =	sdelay $0x4  }
0x161: {  	[tilespmem:$0x1FBB0] =	vst v61;
	v61 =	vld [tilespmem:$0x1080];
	_ =	sdelay $0x4  }
0x162: {  	[tilespmem:$0x1FBC0] =	vst v61;
	v61 =	vld [tilespmem:$0x12A0];
	_ =	sdelay $0x4  }
0x163: {  	[tilespmem:$0x1FBF0] =	vst v61;
	v61 =	vld [tilespmem:$0x14C0];
	_ =	sdelay $0x4  }
0x164: {  	[tilespmem:$0x1FC40] =	vst v61;
	v61 =	vld [tilespmem:$0x16E0];
	_ =	sdelay $0x4  }
0x165: {  	[tilespmem:$0x1FC90] =	vst v61;
	v61 =	vld [tilespmem:$0x1900];
	_ =	sdelay $0x4  }
0x166: {  	[tilespmem:$0x1FCF0] =	vst v61;
	v61 =	vld [tilespmem:$0x1B20];
	_ =	sdelay $0x4  }
0x167: {  	[tilespmem:$0x1FD50] =	vst v61;
	v61 =	vld [tilespmem:$0x1D40];
	_ =	sdelay $0x4  }
0x168: {  	[tilespmem:$0x1FDB0] =	vst v61;
	v61 =	vld [tilespmem:$0x1F60];
	_ =	sdelay $0x4  }
0x169: {  	[tilespmem:$0x1FE10] =	vst v61;
	v61 =	vld [tilespmem:$0x1090];
	_ =	sdelay $0x4  }
0x16a: {  	[tilespmem:$0x1FC00] =	vst v61;
	v61 =	vld [tilespmem:$0x12B0];
	_ =	sdelay $0x4  }
0x16b: {  	[tilespmem:$0x1FC30] =	vst v61;
	v61 =	vld [tilespmem:$0x14D0];
	_ =	sdelay $0x4  }
0x16c: {  	[tilespmem:$0x1FC70] =	vst v61;
	v61 =	vld [tilespmem:$0x16F0];
	_ =	sdelay $0x4  }
0x16d: {  	[tilespmem:$0x1FCD0] =	vst v61;
	v61 =	vld [tilespmem:$0x1910];
	_ =	sdelay $0x4  }
0x16e: {  	[tilespmem:$0x1FD30] =	vst v61;
	v61 =	vld [tilespmem:$0x1B30];
	_ =	sdelay $0x4  }
0x16f: {  	[tilespmem:$0x1FD90] =	vst v61;
	v61 =	vld [tilespmem:$0x1D50];
	_ =	sdelay $0x4  }
0x170: {  	[tilespmem:$0x1FDF0] =	vst v61;
	v61 =	vld [tilespmem:$0x1F70];
	_ =	sdelay $0x4  }
0x171: {  	[tilespmem:$0x1FE50] =	vst v61;
	v61 =	vld [tilespmem:$0x13D0];
	_ =	sdelay $0x4  }
0x172: {  	[tilespmem:$0x1FC80] =	vst v61;
	v61 =	vld [tilespmem:$0x14E0];
	_ =	sdelay $0x4  }
0x173: {  	[tilespmem:$0x1FCB0] =	vst v61;
	v61 =	vld [tilespmem:$0x15F0];
	_ =	sdelay $0x4  }
0x174: {  	[tilespmem:$0x1FCE0] =	vst v61;
	v61 =	vld [tilespmem:$0x1700];
	_ =	sdelay $0x4  }
0x175: {  	[tilespmem:$0x1FD10] =	vst v61;
	v61 =	vld [tilespmem:$0x1810];
	_ =	sdelay $0x4  }
0x176: {  	[tilespmem:$0x1FD40] =	vst v61;
	v61 =	vld [tilespmem:$0x1920];
	_ =	sdelay $0x4  }
0x177: {  	[tilespmem:$0x1FD70] =	vst v61;
	v61 =	vld [tilespmem:$0x1A30];
	_ =	sdelay $0x4  }
0x178: {  	[tilespmem:$0x1FDA0] =	vst v61;
	v61 =	vld [tilespmem:$0x1B40];
	_ =	sdelay $0x4  }
0x179: {  	[tilespmem:$0x1FDD0] =	vst v61;
	v61 =	vld [tilespmem:$0x1C50];
	_ =	sdelay $0x4  }
0x17a: {  	[tilespmem:$0x1FE00] =	vst v61;
	v61 =	vld [tilespmem:$0x1D60];
	_ =	sdelay $0x4  }
0x17b: {  	[tilespmem:$0x1FE30] =	vst v61;
	v61 =	vld [tilespmem:$0x1E70];
	_ =	sdelay $0x4  }
0x17c: {  	[tilespmem:$0x1FE60] =	vst v61;
	v61 =	vld [tilespmem:$0x1F80];
	_ =	sdelay $0x4  }
0x17d: {  	[tilespmem:$0x1FE80] =	vst v61;
	v61 =	vld [tilespmem:$0x2090];
	_ =	sdelay $0x4  }
0x17e: {  	[tilespmem:$0x1FEB0] =	vst v61;
	v61 =	vld [tilespmem:$0x10B0];
	_ =	sdelay $0x1  }
0x17f: {  	v22 =	vld [tilespmem:$0x1250]  }
0x180: {  	v30 =	vld [tilespmem:$0x1360]  }
0x181: {  	v35 =	vld [tilespmem:$0x1470]  }
0x182: {  	[tilespmem:$0x1FE90] =	vst v61;
	v61 =	vld [tilespmem:$0x11C0]  }
0x183: {  	v41 =	vld [tilespmem:$0x1580]  }
0x184: {  	v57 =	vld [tilespmem:$0x1690]  }
0x185: {  	v42 =	vld [tilespmem:$0x17A0]  }
0x186: {  	v43 =	vld [tilespmem:$0x18B0]  }
0x187: {  	[tilespmem:$0x1FEA0] =	vst v61;
	v61 =	vld [tilespmem:$0x12D0]  }
0x188: {  	v44 =	vld [tilespmem:$0x19C0]  }
0x189: {  	v50 =	vld [tilespmem:$0x1AD0]  }
0x18a: {  	v51 =	vld [tilespmem:$0x1BE0]  }
0x18b: {  	v52 =	vld [tilespmem:$0x1CF0]  }
0x18c: {  	[tilespmem:$0x1FEC0] =	vst v61;
	v61 =	vld [tilespmem:$0x13E0]  }
0x18d: {  	v53 =	vld [tilespmem:$0x1E00]  }
0x18e: {  	v58 =	vld [tilespmem:$0x1F10]  }
0x18f: {  	v59 =	vld [tilespmem:$0x2020]  }
0x190: {  	v6 =	vld [tilespmem:$0x1040]  }
0x191: {  	[tilespmem:$0x1FED0] =	vst v61;
	v61 =	vld [tilespmem:$0x14F0]  }
0x192: {  	v4 =	vld [tilespmem:$0x1150]  }
0x193: {  	v8 =	vld [tilespmem:$0x1260]  }
0x194: {  	v10 =	vld [tilespmem:$0x1370]  }
0x195: {  	v13 =	vld [tilespmem:$0x1480]  }
0x196: {  	[tilespmem:$0x1FEE0] =	vst v61;
	v61 =	vld [tilespmem:$0x1600]  }
0x197: {  	v17 =	vld [tilespmem:$0x1590]  }
0x198: {  	v27 =	vld [tilespmem:$0x16A0]  }
0x199: {  	v33 =	vld [tilespmem:$0x17B0]  }
0x19a: {  	v38 =	vld [tilespmem:$0x18C0]  }
0x19b: {  	[tilespmem:$0x1FEF0] =	vst v61;
	v61 =	vld [tilespmem:$0x1710]  }
0x19c: {  	v18 =	vld [tilespmem:$0x1BF0]  }
0x19d: {  	v60 =	vld [tilespmem:$0x1D00]  }
0x19e: {  	v26 =	vld [tilespmem:$0x1F20]  }
0x19f: {  	v21 =	vadd.s32 v23, v21;
	v31 =	vld [tilespmem:$0x2030]  }
0x1a0: {  	v21 =	vadd.s32 v24, v21;
	[tilespmem:$0x1FF00] =	vst v61;
	v61 =	vld [tilespmem:$0x1820]  }
0x1a1: {  	v29 =	vadd.s32 v29, v21;
	v21 =	vld [tilespmem:$0x1F770]  }
0x1a2: {  	v3 =	vadd.s32 v5, v3;
	v5 =	vadd.s32 v34, v29;
	v29 =	vld [tilespmem:$0x1F7A0]  }
0x1a3: {  	v34 =	vld [tilespmem:$0x1F7B0]  }
0x1a4: {  	[tilespmem:$0x1F820] =	vst v42;
	v42 =	vld [tilespmem:$0x19D0]  }
0x1a5: {  	[tilespmem:$0x1FF10] =	vst v61;
	v61 =	vld [tilespmem:$0x1930]  }
0x1a6: {  	[tilespmem:$0x1F920] =	vst v58;
	v58 =	vld [tilespmem:$0x1AE0];
	v3 =	vadd.s32 v7, v3  }
0x1a7: {  	v5 =	vadd.s32 v49, v5;
	v3 =	vadd.s32 v9, v3;
	v9 =	vld [tilespmem:$0x1E80]  }
0x1a8: {  	v5 =	vadd.s32 v40, v5;
	v40 =	vld [tilespmem:$0x1F7C0]  }
0x1a9: {  	v4 =	vadd.s32 v6, v4;
	v5 =	vadd.s32 v47, v5;
	v47 =	vld [tilespmem:$0x1F7E0]  }
0x1aa: {  	v4 =	vadd.s32 v8, v4;
	[tilespmem:$0x1FF20] =	vst v61;
	v61 =	vld [tilespmem:$0x1A40]  }
0x1ab: {  	v3 =	vadd.s32 v11, v3;
	v4 =	vadd.s32 v10, v4;
	v10 =	vld [tilespmem:$0x1F810]  }
0x1ac: {  	v3 =	vadd.s32 v12, v3;
	v5 =	vadd.s32 v54, v5;
	v54 =	vld [tilespmem:$0x1F7F0]  }
0x1ad: {  	v4 =	vadd.s32 v13, v4;
	v13 =	vld [tilespmem:$0x1F820];
	v3 =	vadd.s32 v14, v3  }
0x1ae: {  	v3 =	vadd.s32 v15, v3;
	v15 =	vld [tilespmem:$0x1F760]  }
0x1af: {  	v3 =	vadd.s32 v25, v3;
	[tilespmem:$0x1FF30] =	vst v61;
	v61 =	vld [tilespmem:$0x1B50]  }
0x1b0: {  	v25 =	vld [tilespmem:$0x1F780];
	v3 =	vadd.s32 v28, v3  }
0x1b1: {  	v28 =	vld [tilespmem:$0x1F790];
	v3 =	vadd.s32 v32, v3  }
0x1b2: {  	v3 =	vadd.s32 v36, v3;
	v36 =	vadd.s32 v48, v46;
	v46 =	vld [tilespmem:$0x1C70]  }
0x1b3: {  	v48 =	vld [tilespmem:$0x1D80]  }
0x1b4: {  	v5 =	vadd.s32 v63, v5;
	v3 =	vadd.s32 v39, v3;
	[tilespmem:$0x1FF40] =	vst v61;
	v61 =	vld [tilespmem:$0x1D70]  }
0x1b5: {  	[tilespmem:$0x1F840] =	vst v43;
	v5 =	vadd.s32 v15, v5;
	v39 =	vadd.s32 v19, v16;
	v19 =	vld [tilespmem:$0x1F830];
	v3 =	vadd.s32 v45, v3  }
0x1b6: {  	[tilespmem:$0x1F860] =	vst v44;
	v5 =	vadd.s32 v21, v5;
	v45 =	vld [tilespmem:$0x1F7D0];
	v3 =	vadd.s32 v55, v3  }
0x1b7: {  	[tilespmem:$0x1F8D0] =	vst v18;
	v5 =	vadd.s32 v25, v5;
	v25 =	vld [tilespmem:$0x1F850];
	v3 =	vadd.s32 v62, v3  }
0x1b8: {  	v5 =	vadd.s32 v28, v5;
	v28 =	vld [tilespmem:$0x1F870];
	[tilespmem:$0x1FFF0] =	vst v3  }
0x1b9: {  	v62 =	vadd.s32 v17, v4;
	v5 =	vadd.s32 v29, v5;
	v3 =	vadd.s32 v56, v36;
	[tilespmem:$0x1FF60] =	vst v61;
	v61 =	vld [tilespmem:$0x1F800]  }
0x1ba: {  	[tilespmem:$0x1FF80] =	vst v9;
	v9 =	vadd.s32 v27, v62;
	v27 =	vld [tilespmem:$0x1F860];
	v5 =	vadd.s32 v34, v5;
	v3 =	vadd.s32 v40, v3  }
0x1bb: {  	v9 =	vadd.s32 v33, v9;
	[tilespmem:$0x1FFE0] =	vst v5;
	v5 =	vadd.s32 v22, v39;
	v3 =	vadd.s32 v45, v3;
	v22 =	vld [tilespmem:$0x1F840]  }
0x1bc: {  	v9 =	vadd.s32 v38, v9;
	v38 =	vld [tilespmem:$0x1F8D0];
	v3 =	vadd.s32 v47, v3  }
0x1bd: {  	v39 =	vld [tilespmem:$0x1F8E0];
	v3 =	vadd.s32 v54, v3  }
0x1be: {  	v5 =	vadd.s32 v30, v5;
	v30 =	vld [tilespmem:$0x1F890];
	v3 =	vadd.s32 v61, v3  }
0x1bf: {  	v5 =	vadd.s32 v35, v5;
	v35 =	vld [tilespmem:$0x1F8B0];
	v3 =	vadd.s32 v10, v3  }
0x1c0: {  	[tilespmem:$0x1F900] =	vst v60;
	v45 =	vld [tilespmem:$0x1F910];
	v3 =	vadd.s32 v19, v3  }
0x1c1: {  	[tilespmem:$0x1F880] =	vst v50;
	v55 =	vadd.s32 v41, v5;
	v41 =	vld [tilespmem:$0x1F900];
	v3 =	vadd.s32 v25, v3  }
0x1c2: {  	[tilespmem:$0x1F8A0] =	vst v51;
	v29 =	vld [tilespmem:$0x1F880];
	v3 =	vadd.s32 v28, v3  }
0x1c3: {  	[tilespmem:$0x1F8C0] =	vst v52;
	v33 =	vld [tilespmem:$0x1F8A0];
	v9 =	vadd.s32 v42, v9;
	v8 =	vadd.s32 v57, v55;
	v3 =	vadd.s32 v30, v3  }
0x1c4: {  	[tilespmem:$0x1F8F0] =	vst v53;
	v36 =	vld [tilespmem:$0x1F8C0];
	v9 =	vadd.s32 v58, v9;
	v17 =	vadd.s32 v13, v8;
	v3 =	vadd.s32 v35, v3  }
0x1c5: {  	v40 =	vld [tilespmem:$0x1F8F0];
	v9 =	vadd.s32 v38, v9;
	v10 =	vadd.s32 v22, v17;
	v3 =	vadd.s32 v39, v3  }
0x1c6: {  	[tilespmem:$0x1F940] =	vst v59;
	v42 =	vadd.s32 v41, v9;
	v10 =	vadd.s32 v27, v10;
	v9 =	vadd.s32 v45, v3;
	v3 =	vld [tilespmem:$0x1F920]  }
0x1c7: {  	[tilespmem:$0x1FF90] =	vst v48;
	v48 =	vld [tilespmem:$0x1F940];
	v10 =	vadd.s32 v29, v10  }
0x1c8: {  	v37 =	vld [tilespmem:$0x1050];
	v10 =	vadd.s32 v33, v10  }
0x1c9: {  	v43 =	vld [tilespmem:$0x1160];
	v10 =	vadd.s32 v36, v10  }
0x1ca: {  	[tilespmem:$0x1F950] =	vst v26;
	v44 =	vld [tilespmem:$0x1270];
	v10 =	vadd.s32 v40, v10  }
0x1cb: {  	[tilespmem:$0x1FF70] =	vst v46;
	v46 =	vld [tilespmem:$0x1F930];
	v3 =	vadd.s32 v3, v10  }
0x1cc: {  	[tilespmem:$0x1F980] =	vst v31;
	v13 =	vadd.s32 v48, v3;
	v3 =	vld [tilespmem:$0x1F950]  }
0x1cd: {  	v57 =	vld [tilespmem:$0x1F980]  }
0x1ce: {  	v50 =	vld [tilespmem:$0x1380]  }
0x1cf: {  	[tilespmem:$0x1F960] =	vst v37;
	v56 =	vld [tilespmem:$0x1E90]  }
0x1d0: {  	[tilespmem:$0x1F970] =	vst v43;
	v54 =	vld [tilespmem:$0x1F960];
	v47 =	vadd.s32 v46, v42  }
0x1d1: {  	[tilespmem:$0x1F990] =	vst v44;
	v55 =	vld [tilespmem:$0x1F970];
	v3 =	vadd.s32 v3, v47  }
0x1d2: {  	v6 =	vadd.s32 v57, v3;
	v3 =	vld [tilespmem:$0x1F990];
	_ =	sdelay $0x2  }
0x1d3: {  	[tilespmem:$0x1F9A0] =	vst v50  }
0x1d4: {  	v51 =	vld [tilespmem:$0x1490];
	[tilespmem:$0x1FFB0] =	vst v56;
	v56 =	vadd.s32 v54, v55  }
0x1d5: {  	v10 =	vadd.s32 v3, v56;
	v3 =	vld [tilespmem:$0x1F9A0]  }
0x1d6: {  	v53 =	vld [tilespmem:$0x16B0]  }
0x1d7: {  	v50 =	vld [tilespmem:$0x2040]  }
0x1d8: {  	v43 =	vld [tilespmem:$0x1E20]  }
0x1d9: {  	[tilespmem:$0x1F9B0] =	vst v51;
	v51 =	vld [tilespmem:$0x1390]  }
0x1da: {  	v10 =	vadd.s32 v3, v10;
	v3 =	vld [tilespmem:$0x1F9B0]  }
0x1db: {  	v52 =	vld [tilespmem:$0x15A0];
	[tilespmem:$0x1F9F0] =	vst v53  }
0x1dc: {  	[tilespmem:$0x1FB70] =	vst v50;
	v50 =	vld [tilespmem:$0x1060]  }
0x1dd: {  	[tilespmem:$0x1FB10] =	vst v43;
	v43 =	vld [tilespmem:$0x1170]  }
0x1de: {  	v53 =	vld [tilespmem:$0x1280];
	[tilespmem:$0x1F9C0] =	vst v51  }
0x1df: {  	v10 =	vadd.s32 v3, v10;
	v3 =	vld [tilespmem:$0x1F9C0];
	_ =	sdelay $0x2  }
0x1e0: {  	v58 =	vadd.s32 v50, v43  }
0x1e1: {  	[tilespmem:$0x1F9D0] =	vst v52;
	v52 =	vld [tilespmem:$0x14A0];
	v19 =	vadd.s32 v53, v58  }
0x1e2: {  	v19 =	vadd.s32 v3, v19;
	v3 =	vld [tilespmem:$0x1F9D0];
	_ =	sdelay $0x3  }
0x1e3: {  	v59 =	vld [tilespmem:$0x17C0];
	[tilespmem:$0x1F9E0] =	vst v52  }
0x1e4: {  	v10 =	vadd.s32 v3, v10;
	v3 =	vld [tilespmem:$0x1F9E0];
	_ =	sdelay $0x3  }
0x1e5: {  	[tilespmem:$0x1FA10] =	vst v59;
	v59 =	vld [tilespmem:$0x15B0]  }
0x1e6: {  	v19 =	vadd.s32 v3, v19;
	v3 =	vld [tilespmem:$0x1F9F0];
	_ =	sdelay $0x3  }
0x1e7: {  	v60 =	vld [tilespmem:$0x18D0];
	[tilespmem:$0x1FA00] =	vst v59  }
0x1e8: {  	v10 =	vadd.s32 v3, v10;
	v3 =	vld [tilespmem:$0x1FA00];
	_ =	sdelay $0x3  }
0x1e9: {  	[tilespmem:$0x1FA30] =	vst v60;
	v60 =	vld [tilespmem:$0x16C0]  }
0x1ea: {  	v19 =	vadd.s32 v3, v19;
	v3 =	vld [tilespmem:$0x1FA10];
	_ =	sdelay $0x3  }
0x1eb: {  	[tilespmem:$0x1FA20] =	vst v60  }
0x1ec: {  	v10 =	vadd.s32 v3, v10;
	v3 =	vld [tilespmem:$0x1FA20];
	_ =	sdelay $0x2  }
0x1ed: {  	v20 =	vld [tilespmem:$0x1070]  }
0x1ee: {  	v26 =	vld [tilespmem:$0x1AF0]  }
0x1ef: {  	v19 =	vadd.s32 v3, v19;
	v3 =	vld [tilespmem:$0x1FA30]  }
0x1f0: {  	v31 =	vld [tilespmem:$0x1C00]  }
0x1f1: {  	v37 =	vld [tilespmem:$0x1D10]  }
0x1f2: {  	v18 =	vld [tilespmem:$0x1180]  }
0x1f3: {  	v44 =	vld [tilespmem:$0x1F30]  }
0x1f4: {  	v10 =	vadd.s32 v3, v10;
	v3 =	vld [tilespmem:$0x1FA40]  }
0x1f5: {  	[tilespmem:$0x1FA80] =	vst v26;
	v26 =	vld [tilespmem:$0x18E0]  }
0x1f6: {  	[tilespmem:$0x1FAB0] =	vst v31;
	v31 =	vld [tilespmem:$0x19F0]  }
0x1f7: {  	[tilespmem:$0x1FAE0] =	vst v37;
	v37 =	vld [tilespmem:$0x1B00]  }
0x1f8: {  	v51 =	vld [tilespmem:$0x1D20]  }
0x1f9: {  	v19 =	vadd.s32 v3, v19;
	v3 =	vld [tilespmem:$0x1FA50]  }
0x1fa: {  	[tilespmem:$0x1FB40] =	vst v44;
	v44 =	vld [tilespmem:$0x1C10]  }
0x1fb: {  	v60 =	vld [tilespmem:$0x2050]  }
0x1fc: {  	[tilespmem:$0x1FA60] =	vst v26;
	v26 =	vld [tilespmem:$0x1290]  }
0x1fd: {  	[tilespmem:$0x1FB20] =	vst v51;
	v51 =	vld [tilespmem:$0x17E0]  }
0x1fe: {  	[tilespmem:$0x1FA90] =	vst v31;
	v10 =	vadd.s32 v3, v10;
	v3 =	vld [tilespmem:$0x1FA60]  }
0x1ff: {  	[tilespmem:$0x1FAC0] =	vst v37;
	v31 =	vld [tilespmem:$0x13A0]  }
0x200: {  	v37 =	vld [tilespmem:$0x14B0];
	[tilespmem:$0x1FAF0] =	vst v44  }
0x201: {  	[tilespmem:$0x1FBA0] =	vst v60;
	v44 =	vld [tilespmem:$0x15C0]  }
0x202: {  	v18 =	vadd.s32 v20, v18;
	v60 =	vld [tilespmem:$0x16D0];
	[tilespmem:$0x1FA70] =	vst v51  }
0x203: {  	v18 =	vadd.s32 v26, v18;
	v19 =	vadd.s32 v3, v19;
	v3 =	vld [tilespmem:$0x1FA70]  }
0x204: {  	v18 =	vadd.s32 v31, v18  }
0x205: {  	v18 =	vadd.s32 v37, v18  }
0x206: {  	v18 =	vadd.s32 v44, v18  }
0x207: {  	v18 =	vadd.s32 v60, v18  }
0x208: {  	v18 =	vadd.s32 v3, v18;
	v3 =	vld [tilespmem:$0x1FA80];
	_ =	sdelay $0x4  }
0x209: {  	v10 =	vadd.s32 v3, v10;
	v3 =	vld [tilespmem:$0x1FA90];
	_ =	sdelay $0x4  }
0x20a: {  	v19 =	vadd.s32 v3, v19;
	v3 =	vld [tilespmem:$0x1FAA0];
	_ =	sdelay $0x3  }
0x20b: {  	v59 =	vld [tilespmem:$0x1F40]  }
0x20c: {  	v18 =	vadd.s32 v3, v18;
	v3 =	vld [tilespmem:$0x1FAB0];
	_ =	sdelay $0x3  }
0x20d: {  	[tilespmem:$0x1FB80] =	vst v59;
	v59 =	vld [tilespmem:$0x1A00]  }
0x20e: {  	v10 =	vadd.s32 v3, v10;
	v3 =	vld [tilespmem:$0x1FAC0];
	_ =	sdelay $0x3  }
0x20f: {  	[tilespmem:$0x1FAD0] =	vst v59  }
0x210: {  	v19 =	vadd.s32 v3, v19;
	v3 =	vld [tilespmem:$0x1FAD0];
	_ =	sdelay $0x4  }
0x211: {  	v18 =	vadd.s32 v3, v18;
	v3 =	vld [tilespmem:$0x1FAE0];
	_ =	sdelay $0x4  }
0x212: {  	v10 =	vadd.s32 v3, v10;
	v3 =	vld [tilespmem:$0x1FAF0];
	_ =	sdelay $0x4  }
0x213: {  	v19 =	vadd.s32 v3, v19;
	v3 =	vld [tilespmem:$0x1FB00];
	_ =	sdelay $0x4  }
0x214: {  	v18 =	vadd.s32 v3, v18;
	v3 =	vld [tilespmem:$0x1FB10];
	_ =	sdelay $0x3  }
0x215: {  	v59 =	vld [tilespmem:$0x1C20]  }
0x216: {  	v10 =	vadd.s32 v3, v10;
	v3 =	vld [tilespmem:$0x1FB20];
	_ =	sdelay $0x3  }
0x217: {  	[tilespmem:$0x1FB30] =	vst v59  }
0x218: {  	v19 =	vadd.s32 v3, v19;
	v3 =	vld [tilespmem:$0x1FB30];
	_ =	sdelay $0x2  }
0x219: {  	v59 =	vld [tilespmem:$0x1E40]  }
0x21a: {  	v52 =	vld [tilespmem:$0x1E30]  }
0x21b: {  	v18 =	vadd.s32 v3, v18;
	v3 =	vld [tilespmem:$0x1FB40];
	_ =	sdelay $0x2  }
0x21c: {  	[tilespmem:$0x1FB90] =	vst v59;
	v59 =	vld [tilespmem:$0x2060]  }
0x21d: {  	[tilespmem:$0x1FB50] =	vst v52  }
0x21e: {  	v10 =	vadd.s32 v3, v10;
	v3 =	vld [tilespmem:$0x1FB50];
	_ =	sdelay $0x2  }
0x21f: {  	[tilespmem:$0x1FBE0] =	vst v59;
	v59 =	vld [tilespmem:$0x1190];
	_ =	sdelay $0x1  }
0x220: {  	v60 =	vadd.s32 v3, v19;
	v3 =	vld [tilespmem:$0x1FB60];
	_ =	sdelay $0x2  }
0x221: {  	[tilespmem:$0x1FBD0] =	vst v59;
	v59 =	vld [tilespmem:$0x13B0];
	_ =	sdelay $0x1  }
0x222: {  	v18 =	vadd.s32 v3, v18;
	v3 =	vld [tilespmem:$0x1FB70];
	_ =	sdelay $0x2  }
0x223: {  	[tilespmem:$0x1FC20] =	vst v59;
	v59 =	vld [tilespmem:$0x15D0];
	_ =	sdelay $0x1  }
0x224: {  	v19 =	vadd.s32 v3, v10;
	v3 =	vld [tilespmem:$0x1FB80];
	_ =	sdelay $0x2  }
0x225: {  	[tilespmem:$0x1FC60] =	vst v59;
	v59 =	vld [tilespmem:$0x17F0];
	_ =	sdelay $0x1  }
0x226: {  	v61 =	vadd.s32 v3, v60;
	v3 =	vld [tilespmem:$0x1FB90];
	_ =	sdelay $0x2  }
0x227: {  	[tilespmem:$0x1FCC0] =	vst v59;
	v59 =	vld [tilespmem:$0x1A10];
	_ =	sdelay $0x1  }
0x228: {  	v62 =	vadd.s32 v3, v18;
	v3 =	vld [tilespmem:$0x1FBA0];
	_ =	sdelay $0x2  }
0x229: {  	[tilespmem:$0x1FD20] =	vst v59;
	v59 =	vld [tilespmem:$0x1C30]  }
0x22a: {  	v63 =	vld [tilespmem:$0x1FA0]  }
0x22b: {  	v18 =	vadd.s32 v3, v61;
	v3 =	vld [tilespmem:$0x1FBB0];
	_ =	sdelay $0x2  }
0x22c: {  	[tilespmem:$0x1FD80] =	vst v59;
	v59 =	vld [tilespmem:$0x1E50]  }
0x22d: {  	v44 =	vld [tilespmem:$0x1FBD0]  }
0x22e: {  	[tilespmem:$0x1FFD0] =	vst v63;
	v63 =	vadd.s32 v3, v62;
	v3 =	vld [tilespmem:$0x1FBC0];
	_ =	sdelay $0x2  }
0x22f: {  	[tilespmem:$0x1FDE0] =	vst v59;
	v59 =	vld [tilespmem:$0x2070];
	_ =	sdelay $0x1  }
0x230: {  	v45 =	vadd.s32 v3, v44;
	v3 =	vld [tilespmem:$0x1FBE0];
	_ =	sdelay $0x2  }
0x231: {  	[tilespmem:$0x1FE40] =	vst v59;
	v59 =	vld [tilespmem:$0x11A0];
	_ =	sdelay $0x1  }
0x232: {  	v10 =	vadd.s32 v3, v63;
	v3 =	vld [tilespmem:$0x1FBF0];
	_ =	sdelay $0x2  }
0x233: {  	[tilespmem:$0x1FC10] =	vst v59;
	v59 =	vld [tilespmem:$0x13C0]  }
0x234: {  	v46 =	vld [tilespmem:$0x1FC10]  }
0x235: {  	v40 =	vadd.s32 v3, v45;
	v3 =	vld [tilespmem:$0x1FC00];
	_ =	sdelay $0x3  }
0x236: {  	[tilespmem:$0x1FC50] =	vst v59;
	v59 =	vld [tilespmem:$0x15E0]  }
0x237: {  	v47 =	vadd.s32 v3, v46;
	v3 =	vld [tilespmem:$0x1FC20];
	_ =	sdelay $0x3  }
0x238: {  	[tilespmem:$0x1FCA0] =	vst v59;
	v59 =	vld [tilespmem:$0x1800]  }
0x239: {  	v40 =	vadd.s32 v3, v40;
	v3 =	vld [tilespmem:$0x1FC30];
	_ =	sdelay $0x3  }
0x23a: {  	[tilespmem:$0x1FD00] =	vst v59;
	v59 =	vld [tilespmem:$0x1A20]  }
0x23b: {  	v41 =	vadd.s32 v3, v47;
	v3 =	vld [tilespmem:$0x1FC40];
	_ =	sdelay $0x3  }
0x23c: {  	[tilespmem:$0x1FD60] =	vst v59;
	v59 =	vld [tilespmem:$0x1C40]  }
0x23d: {  	v40 =	vadd.s32 v3, v40;
	v3 =	vld [tilespmem:$0x1FC50];
	_ =	sdelay $0x3  }
0x23e: {  	[tilespmem:$0x1FDC0] =	vst v59;
	v59 =	vld [tilespmem:$0x1E60]  }
0x23f: {  	v41 =	vadd.s32 v3, v41;
	v3 =	vld [tilespmem:$0x1FC60];
	_ =	sdelay $0x3  }
0x240: {  	[tilespmem:$0x1FE20] =	vst v59;
	v59 =	vld [tilespmem:$0x2080]  }
0x241: {  	v40 =	vadd.s32 v3, v40;
	v3 =	vld [tilespmem:$0x1FC70];
	_ =	sdelay $0x1  }
0x242: {  	v52 =	vld [tilespmem:$0x11B0]  }
0x243: {  	v51 =	vld [tilespmem:$0x10A0]  }
0x244: {  	[tilespmem:$0x1FE70] =	vst v59;
	v59 =	vld [tilespmem:$0x12C0]  }
0x245: {  	v41 =	vadd.s32 v3, v41;
	v3 =	vld [tilespmem:$0x1FC80];
	_ =	sdelay $0x2  }
0x246: {  	v60 =	vadd.s32 v51, v52  }
0x247: {  	v42 =	vadd.s32 v59, v60  }
0x248: {  	v42 =	vadd.s32 v3, v42;
	v3 =	vld [tilespmem:$0x1FC90];
	_ =	sdelay $0x4  }
0x249: {  	v40 =	vadd.s32 v3, v40;
	v3 =	vld [tilespmem:$0x1FCA0];
	_ =	sdelay $0x4  }
0x24a: {  	v41 =	vadd.s32 v3, v41;
	v3 =	vld [tilespmem:$0x1FCB0];
	_ =	sdelay $0x4  }
0x24b: {  	v42 =	vadd.s32 v3, v42;
	v3 =	vld [tilespmem:$0x1FCC0];
	_ =	sdelay $0x4  }
0x24c: {  	v40 =	vadd.s32 v3, v40;
	v3 =	vld [tilespmem:$0x1FCD0];
	_ =	sdelay $0x4  }
0x24d: {  	v41 =	vadd.s32 v3, v41;
	v3 =	vld [tilespmem:$0x1FCE0];
	_ =	sdelay $0x4  }
0x24e: {  	v42 =	vadd.s32 v3, v42;
	v3 =	vld [tilespmem:$0x1FCF0];
	_ =	sdelay $0x4  }
0x24f: {  	v61 =	vadd.s32 v3, v40;
	v3 =	vld [tilespmem:$0x1FD00];
	_ =	sdelay $0x4  }
0x250: {  	v41 =	vadd.s32 v3, v41;
	v3 =	vld [tilespmem:$0x1FD10];
	_ =	sdelay $0x4  }
0x251: {  	v42 =	vadd.s32 v3, v42;
	v3 =	vld [tilespmem:$0x1FD20];
	_ =	sdelay $0x4  }
0x252: {  	v51 =	vadd.s32 v3, v61;
	v3 =	vld [tilespmem:$0x1FD30];
	_ =	sdelay $0x4  }
0x253: {  	v62 =	vadd.s32 v3, v41;
	v3 =	vld [tilespmem:$0x1FD40];
	_ =	sdelay $0x4  }
0x254: {  	v42 =	vadd.s32 v3, v42;
	v3 =	vld [tilespmem:$0x1FD50];
	_ =	sdelay $0x4  }
0x255: {  	v51 =	vadd.s32 v3, v51;
	v3 =	vld [tilespmem:$0x1FD60];
	_ =	sdelay $0x4  }
0x256: {  	v52 =	vadd.s32 v3, v62;
	v3 =	vld [tilespmem:$0x1FD70];
	_ =	sdelay $0x4  }
0x257: {  	v63 =	vadd.s32 v3, v42;
	v3 =	vld [tilespmem:$0x1FD80];
	_ =	sdelay $0x4  }
0x258: {  	v51 =	vadd.s32 v3, v51;
	v3 =	vld [tilespmem:$0x1FD90];
	_ =	sdelay $0x4  }
0x259: {  	v52 =	vadd.s32 v3, v52;
	v3 =	vld [tilespmem:$0x1FDA0];
	_ =	sdelay $0x4  }
0x25a: {  	v59 =	vadd.s32 v3, v63;
	v3 =	vld [tilespmem:$0x1FDB0]  }
0x25b: {  	v24 =	vld [tilespmem:$0x1C60];
	_ =	sdelay $0x1  }
0x25c: {  	v23 =	vld [tilespmem:$0x11D0]  }
0x25d: {  	v49 =	vld [tilespmem:$0x10C0]  }
0x25e: {  	v51 =	vadd.s32 v3, v51;
	v3 =	vld [tilespmem:$0x1FDC0]  }
0x25f: {  	[tilespmem:$0x1FF50] =	vst v24;
	v24 =	vld [tilespmem:$0x13F0]  }
0x260: {  	v11 =	vld [tilespmem:$0x1F90]  }
0x261: {  	v12 =	vld [tilespmem:$0x20A0]  }
0x262: {  	v14 =	vld [tilespmem:$0x1720]  }
0x263: {  	v52 =	vadd.s32 v3, v52;
	v3 =	vld [tilespmem:$0x1FDD0]  }
0x264: {  	v20 =	vld [tilespmem:$0x1A60]  }
0x265: {  	v23 =	vadd.s32 v49, v23;
	v49 =	vld [tilespmem:$0x1750]  }
0x266: {  	[tilespmem:$0x1FFA0] =	vst v11;
	v11 =	vld [tilespmem:$0x1B60]  }
0x267: {  	[tilespmem:$0x1FFC0] =	vst v12;
	v12 =	vld [tilespmem:$0x12E0]  }
0x268: {  	v59 =	vadd.s32 v3, v59;
	v3 =	vld [tilespmem:$0x1FDE0]  }
0x269: {  	v32 =	vld [tilespmem:$0x1500]  }
0x26a: {  	v15 =	vld [tilespmem:$0x1830]  }
0x26b: {  	v16 =	vld [tilespmem:$0x1A50]  }
0x26c: {  	v21 =	vld [tilespmem:$0x1610]  }
0x26d: {  	v51 =	vadd.s32 v3, v51;
	v3 =	vld [tilespmem:$0x1FDF0]  }
0x26e: {  	v4 =	vld [tilespmem:$0x1530]  }
0x26f: {  	v12 =	vadd.s32 v12, v23;
	v23 =	vld [tilespmem:$0x1970]  }
0x270: {  	v12 =	vadd.s32 v24, v12;
	v24 =	vld [tilespmem:$0x1A80]  }
0x271: {  	v34 =	vld [tilespmem:$0x1940]  }
0x272: {  	v52 =	vadd.s32 v3, v52;
	v3 =	vld [tilespmem:$0x1FE00]  }
0x273: {  	v26 =	vld [tilespmem:$0x1B70]  }
0x274: {  	v12 =	vadd.s32 v32, v12;
	v31 =	vld [tilespmem:$0x1C80]  }
0x275: {  	v12 =	vadd.s32 v21, v12;
	v21 =	vld [tilespmem:$0x1B90]  }
0x276: {  	v37 =	vld [tilespmem:$0x1EA0]  }
0x277: {  	v59 =	vadd.s32 v3, v59;
	v3 =	vld [tilespmem:$0x1FE10]  }
0x278: {  	v50 =	vld [tilespmem:$0x1850]  }
0x279: {  	v12 =	vadd.s32 v14, v12;
	v43 =	vld [tilespmem:$0x1DA0]  }
0x27a: {  	v12 =	vadd.s32 v15, v12;
	v15 =	vld [tilespmem:$0x1DB0]  }
0x27b: {  	v12 =	vadd.s32 v34, v12;
	v34 =	vld [tilespmem:$0x1FF50]  }
0x27c: {  	v51 =	vadd.s32 v3, v51;
	v3 =	vld [tilespmem:$0x1FE20]  }
0x27d: {  	v8 =	vld [tilespmem:$0x20B0]  }
0x27e: {  	v38 =	vld [tilespmem:$0x1FB0]  }
0x27f: {  	v12 =	vadd.s32 v16, v12;
	v16 =	vld [tilespmem:$0x1FD0]  }
0x280: {  	v11 =	vadd.s32 v11, v12;
	v12 =	vld [tilespmem:$0x1100]  }
0x281: {  	v52 =	vadd.s32 v3, v52;
	v3 =	vld [tilespmem:$0x1FE30]  }
0x282: {  	v55 =	vld [tilespmem:$0x1520]  }
0x283: {  	v54 =	vld [tilespmem:$0x1630]  }
0x284: {  	v7 =	vld [tilespmem:$0x1FEB0]  }
0x285: {  	v5 =	vld [tilespmem:$0x1FEA0]  }
0x286: {  	v59 =	vadd.s32 v3, v59;
	v3 =	vld [tilespmem:$0x1FE40]  }
0x287: {  	v32 =	vld [tilespmem:$0x1FF00]  }
0x288: {  	v17 =	vld [tilespmem:$0x10D0]  }
0x289: {  	v22 =	vld [tilespmem:$0x11E0]  }
0x28a: {  	v27 =	vld [tilespmem:$0x1400]  }
0x28b: {  	v51 =	vadd.s32 v3, v51;
	v3 =	vld [tilespmem:$0x1FE50]  }
0x28c: {  	v58 =	vld [tilespmem:$0x1410]  }
0x28d: {  	v53 =	vld [tilespmem:$0x1740]  }
0x28e: {  	v25 =	vld [tilespmem:$0x12F0]  }
0x28f: {  	v29 =	vld [tilespmem:$0x1620]  }
0x290: {  	v52 =	vadd.s32 v3, v52;
	v3 =	vld [tilespmem:$0x1FE60]  }
0x291: {  	v28 =	vld [tilespmem:$0x1510]  }
0x292: {  	v33 =	vld [tilespmem:$0x1840]  }
0x293: {  	v30 =	vld [tilespmem:$0x1730]  }
0x294: {  	v36 =	vld [tilespmem:$0x1D90]  }
0x295: {  	v59 =	vadd.s32 v3, v59;
	v3 =	vld [tilespmem:$0x1FE70]  }
0x296: {  	v35 =	vld [tilespmem:$0x1950]  }
0x297: {  	v17 =	vadd.s32 v17, v22;
	v22 =	vld [tilespmem:$0x1860]  }
0x298: {  	v39 =	vld [tilespmem:$0x20C0]  }
0x299: {  	v17 =	vadd.s32 v25, v17;
	v25 =	vld [tilespmem:$0x1EC0]  }
0x29a: {  	v17 =	vadd.s32 v27, v17;
	v52 =	vadd.s32 v3, v52;
	v3 =	vld [tilespmem:$0x1FE80]  }
0x29b: {  	v27 =	vld [tilespmem:$0x1FF60];
	v17 =	vadd.s32 v28, v17  }
0x29c: {  	v28 =	vadd.s32 v29, v17;
	v17 =	vld [tilespmem:$0x1CA0]  }
0x29d: {  	v29 =	vld [tilespmem:$0x1FF20]  }
0x29e: {  	v48 =	vld [tilespmem:$0x10E0]  }
0x29f: {  	v59 =	vadd.s32 v3, v59;
	v3 =	vld [tilespmem:$0x1FE90]  }
0x2a0: {  	v59 =	vadd.s32 v7, v59;
	v7 =	vld [tilespmem:$0x1FEC0]  }
0x2a1: {  	v56 =	vld [tilespmem:$0x11F0]  }
0x2a2: {  	v14 =	vadd.s32 v30, v28;
	v28 =	vld [tilespmem:$0x1FF70]  }
0x2a3: {  	v30 =	vld [tilespmem:$0x1FF80]  }
0x2a4: {  	v14 =	vadd.s32 v33, v14;
	v33 =	vld [tilespmem:$0x1FF40];
	v3 =	vadd.s32 v3, v5  }
0x2a5: {  	v3 =	vadd.s32 v7, v3;
	v7 =	vld [tilespmem:$0x1FED0]  }
0x2a6: {  	v14 =	vadd.s32 v35, v14;
	v48 =	vadd.s32 v48, v56;
	v56 =	vld [tilespmem:$0x1FFE0]  }
0x2a7: {  	v35 =	vadd.s32 v20, v14;
	v14 =	vld [tilespmem:$0x20E0]  }
0x2a8: {  	v20 =	vld [tilespmem:$0x1210]  }
0x2a9: {  	v57 =	vld [tilespmem:$0x1300]  }
0x2aa: {  	v3 =	vadd.s32 v7, v3;
	v7 =	vld [tilespmem:$0x1FEE0]  }
0x2ab: {  	[tilespmem:$0x2100] =	vst v56;
	v56 =	vld [tilespmem:$0x1BA0]  }
0x2ac: {  	v60 =	vld [tilespmem:$0x10F0]  }
0x2ad: {  	v44 =	vld [tilespmem:$0x1C90]  }
0x2ae: {  	v45 =	vld [tilespmem:$0x1B80]  }
0x2af: {  	v3 =	vadd.s32 v7, v3;
	v7 =	vld [tilespmem:$0x1FEF0]  }
0x2b0: {  	v46 =	vld [tilespmem:$0x1A70]  }
0x2b1: {  	v61 =	vld [tilespmem:$0x1200]  }
0x2b2: {  	v47 =	vld [tilespmem:$0x1960]  }
0x2b3: {  	v40 =	vld [tilespmem:$0x1EB0]  }
0x2b4: {  	v3 =	vadd.s32 v7, v3;
	v7 =	vld [tilespmem:$0x1FF10]  }
0x2b5: {  	v41 =	vld [tilespmem:$0x1FC0]  }
0x2b6: {  	v61 =	vadd.s32 v60, v61;
	v60 =	vld [tilespmem:$0x1ED0]  }
0x2b7: {  	v3 =	vadd.s32 v32, v3;
	v32 =	vld [tilespmem:$0x1FF30]  }
0x2b8: {  	v62 =	vld [tilespmem:$0x1310]  }
0x2b9: {  	v63 =	vld [tilespmem:$0x1420];
	v3 =	vadd.s32 v7, v3  }
0x2ba: {  	v3 =	vadd.s32 v29, v3;
	v29 =	vadd.s32 v26, v35;
	v26 =	vld [tilespmem:$0x1320]  }
0x2bb: {  	v35 =	vld [tilespmem:$0x1FFC0]  }
0x2bc: {  	v3 =	vadd.s32 v32, v3;
	v32 =	vld [tilespmem:$0x1FF90]  }
0x2bd: {  	v3 =	vadd.s32 v33, v3;
	v33 =	vld [tilespmem:$0x1FFA0]  }
0x2be: {  	v7 =	vadd.s32 v28, v11;
	v11 =	vadd.s32 v31, v29;
	v3 =	vadd.s32 v34, v3;
	v34 =	vld [tilespmem:$0x1FFB0]  }
0x2bf: {  	v11 =	vadd.s32 v36, v11;
	v36 =	vld [tilespmem:$0x1FFD0]  }
0x2c0: {  	v12 =	vadd.s32 v12, v20;
	v5 =	vld [tilespmem:$0x1640];
	v29 =	vadd.s32 v62, v61;
	v11 =	vadd.s32 v37, v11  }
0x2c1: {  	v37 =	vadd.s32 v63, v29;
	v3 =	vadd.s32 v27, v3;
	v27 =	vld [tilespmem:$0x1430];
	v38 =	vadd.s32 v38, v11  }
0x2c2: {  	v28 =	vld [tilespmem:$0x1540];
	v11 =	vadd.s32 v57, v48;
	v3 =	vadd.s32 v30, v3;
	v7 =	vadd.s32 v32, v7  }
0x2c3: {  	v11 =	vadd.s32 v58, v11;
	v3 =	vadd.s32 v33, v3;
	v33 =	vld [tilespmem:$0x1650];
	v7 =	vadd.s32 v34, v7  }
0x2c4: {  	[tilespmem:$0x2120] =	vst v9;
	v12 =	vadd.s32 v26, v12;
	v3 =	vadd.s32 v35, v3;
	v35 =	vld [tilespmem:$0x1760];
	v7 =	vadd.s32 v36, v7  }
0x2c5: {  	[tilespmem:$0x2130] =	vst v13;
	v36 =	vadd.s32 v55, v11;
	v7 =	vadd.s32 v8, v7;
	v8 =	vadd.s32 v39, v38;
	v38 =	vld [tilespmem:$0x1870]  }
0x2c6: {  	[tilespmem:$0x2140] =	vst v6;
	v4 =	vadd.s32 v4, v37;
	v48 =	vld [tilespmem:$0x1980];
	v9 =	vadd.s32 v54, v36;
	v39 =	vadd.s32 v27, v12  }
0x2c7: {  	[tilespmem:$0x2150] =	vst v19;
	v4 =	vadd.s32 v5, v4;
	v55 =	vld [tilespmem:$0x1A90];
	v53 =	vadd.s32 v53, v9;
	v54 =	vadd.s32 v28, v39  }
0x2c8: {  	[tilespmem:$0x2160] =	vst v18;
	v42 =	vld [tilespmem:$0x20D0];
	v4 =	vadd.s32 v49, v4;
	v6 =	vadd.s32 v50, v53;
	v5 =	vadd.s32 v33, v54  }
0x2c9: {  	[tilespmem:$0x2170] =	vst v10;
	v57 =	vld [tilespmem:$0x1CB0];
	v4 =	vadd.s32 v22, v4;
	v6 =	vadd.s32 v47, v6;
	v5 =	vadd.s32 v35, v5  }
0x2ca: {  	[tilespmem:$0x2180] =	vst v51;
	v58 =	vld [tilespmem:$0x1DC0];
	v4 =	vadd.s32 v23, v4;
	v6 =	vadd.s32 v46, v6;
	v5 =	vadd.s32 v38, v5  }
0x2cb: {  	[tilespmem:$0x2190] =	vst v52;
	v34 =	vld [tilespmem:$0x1FFF0];
	v4 =	vadd.s32 v24, v4;
	v6 =	vadd.s32 v45, v6;
	v5 =	vadd.s32 v48, v5  }
0x2cc: {  	[tilespmem:$0x21A0] =	vst v59;
	v61 =	vld [tilespmem:$0x1FE0];
	v4 =	vadd.s32 v21, v4;
	v6 =	vadd.s32 v44, v6;
	v5 =	vadd.s32 v55, v5  }
0x2cd: {  	v62 =	vld [tilespmem:$0x20F0];
	[tilespmem:$0x21B0] =	vst v3;
	v4 =	vadd.s32 v17, v4;
	v6 =	vadd.s32 v43, v6;
	v5 =	vadd.s32 v56, v5  }
0x2ce: {  	[tilespmem:$0x21C0] =	vst v7;
	v4 =	vadd.s32 v15, v4;
	v3 =	vadd.s32 v40, v6;
	v5 =	vadd.s32 v57, v5  }
0x2cf: {  	[tilespmem:$0x21D0] =	vst v8;
	v4 =	vadd.s32 v25, v4;
	v3 =	vadd.s32 v41, v3;
	v5 =	vadd.s32 v58, v5  }
0x2d0: {  	[tilespmem:$0x2110] =	vst v34;
	v4 =	vadd.s32 v16, v4;
	v3 =	vadd.s32 v42, v3;
	v5 =	vadd.s32 v60, v5  }
0x2d1: {  	s11 =	sadd.s32 $0x1, s11;
	[tilespmem:$0x21E0] =	vst v3;
	v3 =	vadd.s32 v14, v4;
	v63 =	vadd.s32 v61, v5  }
0x2d2: {  	p0 =	sne.s32 s11, s5;
	[tilespmem:$0x21F0] =	vst v3;
	v3 =	vadd.s32 v62, v63  }
.Ltmp1:
0x2d3: {  	[tilespmem:$0x2200] =	vst v3;
	(pc) =	sbr.rel @p0 .LBB2_1-.Ltmp1, $4  }
0x2d4: {  	[hbm4b:s4+s8] =	stream.strided.scatter [tilespmem:s10], [sflag:$0x1], $0x180, s9, s8, $0x38;
	[tilespmem:$0x2280] =	vst v63  }
0x2d5: {  	_ =	swait.ge [sflag:s6], $0x180  }
0x2d6: {  	[sflag:s6] =	ssyncset.done $0x0  }
0x2d7: {  	[sflag:s6] =	ssyncadd.s32 $0xFFFFFE80  }
0x2d8: {  	_ =	sfence.sel $0x180000  }
0x2d9: {  	[bflag:$0x0] =	sbarrier.arrive $0xFFFF  }
0x2da: {  	p0 =	sne.s32 s0, $0x0;
	_ =	strace $0x90000047  }
0x2db: {  	s0 =	sadd.s32 @!p0 $0x100000, s1;
	[bflag:$0x2] =	sbarrier.arrive $0xFFFF  }
0x2dc: {  	[sflag:s0] =	ssyncadd.tile.s32 @!p0 $0x1;
	_ =	shalt  }
.Lfunc_end2:
_tile_overlayer_lowered:
.L_overlay_start_2:
0x2dd: {  	(tag) =	ssettag $0x2  }
0x2de: {  	s0 =	rddreg [dreg:$0x0];
	s2 =	stileid.u32  }
0x2df: {  	s1 =	rddreg [dreg:$0x1];
	p0 =	sne.s32 s2, $0x0  }
0x2e0: {  	s3 =	rddreg [dreg:$0x2];
	[bflag:$0x3] =	sbarrier.arrive $0xFFFF;
	s2 =	simm.s32 @!p0 $0x1C01  }
0x2e1: {  	[timem:s3], [sflag:s2] =	dma.local @!p0 [hbm:s0], s1  }
0x2e2: {  	s0 =	simm.s32 @!p0 $0x1  }
0x2e3: {  	_ =	swait.ge @!p0 [sflag:s0], s1  }
0x2e4: {  	s1 =	ssub.s32 @!p0 $0x0, s1;
	[sflag:s0] =	ssyncset.done @!p0 $0x0  }
0x2e5: {  	[sflag:s0] =	ssyncadd.s32 @!p0 s1  }
0x2e6: {  	[bflag:$0x3] =	sbarrier.arrive $0xFFFF  }
0x2e7: {  	_ =	shalt  }

</sc_bundles>
